<compile_context>
chip_gen: v7x
topology: tpu7x:2x2x1
jax: 0.10.2.dev20260603
libtpu: 0.0.44.dev20260713+nightly
codegen_flags: <defaults>
</compile_context>

<pallas_src>
import functools

import jax
import jax.numpy as jnp
from jax import lax
from jax.experimental import pallas as pl
from jax.experimental.pallas import tpu as pltpu
from jax.experimental.pallas import tpu_sc as plsc

N = 10000
E = 320000
D = 128
H = 128
L = 3
OUT = 8
G = 64

NC = 2
NS = 16
NW = NC * NS
K = 128
CHT = 80
E_PAD = NW * CHT * K
NP = 10112
RPT = NP // NS
DEG_W = 128

_mesh = plsc.VectorSubcoreMesh(core_axis_name="c", subcore_axis_name="s")



NB = 2
HC = 40
CH0 = 120
CH1 = 40


@functools.partial(
    pl.kernel,
    out_type=jax.ShapeDtypeStruct((NC * NP, DEG_W), jnp.float32),
    mesh=_mesh,
    scratch_types=[
        pltpu.VMEM((CHT, K), jnp.int32),
        pltpu.VMEM((K, DEG_W), jnp.float32),
        pltpu.VMEM_SHARED((NP, DEG_W), jnp.float32),
    ],
)
def _sc_deg(dst_hbm, zeros_hbm, ones_hbm, out_hbm, dst_v, ones_v, acc_sh):
    c = lax.axis_index("c")
    s = lax.axis_index("s")
    wid = c * NS + s
    row0 = s * RPT
    pltpu.sync_copy(zeros_hbm.at[pl.ds(row0, RPT)], acc_sh.at[pl.ds(row0, RPT)])
    pltpu.sync_copy(ones_hbm, ones_v)
    pltpu.sync_copy(dst_hbm.at[pl.ds(wid * CHT, CHT)], dst_v)
    plsc.subcore_barrier()

    def body(i, carry):
        pltpu.sync_copy(ones_v, acc_sh.at[dst_v.at[i]], add=True)
        return carry

    lax.fori_loop(0, CHT, body, 0)
    plsc.subcore_barrier()
    pltpu.sync_copy(acc_sh.at[pl.ds(row0, RPT)],
                    out_hbm.at[pl.ds(c * NP + row0, RPT)])


@functools.partial(
    pl.kernel,
    out_type=jax.ShapeDtypeStruct((NC * NP, H), jnp.float32),
    mesh=_mesh,
    scratch_types=[
        pltpu.VMEM((HC, K), jnp.int32),
        pltpu.VMEM((HC, K), jnp.int32),
        pltpu.VMEM((NB, K, H), jnp.float32),
        pltpu.VMEM_SHARED((NP, H), jnp.float32),
        [pltpu.SemaphoreType.DMA] * NB,
        [pltpu.SemaphoreType.DMA] * NB,
    ],
)
def _sc_prop(y_hbm, src_hbm, dst_hbm, zeros_hbm, out_hbm,
             src_v, dst_v, rows_v, acc_sh, semg, sems):
    c = lax.axis_index("c")
    s = lax.axis_index("s")
    row0 = s * RPT
    pltpu.sync_copy(zeros_hbm.at[pl.ds(row0, RPT)], acc_sh.at[pl.ds(row0, RPT)])
    plsc.subcore_barrier()

    ch = jnp.where(c == 0, CH0, CH1)
    tile_base = c * NS * CH0 + s * ch

    def stage_body(st, carry):
        base = tile_base + st * HC
        pltpu.sync_copy(src_hbm.at[pl.ds(base, HC)], src_v)
        pltpu.sync_copy(dst_hbm.at[pl.ds(base, HC)], dst_v)
        pltpu.async_copy(y_hbm.at[src_v.at[0]], rows_v.at[0], semg[0])

        def body(k, carry2):
            for ph in range(NB):
                j = k * NB + ph
                b = ph
                bb = 1 - ph
                pltpu.make_async_copy(y_hbm.at[src_v.at[j]], rows_v.at[b],
                                      semg[b]).wait()

                @pl.when(j < HC - 1)
                def _():
                    pltpu.async_copy(y_hbm.at[src_v.at[j + 1]],
                                     rows_v.at[bb], semg[bb])

                pltpu.sync_copy(rows_v.at[b], acc_sh.at[dst_v.at[j]],
                                add=True)
            return carry2

        lax.fori_loop(0, HC // NB, body, 0)
        return carry

    lax.fori_loop(0, ch // HC, stage_body, 0)
    plsc.subcore_barrier()
    pltpu.sync_copy(acc_sh.at[pl.ds(row0, RPT)],
                    out_hbm.at[pl.ds(c * NP + row0, RPT)])



def _dis_col(deg_ref):
    deg = deg_ref[0:N, 0:1] + deg_ref[NP:NP + N, 0:1] + 1.0
    return lax.rsqrt(deg)


def _tc_y0_body(deg_ref, x_ref, w_ref, y_ref):
    dis = _dis_col(deg_ref)
    y_ref[...] = jnp.dot(x_ref[...], w_ref[...],
                         preferred_element_type=jnp.float32) * dis


def _bn_relu(s_ref, y_ref, deg_ref, b_ref, g_ref, be_ref):
    dis = _dis_col(deg_ref)
    ssum = s_ref[0:N, :] + s_ref[NP:NP + N, :]
    v = dis * (ssum + y_ref[...]) + b_ref[...]
    mu = jnp.mean(v, axis=0, keepdims=True)
    var = jnp.mean((v - mu) ** 2, axis=0, keepdims=True)
    hn = g_ref[...] * (v - mu) * lax.rsqrt(var + 1e-5) + be_ref[...]
    return jnp.maximum(hn, 0.0), dis


def _tc_layer_body(s_ref, y_ref, deg_ref, b_ref, g_ref, be_ref, wn_ref,
                   h_ref, yn_ref):
    h, dis = _bn_relu(s_ref, y_ref, deg_ref, b_ref, g_ref, be_ref)
    h_ref[...] = h
    yn_ref[...] = jnp.dot(h, wn_ref[...],
                          preferred_element_type=jnp.float32) * dis


def _tc_bn_body(s_ref, y_ref, deg_ref, b_ref, g_ref, be_ref, h_ref):
    h, _ = _bn_relu(s_ref, y_ref, deg_ref, b_ref, g_ref, be_ref)
    h_ref[...] = h


def _tc_head_body(h0_ref, h1_ref, h2_ref, batch_ref, w1_ref, b1_ref,
                  w2_ref, b2_ref, out_ref):
    gidx = lax.broadcasted_iota(jnp.int32, (G, N), 0)
    m = (gidx == batch_ref[...]).astype(jnp.float32)
    cnt = jnp.sum(m, axis=1, keepdims=True)
    inv = 1.0 / jnp.maximum(cnt, 1.0)
    p = jnp.concatenate(
        [jnp.dot(m, h0_ref[...], preferred_element_type=jnp.float32),
         jnp.dot(m, h1_ref[...], preferred_element_type=jnp.float32),
         jnp.dot(m, h2_ref[...], preferred_element_type=jnp.float32)],
        axis=1) * inv
    a1 = jnp.maximum(
        jnp.dot(p, w1_ref[...], preferred_element_type=jnp.float32)
        + b1_ref[...], 0.0)
    a2 = (jnp.dot(a1, w2_ref[...], preferred_element_type=jnp.float32)
          + b2_ref[...])
    e = a2 - jnp.max(a2, axis=1, keepdims=True)
    out_ref[...] = e - jnp.log(jnp.sum(jnp.exp(e), axis=1, keepdims=True))


_f32 = jnp.float32

_tc_y0 = pl.pallas_call(
    _tc_y0_body, out_shape=jax.ShapeDtypeStruct((N, H), _f32))

_tc_layer = pl.pallas_call(
    _tc_layer_body,
    out_shape=(jax.ShapeDtypeStruct((N, H), _f32),
               jax.ShapeDtypeStruct((N, H), _f32)))

_tc_bn = pl.pallas_call(
    _tc_bn_body, out_shape=jax.ShapeDtypeStruct((N, H), _f32))

_tc_head = pl.pallas_call(
    _tc_head_body, out_shape=jax.ShapeDtypeStruct((G, OUT), _f32))



def _blockdiag(w0, w1):
    hp = w0.shape[0]
    z = jnp.zeros((hp, w1.shape[1]), _f32)
    top = jnp.concatenate([w0, z], axis=1)
    bot = jnp.concatenate([jnp.zeros((w1.shape[0], w0.shape[1]), _f32), w1],
                          axis=1)
    return jnp.concatenate([top, bot], axis=0)


def kernel(x, edge_index, batch, params):
    src = edge_index[0].astype(jnp.int32)
    dst = edge_index[1].astype(jnp.int32)
    pad = E_PAD - E
    src2d = jnp.concatenate(
        [src, jnp.zeros((pad,), jnp.int32)]).reshape(NW * CHT, K)
    dst2d = jnp.concatenate(
        [dst, jnp.full((pad,), N, jnp.int32)]).reshape(NW * CHT, K)

    zeros_deg = jnp.zeros((NP, DEG_W), _f32)
    ones_deg = jnp.ones((K, DEG_W), _f32)
    zeros_acc = jnp.zeros((NP, H), _f32)

    w = [_blockdiag(params[f"W_{l}_0"], params[f"W_{l}_1"]) for l in range(L)]
    b = [jnp.concatenate([params[f"b_{l}_0"],
                          params[f"b_{l}_1"]]).reshape(1, H) for l in range(L)]
    g = [params[f"gamma_{l}"].reshape(1, H) for l in range(L)]
    be = [params[f"beta_{l}"].reshape(1, H) for l in range(L)]

    deg = _sc_deg(dst2d, zeros_deg, ones_deg)
    y0 = _tc_y0(deg, x, w[0])
    s0 = _sc_prop(y0, src2d, dst2d, zeros_acc)
    h0, y1 = _tc_layer(s0, y0, deg, b[0], g[0], be[0], w[1])
    s1 = _sc_prop(y1, src2d, dst2d, zeros_acc)
    h1, y2 = _tc_layer(s1, y1, deg, b[1], g[1], be[1], w[2])
    s2 = _sc_prop(y2, src2d, dst2d, zeros_acc)
    h2 = _tc_bn(s2, y2, deg, b[2], g[2], be[2])

    return _tc_head(h0, h1, h2, batch.astype(jnp.int32).reshape(1, N),
                    params["fc1_W"], params["fc1_b"].reshape(1, H),
                    params["fc2_W"], params["fc2_b"].reshape(1, OUT))

# --- scband reference (transcript-rebuilt; emitter-appended) ---
"""Pipeline reference for scband-gcn-jk-eeg-54202487275903 (READ-ONLY COPY).

The authoritative reference and input builder live on the scoring server;
editing this copy changes nothing except your own understanding.
"""

import jax, jax.numpy as jnp
import numpy as np

N = 10000; E = 320000; D = 128; H = 128; P = 2; L = 3; OUT = 8; G = 64
PD = D // P; HP = H // P


def setup_inputs(seed: int = 0) -> dict:
    key = jax.random.key(seed)
    ks = iter(jax.random.split(key, 40))
    x = jax.random.normal(next(ks), (N, D), dtype=jnp.float32)
    edge_index = jax.random.randint(next(ks), (2, E), 0, N, dtype=jnp.int32)
    batch = jnp.sort(jax.random.randint(next(ks), (N,), 0, G, dtype=jnp.int32))
    params = {}
    for l in range(L):
        for p in range(P):
            fin = PD if l == 0 else HP
            params[f"W_{l}_{p}"] = jax.random.normal(next(ks), (fin, HP), dtype=jnp.float32) / np.sqrt(fin)
            params[f"b_{l}_{p}"] = jnp.zeros((HP,), dtype=jnp.float32)
        params[f"gamma_{l}"] = jnp.ones((H,), dtype=jnp.float32)
        params[f"beta_{l}"] = jnp.zeros((H,), dtype=jnp.float32)
    params["fc1_W"] = jax.random.normal(next(ks), (H * L, H), dtype=jnp.float32) / np.sqrt(H * L)
    params["fc1_b"] = jnp.zeros((H,), dtype=jnp.float32)
    params["fc2_W"] = jax.random.normal(next(ks), (H, OUT), dtype=jnp.float32) / np.sqrt(H)
    params["fc2_b"] = jnp.zeros((OUT,), dtype=jnp.float32)
    return {"x": x, "edge_index": edge_index, "batch": batch, "params": params}


def _gcn_conv(x, W, b, src, dst):
    # PyG-style GCNConv: add self-loops, symmetric normalization, linear transform, scatter-add
    n = x.shape[0]
    xw = x @ W
    loop = jnp.arange(n, dtype=src.dtype)
    s = jnp.concatenate([src, loop])
    d = jnp.concatenate([dst, loop])
    deg = jnp.zeros((n,), jnp.float32).at[d].add(1.0)
    dis = jnp.where(deg > 0, deg ** -0.5, 0.0)
    norm = dis[s] * dis[d]
    out = jnp.zeros((n, xw.shape[1]), jnp.float32).at[d].add(xw[s] * norm[:, None])
    return out + b


def _bn(x, gamma, beta):
    mu = jnp.mean(x, axis=0)
    var = jnp.var(x, axis=0)
    return gamma * (x - mu) / jnp.sqrt(var + 1e-5) + beta


def _forward(x, params, src, dst, batch):
    outs = []
    h = x
    for l in range(L):
        parts = jnp.split(h, P, axis=-1)
        h = jnp.concatenate(
            [_gcn_conv(parts[p], params[f"W_{l}_{p}"], params[f"b_{l}_{p}"], src, dst) for p in range(P)],
            axis=-1,
        )
        h = _bn(h, params[f"gamma_{l}"], params[f"beta_{l}"])
        h = jax.nn.relu(h)
        outs.append(h)
    h = jnp.concatenate(outs, axis=-1)  # JumpingKnowledge cat
    sums = jnp.zeros((G, h.shape[1]), jnp.float32).at[batch].add(h)
    cnts = jnp.zeros((G,), jnp.float32).at[batch].add(1.0)
    pooled = sums / jnp.maximum(cnts, 1.0)[:, None]  # global_mean_pool
    h = jax.nn.relu(pooled @ params["fc1_W"] + params["fc1_b"])
    h = h @ params["fc2_W"] + params["fc2_b"]
    return jax.nn.log_softmax(h, axis=-1)


def reference(x, edge_index, batch, params):
    return _forward(x, params, edge_index[0], edge_index[1], batch)

if __name__ == "__main__":
    import jax
    _d = setup_inputs()
    print(jax.jit(kernel)(*tuple(_d.values())))

</pallas_src>

<mosaic_0001>
#map = affine_map<(d0, d1) -> (0, 0)>
module attributes {stable_mosaic.version = 14 : i64} {
  func.func @_sc_deg(%arg0: i32, %arg1: i32, %arg2: memref<2560x128xi32, #tpu.memory_space<hbm>>, %arg3: memref<10112x128xf32, #tpu.memory_space<hbm>>, %arg4: memref<128x128xf32, #tpu.memory_space<hbm>>, %arg5: memref<20224x128xf32, #tpu.memory_space<hbm>>, %arg6: memref<80x128xi32, #tpu.memory_space<vmem>>, %arg7: memref<128x128xf32, #tpu.memory_space<vmem>>, %arg8: memref<10112x128xf32, #tpu.memory_space<vmem_shared>>) attributes {dimension_semantics = [#tpu.dimension_semantics<core_parallel>, #tpu.dimension_semantics<subcore_parallel>], iteration_bounds = array<i64: 2, 16>, scalar_prefetch = 0 : i64, scratch_operands = 3 : i64, tpu.core_type = #tpu.core_type<sc_vector_subcore>, window_params = [{transform_indices = #map}, {transform_indices = #map}, {transform_indices = #map}, {transform_indices = #map}]} {
    %mul3A = arith.constant 16 : i32
    %mul3A_0 = arith.muli %arg0, %mul3A : i32
    %add3A = arith.addi %mul3A_0, %arg1 : i32
    %mul3A_1 = arith.constant 632 : i32
    %mul3A_2 = arith.muli %arg1, %mul3A_1 : i32
    "tpu.region"() ({
      %run_scoped3A = tpu.sem_alloc : memref<!tpu.dma_semaphore, #tpu.memory_space<semaphore_mem>>
      %dma_start3A = arith.constant 0 : i32
      %dma_start3A_14 = tpu.memref_slice %arg8[%mul3A_2, %dma_start3A] : memref<10112x128xf32, #tpu.memory_space<vmem_shared>> -> memref<632x128xf32, #tpu.memory_space<vmem_shared>>
      %dma_start3A_15 = arith.constant 0 : i32
      %dma_start3A_16 = tpu.memref_slice %arg3[%mul3A_2, %dma_start3A_15] : memref<10112x128xf32, #tpu.memory_space<hbm>> -> memref<632x128xf32, #tpu.memory_space<hbm>>
      tpu.enqueue_dma source(%dma_start3A_16 : memref<632x128xf32, #tpu.memory_space<hbm>>) target(%dma_start3A_14 : memref<632x128xf32, #tpu.memory_space<vmem_shared>>) target_semaphore(%run_scoped3A : memref<!tpu.dma_semaphore, #tpu.memory_space<semaphore_mem>>)
      %dma_wait3A = arith.constant 0 : i32
      %dma_wait3A_17 = tpu.memref_slice %arg8[%mul3A_2, %dma_wait3A] : memref<10112x128xf32, #tpu.memory_space<vmem_shared>> -> memref<632x128xf32, #tpu.memory_space<vmem_shared>>
      %dma_wait3A_18 = arith.constant 0 : i32
      %dma_wait3A_19 = tpu.memref_slice %arg3[%mul3A_2, %dma_wait3A_18] : memref<10112x128xf32, #tpu.memory_space<hbm>> -> memref<632x128xf32, #tpu.memory_space<hbm>>
      tpu.wait_dma2 semaphore(%run_scoped3A : memref<!tpu.dma_semaphore, #tpu.memory_space<semaphore_mem>>) src(%dma_wait3A_19 : memref<632x128xf32, #tpu.memory_space<hbm>>) dst(%dma_wait3A_17 : memref<632x128xf32, #tpu.memory_space<vmem_shared>>)
      tpu.yield
    }) : () -> ()
    "tpu.region"() ({
      %run_scoped3A = tpu.sem_alloc : memref<!tpu.dma_semaphore, #tpu.memory_space<semaphore_mem>>
      tpu.enqueue_dma source(%arg4 : memref<128x128xf32, #tpu.memory_space<hbm>>) target(%arg7 : memref<128x128xf32, #tpu.memory_space<vmem>>) target_semaphore(%run_scoped3A : memref<!tpu.dma_semaphore, #tpu.memory_space<semaphore_mem>>)
      tpu.wait_dma2 semaphore(%run_scoped3A : memref<!tpu.dma_semaphore, #tpu.memory_space<semaphore_mem>>) src(%arg4 : memref<128x128xf32, #tpu.memory_space<hbm>>) dst(%arg7 : memref<128x128xf32, #tpu.memory_space<vmem>>)
      tpu.yield
    }) : () -> ()
    %mul3A_3 = arith.constant 80 : i32
    %mul3A_4 = arith.muli %add3A, %mul3A_3 : i32
    "tpu.region"() ({
      %run_scoped3A = tpu.sem_alloc : memref<!tpu.dma_semaphore, #tpu.memory_space<semaphore_mem>>
      %dma_start3A = arith.constant 0 : i32
      %dma_start3A_14 = tpu.memref_slice %arg2[%mul3A_4, %dma_start3A] : memref<2560x128xi32, #tpu.memory_space<hbm>> -> memref<80x128xi32, #tpu.memory_space<hbm>>
      %dma_start3A_15 = arith.constant 0 : i32
      %dma_start3A_16 = tpu.memref_slice %arg2[%mul3A_4, %dma_start3A_15] : memref<2560x128xi32, #tpu.memory_space<hbm>> -> memref<80x128xi32, #tpu.memory_space<hbm>>
      tpu.enqueue_dma source(%dma_start3A_16 : memref<80x128xi32, #tpu.memory_space<hbm>>) target(%arg6 : memref<80x128xi32, #tpu.memory_space<vmem>>) target_semaphore(%run_scoped3A : memref<!tpu.dma_semaphore, #tpu.memory_space<semaphore_mem>>)
      %dma_wait3A = arith.constant 0 : i32
      %dma_wait3A_17 = tpu.memref_slice %arg2[%mul3A_4, %dma_wait3A] : memref<2560x128xi32, #tpu.memory_space<hbm>> -> memref<80x128xi32, #tpu.memory_space<hbm>>
      %dma_wait3A_18 = arith.constant 0 : i32
      %dma_wait3A_19 = tpu.memref_slice %arg2[%mul3A_4, %dma_wait3A_18] : memref<2560x128xi32, #tpu.memory_space<hbm>> -> memref<80x128xi32, #tpu.memory_space<hbm>>
      tpu.wait_dma2 semaphore(%run_scoped3A : memref<!tpu.dma_semaphore, #tpu.memory_space<semaphore_mem>>) src(%dma_wait3A_19 : memref<80x128xi32, #tpu.memory_space<hbm>>) dst(%arg6 : memref<80x128xi32, #tpu.memory_space<vmem>>)
      tpu.yield
    }) : () -> ()
    %barrier3A = arith.constant 0 : index
    tpu.barrier barrier_id(%barrier3A)
    %scan3A = arith.constant 0 : i32
    %scan3A_5 = arith.constant 0 : i32
    %scan3A_6 = arith.constant 80 : i32
    %scan3A_7 = arith.addi %scan3A_5, %scan3A_6 : i32
    %scan3A_8 = arith.constant 1 : i32
    scf.for %scan3A_14 = %scan3A_5 to %scan3A_7 step %scan3A_8  : i32 {
      "tpu.region"() ({
        %run_scoped3A = tpu.sem_alloc : memref<!tpu.dma_semaphore, #tpu.memory_space<semaphore_mem>>
        %dma_start3A = arith.constant 0 : i32
        %dma_start3A_15 = tpu.memref_slice %arg6[%scan3A_14, %dma_start3A] : memref<80x128xi32, #tpu.memory_space<vmem>> -> memref<1x128xi32, #tpu.memory_space<vmem>>
        %dma_start3A_16 = tpu.memref_squeeze %dma_start3A_15 : memref<1x128xi32, #tpu.memory_space<vmem>> -> memref<128xi32, #tpu.memory_space<vmem>>
        %dma_start3A_17 = arith.constant 0 : i32
        %dma_start3A_18 = arith.constant 0 : i32
        %dma_start3A_19 = tpu.memref_slice %arg8[%dma_start3A_17, %dma_start3A_18] : memref<10112x128xf32, #tpu.memory_space<vmem_shared>> -> memref<10112x128xf32, #tpu.memory_space<vmem_shared>>
        tpu.enqueue_indirect_dma source(%arg7 : memref<128x128xf32, #tpu.memory_space<vmem>>) target(%dma_start3A_19 : memref<10112x128xf32, #tpu.memory_space<vmem_shared>>) offsets(%dma_start3A_16 : memref<128xi32, #tpu.memory_space<vmem>>) semaphore(%run_scoped3A : memref<!tpu.dma_semaphore, #tpu.memory_space<semaphore_mem>>) {add = true}
        %dma_wait3A = arith.constant 0 : i32
        %dma_wait3A_20 = tpu.memref_slice %arg6[%scan3A_14, %dma_wait3A] : memref<80x128xi32, #tpu.memory_space<vmem>> -> memref<1x128xi32, #tpu.memory_space<vmem>>
        %dma_wait3A_21 = tpu.memref_squeeze %dma_wait3A_20 : memref<1x128xi32, #tpu.memory_space<vmem>> -> memref<128xi32, #tpu.memory_space<vmem>>
        %dma_wait3A_22 = arith.constant 0 : i32
        %dma_wait3A_23 = arith.constant 0 : i32
        %dma_wait3A_24 = tpu.memref_slice %arg8[%dma_wait3A_22, %dma_wait3A_23] : memref<10112x128xf32, #tpu.memory_space<vmem_shared>> -> memref<10112x128xf32, #tpu.memory_space<vmem_shared>>
        tpu.wait_indirect_dma semaphore(%run_scoped3A : memref<!tpu.dma_semaphore, #tpu.memory_space<semaphore_mem>>) src(%arg7 : memref<128x128xf32, #tpu.memory_space<vmem>>) dst(%dma_wait3A_24 : memref<10112x128xf32, #tpu.memory_space<vmem_shared>>)
        tpu.yield
      }) : () -> ()
    }
    %scan3A_9 = arith.constant 80 : i32
    %barrier3A_10 = arith.constant 0 : index
    tpu.barrier barrier_id(%barrier3A_10)
    %mul3A_11 = arith.constant 10112 : i32
    %mul3A_12 = arith.muli %arg0, %mul3A_11 : i32
    %add3A_13 = arith.addi %mul3A_12, %mul3A_2 : i32
    "tpu.region"() ({
      %run_scoped3A = tpu.sem_alloc : memref<!tpu.dma_semaphore, #tpu.memory_space<semaphore_mem>>
      %dma_start3A = arith.constant 0 : i32
      %dma_start3A_14 = tpu.memref_slice %arg5[%add3A_13, %dma_start3A] : memref<20224x128xf32, #tpu.memory_space<hbm>> -> memref<632x128xf32, #tpu.memory_space<hbm>>
      %dma_start3A_15 = arith.constant 0 : i32
      %dma_start3A_16 = tpu.memref_slice %arg8[%mul3A_2, %dma_start3A_15] : memref<10112x128xf32, #tpu.memory_space<vmem_shared>> -> memref<632x128xf32, #tpu.memory_space<vmem_shared>>
      tpu.enqueue_dma source(%dma_start3A_16 : memref<632x128xf32, #tpu.memory_space<vmem_shared>>) target(%dma_start3A_14 : memref<632x128xf32, #tpu.memory_space<hbm>>) target_semaphore(%run_scoped3A : memref<!tpu.dma_semaphore, #tpu.memory_space<semaphore_mem>>)
      %dma_wait3A = arith.constant 0 : i32
      %dma_wait3A_17 = tpu.memref_slice %arg5[%add3A_13, %dma_wait3A] : memref<20224x128xf32, #tpu.memory_space<hbm>> -> memref<632x128xf32, #tpu.memory_space<hbm>>
      %dma_wait3A_18 = arith.constant 0 : i32
      %dma_wait3A_19 = tpu.memref_slice %arg8[%mul3A_2, %dma_wait3A_18] : memref<10112x128xf32, #tpu.memory_space<vmem_shared>> -> memref<632x128xf32, #tpu.memory_space<vmem_shared>>
      tpu.wait_dma2 semaphore(%run_scoped3A : memref<!tpu.dma_semaphore, #tpu.memory_space<semaphore_mem>>) src(%dma_wait3A_19 : memref<632x128xf32, #tpu.memory_space<vmem_shared>>) dst(%dma_wait3A_17 : memref<632x128xf32, #tpu.memory_space<hbm>>)
      tpu.yield
    }) : () -> ()
    return
  }
}

#map = affine_map<(d0, d1) -> (0, 0)>
module attributes {stable_mosaic.version = 14 : i64} {
  func.func @_sc_prop(%arg0: i32, %arg1: i32, %arg2: memref<10000x128xf32, #tpu.memory_space<hbm>>, %arg3: memref<2560x128xi32, #tpu.memory_space<hbm>>, %arg4: memref<2560x128xi32, #tpu.memory_space<hbm>>, %arg5: memref<10112x128xf32, #tpu.memory_space<hbm>>, %arg6: memref<20224x128xf32, #tpu.memory_space<hbm>>, %arg7: memref<40x128xi32, #tpu.memory_space<vmem>>, %arg8: memref<40x128xi32, #tpu.memory_space<vmem>>, %arg9: memref<2x128x128xf32, #tpu.memory_space<vmem>>, %arg10: memref<10112x128xf32, #tpu.memory_space<vmem_shared>>, %arg11: memref<!tpu.dma_semaphore, #tpu.memory_space<semaphore_mem>>, %arg12: memref<!tpu.dma_semaphore, #tpu.memory_space<semaphore_mem>>, %arg13: memref<!tpu.dma_semaphore, #tpu.memory_space<semaphore_mem>>, %arg14: memref<!tpu.dma_semaphore, #tpu.memory_space<semaphore_mem>>) attributes {dimension_semantics = [#tpu.dimension_semantics<core_parallel>, #tpu.dimension_semantics<subcore_parallel>], iteration_bounds = array<i64: 2, 16>, scalar_prefetch = 0 : i64, scratch_operands = 8 : i64, tpu.core_type = #tpu.core_type<sc_vector_subcore>, window_params = [{transform_indices = #map}, {transform_indices = #map}, {transform_indices = #map}, {transform_indices = #map}, {transform_indices = #map}]} {
    %mul3A = arith.constant 632 : i32
    %mul3A_0 = arith.muli %arg1, %mul3A : i32
    "tpu.region"() ({
      %run_scoped3A = tpu.sem_alloc : memref<!tpu.dma_semaphore, #tpu.memory_space<semaphore_mem>>
      %dma_start3A = arith.constant 0 : i32
      %dma_start3A_39 = tpu.memref_slice %arg10[%mul3A_0, %dma_start3A] : memref<10112x128xf32, #tpu.memory_space<vmem_shared>> -> memref<632x128xf32, #tpu.memory_space<vmem_shared>>
      %dma_start3A_40 = arith.constant 0 : i32
      %dma_start3A_41 = tpu.memref_slice %arg5[%mul3A_0, %dma_start3A_40] : memref<10112x128xf32, #tpu.memory_space<hbm>> -> memref<632x128xf32, #tpu.memory_space<hbm>>
      tpu.enqueue_dma source(%dma_start3A_41 : memref<632x128xf32, #tpu.memory_space<hbm>>) target(%dma_start3A_39 : memref<632x128xf32, #tpu.memory_space<vmem_shared>>) target_semaphore(%run_scoped3A : memref<!tpu.dma_semaphore, #tpu.memory_space<semaphore_mem>>)
      %dma_wait3A = arith.constant 0 : i32
      %dma_wait3A_42 = tpu.memref_slice %arg10[%mul3A_0, %dma_wait3A] : memref<10112x128xf32, #tpu.memory_space<vmem_shared>> -> memref<632x128xf32, #tpu.memory_space<vmem_shared>>
      %dma_wait3A_43 = arith.constant 0 : i32
      %dma_wait3A_44 = tpu.memref_slice %arg5[%mul3A_0, %dma_wait3A_43] : memref<10112x128xf32, #tpu.memory_space<hbm>> -> memref<632x128xf32, #tpu.memory_space<hbm>>
      tpu.wait_dma2 semaphore(%run_scoped3A : memref<!tpu.dma_semaphore, #tpu.memory_space<semaphore_mem>>) src(%dma_wait3A_44 : memref<632x128xf32, #tpu.memory_space<hbm>>) dst(%dma_wait3A_42 : memref<632x128xf32, #tpu.memory_space<vmem_shared>>)
      tpu.yield
    }) : () -> ()
    %barrier3A = arith.constant 0 : index
    tpu.barrier barrier_id(%barrier3A)
    %eq3A = arith.constant 0 : i32
    %eq3A_1 = arith.cmpi eq, %arg0, %eq3A : i32
    %jit3A = arith.constant 120 : i32
    %jit3A_2 = arith.constant 40 : i32
    %select_n3A = arith.select %eq3A_1, %jit3A, %jit3A_2 : i32
    %mul3A_3 = arith.constant 16 : i32
    %mul3A_4 = arith.muli %arg0, %mul3A_3 : i32
    %mul3A_5 = arith.constant 120 : i32
    %mul3A_6 = arith.muli %mul3A_4, %mul3A_5 : i32
    %mul3A_7 = arith.muli %arg1, %select_n3A : i32
    %add3A = arith.addi %mul3A_6, %mul3A_7 : i32
    %jit3A_8 = arith.constant 40 : i32
    %div3A = arith.divsi %select_n3A, %jit3A_8 : i32
    %sign3A = arith.constant 0 : i32
    %sign3A_9 = arith.cmpi sgt, %select_n3A, %sign3A : i32
    %sign3A_10 = arith.extui %sign3A_9 : i1 to i32
    %sign3A_11 = arith.constant 0 : i32
    %sign3A_12 = arith.cmpi slt, %select_n3A, %sign3A_11 : i32
    %sign3A_13 = arith.extui %sign3A_12 : i1 to i32
    %sign3A_14 = arith.subi %sign3A_10, %sign3A_13 : i32
    %sign3A_15 = arith.constant 0 : i32
    %sign3A_16 = arith.cmpi sgt, %jit3A_8, %sign3A_15 : i32
    %sign3A_17 = arith.extui %sign3A_16 : i1 to i32
    %sign3A_18 = arith.constant 0 : i32
    %sign3A_19 = arith.cmpi slt, %jit3A_8, %sign3A_18 : i32
    %sign3A_20 = arith.extui %sign3A_19 : i1 to i32
    %sign3A_21 = arith.subi %sign3A_17, %sign3A_20 : i32
    %ne3A = arith.cmpi ne, %sign3A_14, %sign3A_21 : i32
    %rem3A = arith.remsi %select_n3A, %jit3A_8 : i32
    %ne3A_22 = arith.constant 0 : i32
    %ne3A_23 = arith.cmpi ne, %rem3A, %ne3A_22 : i32
    %and3A = arith.andi %ne3A, %ne3A_23 : i1
    %sub3A = arith.constant 1 : i32
    %sub3A_24 = arith.subi %div3A, %sub3A : i32
    %select_n3A_25 = arith.select %and3A, %sub3A_24, %div3A : i32
    %while3A = arith.constant 0 : i32
    %while3A_26 = arith.constant 0 : i32
    %while3A_27 = arith.subi %select_n3A_25, %while3A_26 : i32
    %while3A_28 = arith.addi %while3A_26, %while3A_27 : i32
    %while3A_29 = arith.constant 1 : i32
    %while3A_30 = arith.divsi %while3A_27, %while3A_29 : i32
    %while3A_31 = arith.muli %while3A_30, %while3A_29 : i32
    %while3A_32 = arith.addi %while3A_26, %while3A_31 : i32
    %while3A_33 = arith.constant 1 : i32
    scf.for %while3A_39 = %while3A_26 to %while3A_32 step %while3A_33  : i32 {
      %mul3A_40 = arith.constant 40 : i32
      %mul3A_41 = arith.muli %while3A_39, %mul3A_40 : i32
      %add3A_42 = arith.addi %add3A, %mul3A_41 : i32
      "tpu.region"() ({
        %run_scoped3A = tpu.sem_alloc : memref<!tpu.dma_semaphore, #tpu.memory_space<semaphore_mem>>
        %dma_start3A_59 = arith.constant 0 : i32
        %dma_start3A_60 = tpu.memref_slice %arg3[%add3A_42, %dma_start3A_59] : memref<2560x128xi32, #tpu.memory_space<hbm>> -> memref<40x128xi32, #tpu.memory_space<hbm>>
        %dma_start3A_61 = arith.constant 0 : i32
        %dma_start3A_62 = tpu.memref_slice %arg3[%add3A_42, %dma_start3A_61] : memref<2560x128xi32, #tpu.memory_space<hbm>> -> memref<40x128xi32, #tpu.memory_space<hbm>>
        tpu.enqueue_dma source(%dma_start3A_62 : memref<40x128xi32, #tpu.memory_space<hbm>>) target(%arg7 : memref<40x128xi32, #tpu.memory_space<vmem>>) target_semaphore(%run_scoped3A : memref<!tpu.dma_semaphore, #tpu.memory_space<semaphore_mem>>)
        %dma_wait3A = arith.constant 0 : i32
        %dma_wait3A_63 = tpu.memref_slice %arg3[%add3A_42, %dma_wait3A] : memref<2560x128xi32, #tpu.memory_space<hbm>> -> memref<40x128xi32, #tpu.memory_space<hbm>>
        %dma_wait3A_64 = arith.constant 0 : i32
        %dma_wait3A_65 = tpu.memref_slice %arg3[%add3A_42, %dma_wait3A_64] : memref<2560x128xi32, #tpu.memory_space<hbm>> -> memref<40x128xi32, #tpu.memory_space<hbm>>
        tpu.wait_dma2 semaphore(%run_scoped3A : memref<!tpu.dma_semaphore, #tpu.memory_space<semaphore_mem>>) src(%dma_wait3A_65 : memref<40x128xi32, #tpu.memory_space<hbm>>) dst(%arg7 : memref<40x128xi32, #tpu.memory_space<vmem>>)
        tpu.yield
      }) : () -> ()
      "tpu.region"() ({
        %run_scoped3A = tpu.sem_alloc : memref<!tpu.dma_semaphore, #tpu.memory_space<semaphore_mem>>
        %dma_start3A_59 = arith.constant 0 : i32
        %dma_start3A_60 = tpu.memref_slice %arg4[%add3A_42, %dma_start3A_59] : memref<2560x128xi32, #tpu.memory_space<hbm>> -> memref<40x128xi32, #tpu.memory_space<hbm>>
        %dma_start3A_61 = arith.constant 0 : i32
        %dma_start3A_62 = tpu.memref_slice %arg4[%add3A_42, %dma_start3A_61] : memref<2560x128xi32, #tpu.memory_space<hbm>> -> memref<40x128xi32, #tpu.memory_space<hbm>>
        tpu.enqueue_dma source(%dma_start3A_62 : memref<40x128xi32, #tpu.memory_space<hbm>>) target(%arg8 : memref<40x128xi32, #tpu.memory_space<vmem>>) target_semaphore(%run_scoped3A : memref<!tpu.dma_semaphore, #tpu.memory_space<semaphore_mem>>)
        %dma_wait3A = arith.constant 0 : i32
        %dma_wait3A_63 = tpu.memref_slice %arg4[%add3A_42, %dma_wait3A] : memref<2560x128xi32, #tpu.memory_space<hbm>> -> memref<40x128xi32, #tpu.memory_space<hbm>>
        %dma_wait3A_64 = arith.constant 0 : i32
        %dma_wait3A_65 = tpu.memref_slice %arg4[%add3A_42, %dma_wait3A_64] : memref<2560x128xi32, #tpu.memory_space<hbm>> -> memref<40x128xi32, #tpu.memory_space<hbm>>
        tpu.wait_dma2 semaphore(%run_scoped3A : memref<!tpu.dma_semaphore, #tpu.memory_space<semaphore_mem>>) src(%dma_wait3A_65 : memref<40x128xi32, #tpu.memory_space<hbm>>) dst(%arg8 : memref<40x128xi32, #tpu.memory_space<vmem>>)
        tpu.yield
      }) : () -> ()
      %dma_start3A = arith.constant 0 : i32
      %dma_start3A_43 = arith.constant 0 : i32
      %dma_start3A_44 = arith.constant 0 : i32
      %dma_start3A_45 = arith.constant 0 : i32
      %dma_start3A_46 = tpu.memref_slice %arg9[%dma_start3A_43, %dma_start3A_44, %dma_start3A_45] : memref<2x128x128xf32, #tpu.memory_space<vmem>> -> memref<1x128x128xf32, #tpu.memory_space<vmem>>
      %dma_start3A_47 = tpu.memref_squeeze %dma_start3A_46 : memref<1x128x128xf32, #tpu.memory_space<vmem>> -> memref<128x128xf32, #tpu.memory_space<vmem>>
      %dma_start3A_48 = arith.constant 0 : i32
      %dma_start3A_49 = tpu.memref_slice %arg7[%dma_start3A, %dma_start3A_48] : memref<40x128xi32, #tpu.memory_space<vmem>> -> memref<1x128xi32, #tpu.memory_space<vmem>>
      %dma_start3A_50 = tpu.memref_squeeze %dma_start3A_49 : memref<1x128xi32, #tpu.memory_space<vmem>> -> memref<128xi32, #tpu.memory_space<vmem>>
      %dma_start3A_51 = arith.constant 0 : i32
      %dma_start3A_52 = arith.constant 0 : i32
      %dma_start3A_53 = tpu.memref_slice %arg2[%dma_start3A_51, %dma_start3A_52] : memref<10000x128xf32, #tpu.memory_space<hbm>> -> memref<10000x128xf32, #tpu.memory_space<hbm>>
      tpu.enqueue_indirect_dma source(%dma_start3A_53 : memref<10000x128xf32, #tpu.memory_space<hbm>>) target(%dma_start3A_47 : memref<128x128xf32, #tpu.memory_space<vmem>>) offsets(%dma_start3A_50 : memref<128xi32, #tpu.memory_space<vmem>>) semaphore(%arg11 : memref<!tpu.dma_semaphore, #tpu.memory_space<semaphore_mem>>)
      %scan3A = arith.constant 0 : i32
      %scan3A_54 = arith.constant 0 : i32
      %scan3A_55 = arith.constant 20 : i32
      %scan3A_56 = arith.addi %scan3A_54, %scan3A_55 : i32
      %scan3A_57 = arith.constant 1 : i32
      scf.for %scan3A_59 = %scan3A_54 to %scan3A_56 step %scan3A_57  : i32 {
        %mul3A_60 = arith.constant 2 : i32
        %mul3A_61 = arith.muli %scan3A_59, %mul3A_60 : i32
        %add3A_62 = arith.constant 0 : i32
        %add3A_63 = arith.addi %mul3A_61, %add3A_62 : i32
        %dma_wait3A = arith.constant 0 : i32
        %dma_wait3A_64 = arith.constant 0 : i32
        %dma_wait3A_65 = arith.constant 0 : i32
        %dma_wait3A_66 = tpu.memref_slice %arg9[%dma_wait3A, %dma_wait3A_64, %dma_wait3A_65] : memref<2x128x128xf32, #tpu.memory_space<vmem>> -> memref<1x128x128xf32, #tpu.memory_space<vmem>>
        %dma_wait3A_67 = tpu.memref_squeeze %dma_wait3A_66 : memref<1x128x128xf32, #tpu.memory_space<vmem>> -> memref<128x128xf32, #tpu.memory_space<vmem>>
        %dma_wait3A_68 = arith.constant 0 : i32
        %dma_wait3A_69 = tpu.memref_slice %arg7[%add3A_63, %dma_wait3A_68] : memref<40x128xi32, #tpu.memory_space<vmem>> -> memref<1x128xi32, #tpu.memory_space<vmem>>
        %dma_wait3A_70 = tpu.memref_squeeze %dma_wait3A_69 : memref<1x128xi32, #tpu.memory_space<vmem>> -> memref<128xi32, #tpu.memory_space<vmem>>
        %dma_wait3A_71 = arith.constant 0 : i32
        %dma_wait3A_72 = arith.constant 0 : i32
        %dma_wait3A_73 = tpu.memref_slice %arg2[%dma_wait3A_71, %dma_wait3A_72] : memref<10000x128xf32, #tpu.memory_space<hbm>> -> memref<10000x128xf32, #tpu.memory_space<hbm>>
        tpu.wait_indirect_dma semaphore(%arg11 : memref<!tpu.dma_semaphore, #tpu.memory_space<semaphore_mem>>) src(%dma_wait3A_73 : memref<10000x128xf32, #tpu.memory_space<hbm>>) dst(%dma_wait3A_67 : memref<128x128xf32, #tpu.memory_space<vmem>>)
        %lt3A = arith.constant 39 : i32
        %lt3A_74 = arith.cmpi slt, %add3A_63, %lt3A : i32
        %convert_element_type3A = arith.extui %lt3A_74 : i1 to i32
        %cond3A = arith.constant 0 : i32
        %cond3A_75 = arith.cmpi ne, %convert_element_type3A, %cond3A : i32
        scf.if %cond3A_75 {
          %add3A_97 = arith.constant 1 : i32
          %add3A_98 = arith.addi %add3A_63, %add3A_97 : i32
          %dma_start3A_99 = arith.constant 1 : i32
          %dma_start3A_100 = arith.constant 0 : i32
          %dma_start3A_101 = arith.constant 0 : i32
          %dma_start3A_102 = tpu.memref_slice %arg9[%dma_start3A_99, %dma_start3A_100, %dma_start3A_101] : memref<2x128x128xf32, #tpu.memory_space<vmem>> -> memref<1x128x128xf32, #tpu.memory_space<vmem>>
          %dma_start3A_103 = tpu.memref_squeeze %dma_start3A_102 : memref<1x128x128xf32, #tpu.memory_space<vmem>> -> memref<128x128xf32, #tpu.memory_space<vmem>>
          %dma_start3A_104 = arith.constant 0 : i32
          %dma_start3A_105 = tpu.memref_slice %arg7[%add3A_98, %dma_start3A_104] : memref<40x128xi32, #tpu.memory_space<vmem>> -> memref<1x128xi32, #tpu.memory_space<vmem>>
          %dma_start3A_106 = tpu.memref_squeeze %dma_start3A_105 : memref<1x128xi32, #tpu.memory_space<vmem>> -> memref<128xi32, #tpu.memory_space<vmem>>
          %dma_start3A_107 = arith.constant 0 : i32
          %dma_start3A_108 = arith.constant 0 : i32
          %dma_start3A_109 = tpu.memref_slice %arg2[%dma_start3A_107, %dma_start3A_108] : memref<10000x128xf32, #tpu.memory_space<hbm>> -> memref<10000x128xf32, #tpu.memory_space<hbm>>
          tpu.enqueue_indirect_dma source(%dma_start3A_109 : memref<10000x128xf32, #tpu.memory_space<hbm>>) target(%dma_start3A_103 : memref<128x128xf32, #tpu.memory_space<vmem>>) offsets(%dma_start3A_106 : memref<128xi32, #tpu.memory_space<vmem>>) semaphore(%arg12 : memref<!tpu.dma_semaphore, #tpu.memory_space<semaphore_mem>>)
        } else {
        }
        %run_scoped3A = arith.constant 0 : i32
        "tpu.region"() ({
          %run_scoped3A_97 = tpu.sem_alloc : memref<!tpu.dma_semaphore, #tpu.memory_space<semaphore_mem>>
          %dma_start3A_98 = arith.constant 0 : i32
          %dma_start3A_99 = arith.constant 0 : i32
          %dma_start3A_100 = tpu.memref_slice %arg9[%run_scoped3A, %dma_start3A_98, %dma_start3A_99] : memref<2x128x128xf32, #tpu.memory_space<vmem>> -> memref<1x128x128xf32, #tpu.memory_space<vmem>>
          %dma_start3A_101 = tpu.memref_squeeze %dma_start3A_100 : memref<1x128x128xf32, #tpu.memory_space<vmem>> -> memref<128x128xf32, #tpu.memory_space<vmem>>
          %dma_start3A_102 = arith.constant 0 : i32
          %dma_start3A_103 = tpu.memref_slice %arg8[%add3A_63, %dma_start3A_102] : memref<40x128xi32, #tpu.memory_space<vmem>> -> memref<1x128xi32, #tpu.memory_space<vmem>>
          %dma_start3A_104 = tpu.memref_squeeze %dma_start3A_103 : memref<1x128xi32, #tpu.memory_space<vmem>> -> memref<128xi32, #tpu.memory_space<vmem>>
          %dma_start3A_105 = arith.constant 0 : i32
          %dma_start3A_106 = arith.constant 0 : i32
          %dma_start3A_107 = tpu.memref_slice %arg10[%dma_start3A_105, %dma_start3A_106] : memref<10112x128xf32, #tpu.memory_space<vmem_shared>> -> memref<10112x128xf32, #tpu.memory_space<vmem_shared>>
          tpu.enqueue_indirect_dma source(%dma_start3A_101 : memref<128x128xf32, #tpu.memory_space<vmem>>) target(%dma_start3A_107 : memref<10112x128xf32, #tpu.memory_space<vmem_shared>>) offsets(%dma_start3A_104 : memref<128xi32, #tpu.memory_space<vmem>>) semaphore(%run_scoped3A_97 : memref<!tpu.dma_semaphore, #tpu.memory_space<semaphore_mem>>) {add = true}
          %dma_wait3A_108 = arith.constant 0 : i32
          %dma_wait3A_109 = arith.constant 0 : i32
          %dma_wait3A_110 = tpu.memref_slice %arg9[%run_scoped3A, %dma_wait3A_108, %dma_wait3A_109] : memref<2x128x128xf32, #tpu.memory_space<vmem>> -> memref<1x128x128xf32, #tpu.memory_space<vmem>>
          %dma_wait3A_111 = tpu.memref_squeeze %dma_wait3A_110 : memref<1x128x128xf32, #tpu.memory_space<vmem>> -> memref<128x128xf32, #tpu.memory_space<vmem>>
          %dma_wait3A_112 = arith.constant 0 : i32
          %dma_wait3A_113 = tpu.memref_slice %arg8[%add3A_63, %dma_wait3A_112] : memref<40x128xi32, #tpu.memory_space<vmem>> -> memref<1x128xi32, #tpu.memory_space<vmem>>
          %dma_wait3A_114 = tpu.memref_squeeze %dma_wait3A_113 : memref<1x128xi32, #tpu.memory_space<vmem>> -> memref<128xi32, #tpu.memory_space<vmem>>
          %dma_wait3A_115 = arith.constant 0 : i32
          %dma_wait3A_116 = arith.constant 0 : i32
          %dma_wait3A_117 = tpu.memref_slice %arg10[%dma_wait3A_115, %dma_wait3A_116] : memref<10112x128xf32, #tpu.memory_space<vmem_shared>> -> memref<10112x128xf32, #tpu.memory_space<vmem_shared>>
          tpu.wait_indirect_dma semaphore(%run_scoped3A_97 : memref<!tpu.dma_semaphore, #tpu.memory_space<semaphore_mem>>) src(%dma_wait3A_111 : memref<128x128xf32, #tpu.memory_space<vmem>>) dst(%dma_wait3A_117 : memref<10112x128xf32, #tpu.memory_space<vmem_shared>>)
          tpu.yield
        }) : () -> ()
        %mul3A_76 = arith.constant 2 : i32
        %mul3A_77 = arith.muli %scan3A_59, %mul3A_76 : i32
        %add3A_78 = arith.constant 1 : i32
        %add3A_79 = arith.addi %mul3A_77, %add3A_78 : i32
        %dma_wait3A_80 = arith.constant 1 : i32
        %dma_wait3A_81 = arith.constant 0 : i32
        %dma_wait3A_82 = arith.constant 0 : i32
        %dma_wait3A_83 = tpu.memref_slice %arg9[%dma_wait3A_80, %dma_wait3A_81, %dma_wait3A_82] : memref<2x128x128xf32, #tpu.memory_space<vmem>> -> memref<1x128x128xf32, #tpu.memory_space<vmem>>
        %dma_wait3A_84 = tpu.memref_squeeze %dma_wait3A_83 : memref<1x128x128xf32, #tpu.memory_space<vmem>> -> memref<128x128xf32, #tpu.memory_space<vmem>>
        %dma_wait3A_85 = arith.constant 0 : i32
        %dma_wait3A_86 = tpu.memref_slice %arg7[%add3A_79, %dma_wait3A_85] : memref<40x128xi32, #tpu.memory_space<vmem>> -> memref<1x128xi32, #tpu.memory_space<vmem>>
        %dma_wait3A_87 = tpu.memref_squeeze %dma_wait3A_86 : memref<1x128xi32, #tpu.memory_space<vmem>> -> memref<128xi32, #tpu.memory_space<vmem>>
        %dma_wait3A_88 = arith.constant 0 : i32
        %dma_wait3A_89 = arith.constant 0 : i32
        %dma_wait3A_90 = tpu.memref_slice %arg2[%dma_wait3A_88, %dma_wait3A_89] : memref<10000x128xf32, #tpu.memory_space<hbm>> -> memref<10000x128xf32, #tpu.memory_space<hbm>>
        tpu.wait_indirect_dma semaphore(%arg12 : memref<!tpu.dma_semaphore, #tpu.memory_space<semaphore_mem>>) src(%dma_wait3A_90 : memref<10000x128xf32, #tpu.memory_space<hbm>>) dst(%dma_wait3A_84 : memref<128x128xf32, #tpu.memory_space<vmem>>)
        %lt3A_91 = arith.constant 39 : i32
        %lt3A_92 = arith.cmpi slt, %add3A_79, %lt3A_91 : i32
        %convert_element_type3A_93 = arith.extui %lt3A_92 : i1 to i32
        %cond3A_94 = arith.constant 0 : i32
        %cond3A_95 = arith.cmpi ne, %convert_element_type3A_93, %cond3A_94 : i32
        scf.if %cond3A_95 {
          %add3A_97 = arith.constant 1 : i32
          %add3A_98 = arith.addi %add3A_79, %add3A_97 : i32
          %dma_start3A_99 = arith.constant 0 : i32
          %dma_start3A_100 = arith.constant 0 : i32
          %dma_start3A_101 = arith.constant 0 : i32
          %dma_start3A_102 = tpu.memref_slice %arg9[%dma_start3A_99, %dma_start3A_100, %dma_start3A_101] : memref<2x128x128xf32, #tpu.memory_space<vmem>> -> memref<1x128x128xf32, #tpu.memory_space<vmem>>
          %dma_start3A_103 = tpu.memref_squeeze %dma_start3A_102 : memref<1x128x128xf32, #tpu.memory_space<vmem>> -> memref<128x128xf32, #tpu.memory_space<vmem>>
          %dma_start3A_104 = arith.constant 0 : i32
          %dma_start3A_105 = tpu.memref_slice %arg7[%add3A_98, %dma_start3A_104] : memref<40x128xi32, #tpu.memory_space<vmem>> -> memref<1x128xi32, #tpu.memory_space<vmem>>
          %dma_start3A_106 = tpu.memref_squeeze %dma_start3A_105 : memref<1x128xi32, #tpu.memory_space<vmem>> -> memref<128xi32, #tpu.memory_space<vmem>>
          %dma_start3A_107 = arith.constant 0 : i32
          %dma_start3A_108 = arith.constant 0 : i32
          %dma_start3A_109 = tpu.memref_slice %arg2[%dma_start3A_107, %dma_start3A_108] : memref<10000x128xf32, #tpu.memory_space<hbm>> -> memref<10000x128xf32, #tpu.memory_space<hbm>>
          tpu.enqueue_indirect_dma source(%dma_start3A_109 : memref<10000x128xf32, #tpu.memory_space<hbm>>) target(%dma_start3A_103 : memref<128x128xf32, #tpu.memory_space<vmem>>) offsets(%dma_start3A_106 : memref<128xi32, #tpu.memory_space<vmem>>) semaphore(%arg11 : memref<!tpu.dma_semaphore, #tpu.memory_space<semaphore_mem>>)
        } else {
        }
        %run_scoped3A_96 = arith.constant 1 : i32
        "tpu.region"() ({
          %run_scoped3A_97 = tpu.sem_alloc : memref<!tpu.dma_semaphore, #tpu.memory_space<semaphore_mem>>
          %dma_start3A_98 = arith.constant 0 : i32
          %dma_start3A_99 = arith.constant 0 : i32
          %dma_start3A_100 = tpu.memref_slice %arg9[%run_scoped3A_96, %dma_start3A_98, %dma_start3A_99] : memref<2x128x128xf32, #tpu.memory_space<vmem>> -> memref<1x128x128xf32, #tpu.memory_space<vmem>>
          %dma_start3A_101 = tpu.memref_squeeze %dma_start3A_100 : memref<1x128x128xf32, #tpu.memory_space<vmem>> -> memref<128x128xf32, #tpu.memory_space<vmem>>
          %dma_start3A_102 = arith.constant 0 : i32
          %dma_start3A_103 = tpu.memref_slice %arg8[%add3A_79, %dma_start3A_102] : memref<40x128xi32, #tpu.memory_space<vmem>> -> memref<1x128xi32, #tpu.memory_space<vmem>>
          %dma_start3A_104 = tpu.memref_squeeze %dma_start3A_103 : memref<1x128xi32, #tpu.memory_space<vmem>> -> memref<128xi32, #tpu.memory_space<vmem>>
          %dma_start3A_105 = arith.constant 0 : i32
          %dma_start3A_106 = arith.constant 0 : i32
          %dma_start3A_107 = tpu.memref_slice %arg10[%dma_start3A_105, %dma_start3A_106] : memref<10112x128xf32, #tpu.memory_space<vmem_shared>> -> memref<10112x128xf32, #tpu.memory_space<vmem_shared>>
          tpu.enqueue_indirect_dma source(%dma_start3A_101 : memref<128x128xf32, #tpu.memory_space<vmem>>) target(%dma_start3A_107 : memref<10112x128xf32, #tpu.memory_space<vmem_shared>>) offsets(%dma_start3A_104 : memref<128xi32, #tpu.memory_space<vmem>>) semaphore(%run_scoped3A_97 : memref<!tpu.dma_semaphore, #tpu.memory_space<semaphore_mem>>) {add = true}
          %dma_wait3A_108 = arith.constant 0 : i32
          %dma_wait3A_109 = arith.constant 0 : i32
          %dma_wait3A_110 = tpu.memref_slice %arg9[%run_scoped3A_96, %dma_wait3A_108, %dma_wait3A_109] : memref<2x128x128xf32, #tpu.memory_space<vmem>> -> memref<1x128x128xf32, #tpu.memory_space<vmem>>
          %dma_wait3A_111 = tpu.memref_squeeze %dma_wait3A_110 : memref<1x128x128xf32, #tpu.memory_space<vmem>> -> memref<128x128xf32, #tpu.memory_space<vmem>>
          %dma_wait3A_112 = arith.constant 0 : i32
          %dma_wait3A_113 = tpu.memref_slice %arg8[%add3A_79, %dma_wait3A_112] : memref<40x128xi32, #tpu.memory_space<vmem>> -> memref<1x128xi32, #tpu.memory_space<vmem>>
          %dma_wait3A_114 = tpu.memref_squeeze %dma_wait3A_113 : memref<1x128xi32, #tpu.memory_space<vmem>> -> memref<128xi32, #tpu.memory_space<vmem>>
          %dma_wait3A_115 = arith.constant 0 : i32
          %dma_wait3A_116 = arith.constant 0 : i32
          %dma_wait3A_117 = tpu.memref_slice %arg10[%dma_wait3A_115, %dma_wait3A_116] : memref<10112x128xf32, #tpu.memory_space<vmem_shared>> -> memref<10112x128xf32, #tpu.memory_space<vmem_shared>>
          tpu.wait_indirect_dma semaphore(%run_scoped3A_97 : memref<!tpu.dma_semaphore, #tpu.memory_space<semaphore_mem>>) src(%dma_wait3A_111 : memref<128x128xf32, #tpu.memory_space<vmem>>) dst(%dma_wait3A_117 : memref<10112x128xf32, #tpu.memory_space<vmem_shared>>)
          tpu.yield
        }) : () -> ()
      }
      %scan3A_58 = arith.constant 20 : i32
    }
    %while3A_34 = arith.constant 1 : i32
    scf.for %while3A_39 = %while3A_32 to %while3A_28 step %while3A_34  : i32 {
      %mul3A_40 = arith.constant 40 : i32
      %mul3A_41 = arith.muli %while3A_39, %mul3A_40 : i32
      %add3A_42 = arith.addi %add3A, %mul3A_41 : i32
      "tpu.region"() ({
        %run_scoped3A = tpu.sem_alloc : memref<!tpu.dma_semaphore, #tpu.memory_space<semaphore_mem>>
        %dma_start3A_59 = arith.constant 0 : i32
        %dma_start3A_60 = tpu.memref_slice %arg3[%add3A_42, %dma_start3A_59] : memref<2560x128xi32, #tpu.memory_space<hbm>> -> memref<40x128xi32, #tpu.memory_space<hbm>>
        %dma_start3A_61 = arith.constant 0 : i32
        %dma_start3A_62 = tpu.memref_slice %arg3[%add3A_42, %dma_start3A_61] : memref<2560x128xi32, #tpu.memory_space<hbm>> -> memref<40x128xi32, #tpu.memory_space<hbm>>
        tpu.enqueue_dma source(%dma_start3A_62 : memref<40x128xi32, #tpu.memory_space<hbm>>) target(%arg7 : memref<40x128xi32, #tpu.memory_space<vmem>>) target_semaphore(%run_scoped3A : memref<!tpu.dma_semaphore, #tpu.memory_space<semaphore_mem>>)
        %dma_wait3A = arith.constant 0 : i32
        %dma_wait3A_63 = tpu.memref_slice %arg3[%add3A_42, %dma_wait3A] : memref<2560x128xi32, #tpu.memory_space<hbm>> -> memref<40x128xi32, #tpu.memory_space<hbm>>
        %dma_wait3A_64 = arith.constant 0 : i32
        %dma_wait3A_65 = tpu.memref_slice %arg3[%add3A_42, %dma_wait3A_64] : memref<2560x128xi32, #tpu.memory_space<hbm>> -> memref<40x128xi32, #tpu.memory_space<hbm>>
        tpu.wait_dma2 semaphore(%run_scoped3A : memref<!tpu.dma_semaphore, #tpu.memory_space<semaphore_mem>>) src(%dma_wait3A_65 : memref<40x128xi32, #tpu.memory_space<hbm>>) dst(%arg7 : memref<40x128xi32, #tpu.memory_space<vmem>>)
        tpu.yield
      }) : () -> ()
      "tpu.region"() ({
        %run_scoped3A = tpu.sem_alloc : memref<!tpu.dma_semaphore, #tpu.memory_space<semaphore_mem>>
        %dma_start3A_59 = arith.constant 0 : i32
        %dma_start3A_60 = tpu.memref_slice %arg4[%add3A_42, %dma_start3A_59] : memref<2560x128xi32, #tpu.memory_space<hbm>> -> memref<40x128xi32, #tpu.memory_space<hbm>>
        %dma_start3A_61 = arith.constant 0 : i32
        %dma_start3A_62 = tpu.memref_slice %arg4[%add3A_42, %dma_start3A_61] : memref<2560x128xi32, #tpu.memory_space<hbm>> -> memref<40x128xi32, #tpu.memory_space<hbm>>
        tpu.enqueue_dma source(%dma_start3A_62 : memref<40x128xi32, #tpu.memory_space<hbm>>) target(%arg8 : memref<40x128xi32, #tpu.memory_space<vmem>>) target_semaphore(%run_scoped3A : memref<!tpu.dma_semaphore, #tpu.memory_space<semaphore_mem>>)
        %dma_wait3A = arith.constant 0 : i32
        %dma_wait3A_63 = tpu.memref_slice %arg4[%add3A_42, %dma_wait3A] : memref<2560x128xi32, #tpu.memory_space<hbm>> -> memref<40x128xi32, #tpu.memory_space<hbm>>
        %dma_wait3A_64 = arith.constant 0 : i32
        %dma_wait3A_65 = tpu.memref_slice %arg4[%add3A_42, %dma_wait3A_64] : memref<2560x128xi32, #tpu.memory_space<hbm>> -> memref<40x128xi32, #tpu.memory_space<hbm>>
        tpu.wait_dma2 semaphore(%run_scoped3A : memref<!tpu.dma_semaphore, #tpu.memory_space<semaphore_mem>>) src(%dma_wait3A_65 : memref<40x128xi32, #tpu.memory_space<hbm>>) dst(%arg8 : memref<40x128xi32, #tpu.memory_space<vmem>>)
        tpu.yield
      }) : () -> ()
      %dma_start3A = arith.constant 0 : i32
      %dma_start3A_43 = arith.constant 0 : i32
      %dma_start3A_44 = arith.constant 0 : i32
      %dma_start3A_45 = arith.constant 0 : i32
      %dma_start3A_46 = tpu.memref_slice %arg9[%dma_start3A_43, %dma_start3A_44, %dma_start3A_45] : memref<2x128x128xf32, #tpu.memory_space<vmem>> -> memref<1x128x128xf32, #tpu.memory_space<vmem>>
      %dma_start3A_47 = tpu.memref_squeeze %dma_start3A_46 : memref<1x128x128xf32, #tpu.memory_space<vmem>> -> memref<128x128xf32, #tpu.memory_space<vmem>>
      %dma_start3A_48 = arith.constant 0 : i32
      %dma_start3A_49 = tpu.memref_slice %arg7[%dma_start3A, %dma_start3A_48] : memref<40x128xi32, #tpu.memory_space<vmem>> -> memref<1x128xi32, #tpu.memory_space<vmem>>
      %dma_start3A_50 = tpu.memref_squeeze %dma_start3A_49 : memref<1x128xi32, #tpu.memory_space<vmem>> -> memref<128xi32, #tpu.memory_space<vmem>>
      %dma_start3A_51 = arith.constant 0 : i32
      %dma_start3A_52 = arith.constant 0 : i32
      %dma_start3A_53 = tpu.memref_slice %arg2[%dma_start3A_51, %dma_start3A_52] : memref<10000x128xf32, #tpu.memory_space<hbm>> -> memref<10000x128xf32, #tpu.memory_space<hbm>>
      tpu.enqueue_indirect_dma source(%dma_start3A_53 : memref<10000x128xf32, #tpu.memory_space<hbm>>) target(%dma_start3A_47 : memref<128x128xf32, #tpu.memory_space<vmem>>) offsets(%dma_start3A_50 : memref<128xi32, #tpu.memory_space<vmem>>) semaphore(%arg11 : memref<!tpu.dma_semaphore, #tpu.memory_space<semaphore_mem>>)
      %scan3A = arith.constant 0 : i32
      %scan3A_54 = arith.constant 0 : i32
      %scan3A_55 = arith.constant 20 : i32
      %scan3A_56 = arith.addi %scan3A_54, %scan3A_55 : i32
      %scan3A_57 = arith.constant 1 : i32
      scf.for %scan3A_59 = %scan3A_54 to %scan3A_56 step %scan3A_57  : i32 {
        %mul3A_60 = arith.constant 2 : i32
        %mul3A_61 = arith.muli %scan3A_59, %mul3A_60 : i32
        %add3A_62 = arith.constant 0 : i32
        %add3A_63 = arith.addi %mul3A_61, %add3A_62 : i32
        %dma_wait3A = arith.constant 0 : i32
        %dma_wait3A_64 = arith.constant 0 : i32
        %dma_wait3A_65 = arith.constant 0 : i32
        %dma_wait3A_66 = tpu.memref_slice %arg9[%dma_wait3A, %dma_wait3A_64, %dma_wait3A_65] : memref<2x128x128xf32, #tpu.memory_space<vmem>> -> memref<1x128x128xf32, #tpu.memory_space<vmem>>
        %dma_wait3A_67 = tpu.memref_squeeze %dma_wait3A_66 : memref<1x128x128xf32, #tpu.memory_space<vmem>> -> memref<128x128xf32, #tpu.memory_space<vmem>>
        %dma_wait3A_68 = arith.constant 0 : i32
        %dma_wait3A_69 = tpu.memref_slice %arg7[%add3A_63, %dma_wait3A_68] : memref<40x128xi32, #tpu.memory_space<vmem>> -> memref<1x128xi32, #tpu.memory_space<vmem>>
        %dma_wait3A_70 = tpu.memref_squeeze %dma_wait3A_69 : memref<1x128xi32, #tpu.memory_space<vmem>> -> memref<128xi32, #tpu.memory_space<vmem>>
        %dma_wait3A_71 = arith.constant 0 : i32
        %dma_wait3A_72 = arith.constant 0 : i32
        %dma_wait3A_73 = tpu.memref_slice %arg2[%dma_wait3A_71, %dma_wait3A_72] : memref<10000x128xf32, #tpu.memory_space<hbm>> -> memref<10000x128xf32, #tpu.memory_space<hbm>>
        tpu.wait_indirect_dma semaphore(%arg11 : memref<!tpu.dma_semaphore, #tpu.memory_space<semaphore_mem>>) src(%dma_wait3A_73 : memref<10000x128xf32, #tpu.memory_space<hbm>>) dst(%dma_wait3A_67 : memref<128x128xf32, #tpu.memory_space<vmem>>)
        %lt3A = arith.constant 39 : i32
        %lt3A_74 = arith.cmpi slt, %add3A_63, %lt3A : i32
        %convert_element_type3A = arith.extui %lt3A_74 : i1 to i32
        %cond3A = arith.constant 0 : i32
        %cond3A_75 = arith.cmpi ne, %convert_element_type3A, %cond3A : i32
        scf.if %cond3A_75 {
          %add3A_97 = arith.constant 1 : i32
          %add3A_98 = arith.addi %add3A_63, %add3A_97 : i32
          %dma_start3A_99 = arith.constant 1 : i32
          %dma_start3A_100 = arith.constant 0 : i32
          %dma_start3A_101 = arith.constant 0 : i32
          %dma_start3A_102 = tpu.memref_slice %arg9[%dma_start3A_99, %dma_start3A_100, %dma_start3A_101] : memref<2x128x128xf32, #tpu.memory_space<vmem>> -> memref<1x128x128xf32, #tpu.memory_space<vmem>>
          %dma_start3A_103 = tpu.memref_squeeze %dma_start3A_102 : memref<1x128x128xf32, #tpu.memory_space<vmem>> -> memref<128x128xf32, #tpu.memory_space<vmem>>
          %dma_start3A_104 = arith.constant 0 : i32
          %dma_start3A_105 = tpu.memref_slice %arg7[%add3A_98, %dma_start3A_104] : memref<40x128xi32, #tpu.memory_space<vmem>> -> memref<1x128xi32, #tpu.memory_space<vmem>>
          %dma_start3A_106 = tpu.memref_squeeze %dma_start3A_105 : memref<1x128xi32, #tpu.memory_space<vmem>> -> memref<128xi32, #tpu.memory_space<vmem>>
          %dma_start3A_107 = arith.constant 0 : i32
          %dma_start3A_108 = arith.constant 0 : i32
          %dma_start3A_109 = tpu.memref_slice %arg2[%dma_start3A_107, %dma_start3A_108] : memref<10000x128xf32, #tpu.memory_space<hbm>> -> memref<10000x128xf32, #tpu.memory_space<hbm>>
          tpu.enqueue_indirect_dma source(%dma_start3A_109 : memref<10000x128xf32, #tpu.memory_space<hbm>>) target(%dma_start3A_103 : memref<128x128xf32, #tpu.memory_space<vmem>>) offsets(%dma_start3A_106 : memref<128xi32, #tpu.memory_space<vmem>>) semaphore(%arg12 : memref<!tpu.dma_semaphore, #tpu.memory_space<semaphore_mem>>)
        } else {
        }
        %run_scoped3A = arith.constant 0 : i32
        "tpu.region"() ({
          %run_scoped3A_97 = tpu.sem_alloc : memref<!tpu.dma_semaphore, #tpu.memory_space<semaphore_mem>>
          %dma_start3A_98 = arith.constant 0 : i32
          %dma_start3A_99 = arith.constant 0 : i32
          %dma_start3A_100 = tpu.memref_slice %arg9[%run_scoped3A, %dma_start3A_98, %dma_start3A_99] : memref<2x128x128xf32, #tpu.memory_space<vmem>> -> memref<1x128x128xf32, #tpu.memory_space<vmem>>
          %dma_start3A_101 = tpu.memref_squeeze %dma_start3A_100 : memref<1x128x128xf32, #tpu.memory_space<vmem>> -> memref<128x128xf32, #tpu.memory_space<vmem>>
          %dma_start3A_102 = arith.constant 0 : i32
          %dma_start3A_103 = tpu.memref_slice %arg8[%add3A_63, %dma_start3A_102] : memref<40x128xi32, #tpu.memory_space<vmem>> -> memref<1x128xi32, #tpu.memory_space<vmem>>
          %dma_start3A_104 = tpu.memref_squeeze %dma_start3A_103 : memref<1x128xi32, #tpu.memory_space<vmem>> -> memref<128xi32, #tpu.memory_space<vmem>>
          %dma_start3A_105 = arith.constant 0 : i32
          %dma_start3A_106 = arith.constant 0 : i32
          %dma_start3A_107 = tpu.memref_slice %arg10[%dma_start3A_105, %dma_start3A_106] : memref<10112x128xf32, #tpu.memory_space<vmem_shared>> -> memref<10112x128xf32, #tpu.memory_space<vmem_shared>>
          tpu.enqueue_indirect_dma source(%dma_start3A_101 : memref<128x128xf32, #tpu.memory_space<vmem>>) target(%dma_start3A_107 : memref<10112x128xf32, #tpu.memory_space<vmem_shared>>) offsets(%dma_start3A_104 : memref<128xi32, #tpu.memory_space<vmem>>) semaphore(%run_scoped3A_97 : memref<!tpu.dma_semaphore, #tpu.memory_space<semaphore_mem>>) {add = true}
          %dma_wait3A_108 = arith.constant 0 : i32
          %dma_wait3A_109 = arith.constant 0 : i32
          %dma_wait3A_110 = tpu.memref_slice %arg9[%run_scoped3A, %dma_wait3A_108, %dma_wait3A_109] : memref<2x128x128xf32, #tpu.memory_space<vmem>> -> memref<1x128x128xf32, #tpu.memory_space<vmem>>
          %dma_wait3A_111 = tpu.memref_squeeze %dma_wait3A_110 : memref<1x128x128xf32, #tpu.memory_space<vmem>> -> memref<128x128xf32, #tpu.memory_space<vmem>>
          %dma_wait3A_112 = arith.constant 0 : i32
          %dma_wait3A_113 = tpu.memref_slice %arg8[%add3A_63, %dma_wait3A_112] : memref<40x128xi32, #tpu.memory_space<vmem>> -> memref<1x128xi32, #tpu.memory_space<vmem>>
          %dma_wait3A_114 = tpu.memref_squeeze %dma_wait3A_113 : memref<1x128xi32, #tpu.memory_space<vmem>> -> memref<128xi32, #tpu.memory_space<vmem>>
          %dma_wait3A_115 = arith.constant 0 : i32
          %dma_wait3A_116 = arith.constant 0 : i32
          %dma_wait3A_117 = tpu.memref_slice %arg10[%dma_wait3A_115, %dma_wait3A_116] : memref<10112x128xf32, #tpu.memory_space<vmem_shared>> -> memref<10112x128xf32, #tpu.memory_space<vmem_shared>>
          tpu.wait_indirect_dma semaphore(%run_scoped3A_97 : memref<!tpu.dma_semaphore, #tpu.memory_space<semaphore_mem>>) src(%dma_wait3A_111 : memref<128x128xf32, #tpu.memory_space<vmem>>) dst(%dma_wait3A_117 : memref<10112x128xf32, #tpu.memory_space<vmem_shared>>)
          tpu.yield
        }) : () -> ()
        %mul3A_76 = arith.constant 2 : i32
        %mul3A_77 = arith.muli %scan3A_59, %mul3A_76 : i32
        %add3A_78 = arith.constant 1 : i32
        %add3A_79 = arith.addi %mul3A_77, %add3A_78 : i32
        %dma_wait3A_80 = arith.constant 1 : i32
        %dma_wait3A_81 = arith.constant 0 : i32
        %dma_wait3A_82 = arith.constant 0 : i32
        %dma_wait3A_83 = tpu.memref_slice %arg9[%dma_wait3A_80, %dma_wait3A_81, %dma_wait3A_82] : memref<2x128x128xf32, #tpu.memory_space<vmem>> -> memref<1x128x128xf32, #tpu.memory_space<vmem>>
        %dma_wait3A_84 = tpu.memref_squeeze %dma_wait3A_83 : memref<1x128x128xf32, #tpu.memory_space<vmem>> -> memref<128x128xf32, #tpu.memory_space<vmem>>
        %dma_wait3A_85 = arith.constant 0 : i32
        %dma_wait3A_86 = tpu.memref_slice %arg7[%add3A_79, %dma_wait3A_85] : memref<40x128xi32, #tpu.memory_space<vmem>> -> memref<1x128xi32, #tpu.memory_space<vmem>>
        %dma_wait3A_87 = tpu.memref_squeeze %dma_wait3A_86 : memref<1x128xi32, #tpu.memory_space<vmem>> -> memref<128xi32, #tpu.memory_space<vmem>>
        %dma_wait3A_88 = arith.constant 0 : i32
        %dma_wait3A_89 = arith.constant 0 : i32
        %dma_wait3A_90 = tpu.memref_slice %arg2[%dma_wait3A_88, %dma_wait3A_89] : memref<10000x128xf32, #tpu.memory_space<hbm>> -> memref<10000x128xf32, #tpu.memory_space<hbm>>
        tpu.wait_indirect_dma semaphore(%arg12 : memref<!tpu.dma_semaphore, #tpu.memory_space<semaphore_mem>>) src(%dma_wait3A_90 : memref<10000x128xf32, #tpu.memory_space<hbm>>) dst(%dma_wait3A_84 : memref<128x128xf32, #tpu.memory_space<vmem>>)
        %lt3A_91 = arith.constant 39 : i32
        %lt3A_92 = arith.cmpi slt, %add3A_79, %lt3A_91 : i32
        %convert_element_type3A_93 = arith.extui %lt3A_92 : i1 to i32
        %cond3A_94 = arith.constant 0 : i32
        %cond3A_95 = arith.cmpi ne, %convert_element_type3A_93, %cond3A_94 : i32
        scf.if %cond3A_95 {
          %add3A_97 = arith.constant 1 : i32
          %add3A_98 = arith.addi %add3A_79, %add3A_97 : i32
          %dma_start3A_99 = arith.constant 0 : i32
          %dma_start3A_100 = arith.constant 0 : i32
          %dma_start3A_101 = arith.constant 0 : i32
          %dma_start3A_102 = tpu.memref_slice %arg9[%dma_start3A_99, %dma_start3A_100, %dma_start3A_101] : memref<2x128x128xf32, #tpu.memory_space<vmem>> -> memref<1x128x128xf32, #tpu.memory_space<vmem>>
          %dma_start3A_103 = tpu.memref_squeeze %dma_start3A_102 : memref<1x128x128xf32, #tpu.memory_space<vmem>> -> memref<128x128xf32, #tpu.memory_space<vmem>>
          %dma_start3A_104 = arith.constant 0 : i32
          %dma_start3A_105 = tpu.memref_slice %arg7[%add3A_98, %dma_start3A_104] : memref<40x128xi32, #tpu.memory_space<vmem>> -> memref<1x128xi32, #tpu.memory_space<vmem>>
          %dma_start3A_106 = tpu.memref_squeeze %dma_start3A_105 : memref<1x128xi32, #tpu.memory_space<vmem>> -> memref<128xi32, #tpu.memory_space<vmem>>
          %dma_start3A_107 = arith.constant 0 : i32
          %dma_start3A_108 = arith.constant 0 : i32
          %dma_start3A_109 = tpu.memref_slice %arg2[%dma_start3A_107, %dma_start3A_108] : memref<10000x128xf32, #tpu.memory_space<hbm>> -> memref<10000x128xf32, #tpu.memory_space<hbm>>
          tpu.enqueue_indirect_dma source(%dma_start3A_109 : memref<10000x128xf32, #tpu.memory_space<hbm>>) target(%dma_start3A_103 : memref<128x128xf32, #tpu.memory_space<vmem>>) offsets(%dma_start3A_106 : memref<128xi32, #tpu.memory_space<vmem>>) semaphore(%arg11 : memref<!tpu.dma_semaphore, #tpu.memory_space<semaphore_mem>>)
        } else {
        }
        %run_scoped3A_96 = arith.constant 1 : i32
        "tpu.region"() ({
          %run_scoped3A_97 = tpu.sem_alloc : memref<!tpu.dma_semaphore, #tpu.memory_space<semaphore_mem>>
          %dma_start3A_98 = arith.constant 0 : i32
          %dma_start3A_99 = arith.constant 0 : i32
          %dma_start3A_100 = tpu.memref_slice %arg9[%run_scoped3A_96, %dma_start3A_98, %dma_start3A_99] : memref<2x128x128xf32, #tpu.memory_space<vmem>> -> memref<1x128x128xf32, #tpu.memory_space<vmem>>
          %dma_start3A_101 = tpu.memref_squeeze %dma_start3A_100 : memref<1x128x128xf32, #tpu.memory_space<vmem>> -> memref<128x128xf32, #tpu.memory_space<vmem>>
          %dma_start3A_102 = arith.constant 0 : i32
          %dma_start3A_103 = tpu.memref_slice %arg8[%add3A_79, %dma_start3A_102] : memref<40x128xi32, #tpu.memory_space<vmem>> -> memref<1x128xi32, #tpu.memory_space<vmem>>
          %dma_start3A_104 = tpu.memref_squeeze %dma_start3A_103 : memref<1x128xi32, #tpu.memory_space<vmem>> -> memref<128xi32, #tpu.memory_space<vmem>>
          %dma_start3A_105 = arith.constant 0 : i32
          %dma_start3A_106 = arith.constant 0 : i32
          %dma_start3A_107 = tpu.memref_slice %arg10[%dma_start3A_105, %dma_start3A_106] : memref<10112x128xf32, #tpu.memory_space<vmem_shared>> -> memref<10112x128xf32, #tpu.memory_space<vmem_shared>>
          tpu.enqueue_indirect_dma source(%dma_start3A_101 : memref<128x128xf32, #tpu.memory_space<vmem>>) target(%dma_start3A_107 : memref<10112x128xf32, #tpu.memory_space<vmem_shared>>) offsets(%dma_start3A_104 : memref<128xi32, #tpu.memory_space<vmem>>) semaphore(%run_scoped3A_97 : memref<!tpu.dma_semaphore, #tpu.memory_space<semaphore_mem>>) {add = true}
          %dma_wait3A_108 = arith.constant 0 : i32
          %dma_wait3A_109 = arith.constant 0 : i32
          %dma_wait3A_110 = tpu.memref_slice %arg9[%run_scoped3A_96, %dma_wait3A_108, %dma_wait3A_109] : memref<2x128x128xf32, #tpu.memory_space<vmem>> -> memref<1x128x128xf32, #tpu.memory_space<vmem>>
          %dma_wait3A_111 = tpu.memref_squeeze %dma_wait3A_110 : memref<1x128x128xf32, #tpu.memory_space<vmem>> -> memref<128x128xf32, #tpu.memory_space<vmem>>
          %dma_wait3A_112 = arith.constant 0 : i32
          %dma_wait3A_113 = tpu.memref_slice %arg8[%add3A_79, %dma_wait3A_112] : memref<40x128xi32, #tpu.memory_space<vmem>> -> memref<1x128xi32, #tpu.memory_space<vmem>>
          %dma_wait3A_114 = tpu.memref_squeeze %dma_wait3A_113 : memref<1x128xi32, #tpu.memory_space<vmem>> -> memref<128xi32, #tpu.memory_space<vmem>>
          %dma_wait3A_115 = arith.constant 0 : i32
          %dma_wait3A_116 = arith.constant 0 : i32
          %dma_wait3A_117 = tpu.memref_slice %arg10[%dma_wait3A_115, %dma_wait3A_116] : memref<10112x128xf32, #tpu.memory_space<vmem_shared>> -> memref<10112x128xf32, #tpu.memory_space<vmem_shared>>
          tpu.wait_indirect_dma semaphore(%run_scoped3A_97 : memref<!tpu.dma_semaphore, #tpu.memory_space<semaphore_mem>>) src(%dma_wait3A_111 : memref<128x128xf32, #tpu.memory_space<vmem>>) dst(%dma_wait3A_117 : memref<10112x128xf32, #tpu.memory_space<vmem_shared>>)
          tpu.yield
        }) : () -> ()
      }
      %scan3A_58 = arith.constant 20 : i32
    }
    %barrier3A_35 = arith.constant 0 : index
    tpu.barrier barrier_id(%barrier3A_35)
    %mul3A_36 = arith.constant 10112 : i32
    %mul3A_37 = arith.muli %arg0, %mul3A_36 : i32
    %add3A_38 = arith.addi %mul3A_37, %mul3A_0 : i32
    "tpu.region"() ({
      %run_scoped3A = tpu.sem_alloc : memref<!tpu.dma_semaphore, #tpu.memory_space<semaphore_mem>>
      %dma_start3A = arith.constant 0 : i32
      %dma_start3A_39 = tpu.memref_slice %arg6[%add3A_38, %dma_start3A] : memref<20224x128xf32, #tpu.memory_space<hbm>> -> memref<632x128xf32, #tpu.memory_space<hbm>>
      %dma_start3A_40 = arith.constant 0 : i32
      %dma_start3A_41 = tpu.memref_slice %arg10[%mul3A_0, %dma_start3A_40] : memref<10112x128xf32, #tpu.memory_space<vmem_shared>> -> memref<632x128xf32, #tpu.memory_space<vmem_shared>>
      tpu.enqueue_dma source(%dma_start3A_41 : memref<632x128xf32, #tpu.memory_space<vmem_shared>>) target(%dma_start3A_39 : memref<632x128xf32, #tpu.memory_space<hbm>>) target_semaphore(%run_scoped3A : memref<!tpu.dma_semaphore, #tpu.memory_space<semaphore_mem>>)
      %dma_wait3A = arith.constant 0 : i32
      %dma_wait3A_42 = tpu.memref_slice %arg6[%add3A_38, %dma_wait3A] : memref<20224x128xf32, #tpu.memory_space<hbm>> -> memref<632x128xf32, #tpu.memory_space<hbm>>
      %dma_wait3A_43 = arith.constant 0 : i32
      %dma_wait3A_44 = tpu.memref_slice %arg10[%mul3A_0, %dma_wait3A_43] : memref<10112x128xf32, #tpu.memory_space<vmem_shared>> -> memref<632x128xf32, #tpu.memory_space<vmem_shared>>
      tpu.wait_dma2 semaphore(%run_scoped3A : memref<!tpu.dma_semaphore, #tpu.memory_space<semaphore_mem>>) src(%dma_wait3A_44 : memref<632x128xf32, #tpu.memory_space<vmem_shared>>) dst(%dma_wait3A_42 : memref<632x128xf32, #tpu.memory_space<hbm>>)
      tpu.yield
    }) : () -> ()
    return
  }
}

#map = affine_map<(d0, d1) -> (0, 0)>
module attributes {stable_mosaic.version = 14 : i64} {
  func.func @_sc_prop(%arg0: i32, %arg1: i32, %arg2: memref<10000x128xf32, #tpu.memory_space<hbm>>, %arg3: memref<2560x128xi32, #tpu.memory_space<hbm>>, %arg4: memref<2560x128xi32, #tpu.memory_space<hbm>>, %arg5: memref<10112x128xf32, #tpu.memory_space<hbm>>, %arg6: memref<20224x128xf32, #tpu.memory_space<hbm>>, %arg7: memref<40x128xi32, #tpu.memory_space<vmem>>, %arg8: memref<40x128xi32, #tpu.memory_space<vmem>>, %arg9: memref<2x128x128xf32, #tpu.memory_space<vmem>>, %arg10: memref<10112x128xf32, #tpu.memory_space<vmem_shared>>, %arg11: memref<!tpu.dma_semaphore, #tpu.memory_space<semaphore_mem>>, %arg12: memref<!tpu.dma_semaphore, #tpu.memory_space<semaphore_mem>>, %arg13: memref<!tpu.dma_semaphore, #tpu.memory_space<semaphore_mem>>, %arg14: memref<!tpu.dma_semaphore, #tpu.memory_space<semaphore_mem>>) attributes {dimension_semantics = [#tpu.dimension_semantics<core_parallel>, #tpu.dimension_semantics<subcore_parallel>], iteration_bounds = array<i64: 2, 16>, scalar_prefetch = 0 : i64, scratch_operands = 8 : i64, tpu.core_type = #tpu.core_type<sc_vector_subcore>, window_params = [{transform_indices = #map}, {transform_indices = #map}, {transform_indices = #map}, {transform_indices = #map}, {transform_indices = #map}]} {
    %mul3A = arith.constant 632 : i32
    %mul3A_0 = arith.muli %arg1, %mul3A : i32
    "tpu.region"() ({
      %run_scoped3A = tpu.sem_alloc : memref<!tpu.dma_semaphore, #tpu.memory_space<semaphore_mem>>
      %dma_start3A = arith.constant 0 : i32
      %dma_start3A_39 = tpu.memref_slice %arg10[%mul3A_0, %dma_start3A] : memref<10112x128xf32, #tpu.memory_space<vmem_shared>> -> memref<632x128xf32, #tpu.memory_space<vmem_shared>>
      %dma_start3A_40 = arith.constant 0 : i32
      %dma_start3A_41 = tpu.memref_slice %arg5[%mul3A_0, %dma_start3A_40] : memref<10112x128xf32, #tpu.memory_space<hbm>> -> memref<632x128xf32, #tpu.memory_space<hbm>>
      tpu.enqueue_dma source(%dma_start3A_41 : memref<632x128xf32, #tpu.memory_space<hbm>>) target(%dma_start3A_39 : memref<632x128xf32, #tpu.memory_space<vmem_shared>>) target_semaphore(%run_scoped3A : memref<!tpu.dma_semaphore, #tpu.memory_space<semaphore_mem>>)
      %dma_wait3A = arith.constant 0 : i32
      %dma_wait3A_42 = tpu.memref_slice %arg10[%mul3A_0, %dma_wait3A] : memref<10112x128xf32, #tpu.memory_space<vmem_shared>> -> memref<632x128xf32, #tpu.memory_space<vmem_shared>>
      %dma_wait3A_43 = arith.constant 0 : i32
      %dma_wait3A_44 = tpu.memref_slice %arg5[%mul3A_0, %dma_wait3A_43] : memref<10112x128xf32, #tpu.memory_space<hbm>> -> memref<632x128xf32, #tpu.memory_space<hbm>>
      tpu.wait_dma2 semaphore(%run_scoped3A : memref<!tpu.dma_semaphore, #tpu.memory_space<semaphore_mem>>) src(%dma_wait3A_44 : memref<632x128xf32, #tpu.memory_space<hbm>>) dst(%dma_wait3A_42 : memref<632x128xf32, #tpu.memory_space<vmem_shared>>)
      tpu.yield
    }) : () -> ()
    %barrier3A = arith.constant 0 : index
    tpu.barrier barrier_id(%barrier3A)
    %eq3A = arith.constant 0 : i32
    %eq3A_1 = arith.cmpi eq, %arg0, %eq3A : i32
    %jit3A = arith.constant 120 : i32
    %jit3A_2 = arith.constant 40 : i32
    %select_n3A = arith.select %eq3A_1, %jit3A, %jit3A_2 : i32
    %mul3A_3 = arith.constant 16 : i32
    %mul3A_4 = arith.muli %arg0, %mul3A_3 : i32
    %mul3A_5 = arith.constant 120 : i32
    %mul3A_6 = arith.muli %mul3A_4, %mul3A_5 : i32
    %mul3A_7 = arith.muli %arg1, %select_n3A : i32
    %add3A = arith.addi %mul3A_6, %mul3A_7 : i32
    %jit3A_8 = arith.constant 40 : i32
    %div3A = arith.divsi %select_n3A, %jit3A_8 : i32
    %sign3A = arith.constant 0 : i32
    %sign3A_9 = arith.cmpi sgt, %select_n3A, %sign3A : i32
    %sign3A_10 = arith.extui %sign3A_9 : i1 to i32
    %sign3A_11 = arith.constant 0 : i32
    %sign3A_12 = arith.cmpi slt, %select_n3A, %sign3A_11 : i32
    %sign3A_13 = arith.extui %sign3A_12 : i1 to i32
    %sign3A_14 = arith.subi %sign3A_10, %sign3A_13 : i32
    %sign3A_15 = arith.constant 0 : i32
    %sign3A_16 = arith.cmpi sgt, %jit3A_8, %sign3A_15 : i32
    %sign3A_17 = arith.extui %sign3A_16 : i1 to i32
    %sign3A_18 = arith.constant 0 : i32
    %sign3A_19 = arith.cmpi slt, %jit3A_8, %sign3A_18 : i32
    %sign3A_20 = arith.extui %sign3A_19 : i1 to i32
    %sign3A_21 = arith.subi %sign3A_17, %sign3A_20 : i32
    %ne3A = arith.cmpi ne, %sign3A_14, %sign3A_21 : i32
    %rem3A = arith.remsi %select_n3A, %jit3A_8 : i32
    %ne3A_22 = arith.constant 0 : i32
    %ne3A_23 = arith.cmpi ne, %rem3A, %ne3A_22 : i32
    %and3A = arith.andi %ne3A, %ne3A_23 : i1
    %sub3A = arith.constant 1 : i32
    %sub3A_24 = arith.subi %div3A, %sub3A : i32
    %select_n3A_25 = arith.select %and3A, %sub3A_24, %div3A : i32
    %while3A = arith.constant 0 : i32
    %while3A_26 = arith.constant 0 : i32
    %while3A_27 = arith.subi %select_n3A_25, %while3A_26 : i32
    %while3A_28 = arith.addi %while3A_26, %while3A_27 : i32
    %while3A_29 = arith.constant 1 : i32
    %while3A_30 = arith.divsi %while3A_27, %while3A_29 : i32
    %while3A_31 = arith.muli %while3A_30, %while3A_29 : i32
    %while3A_32 = arith.addi %while3A_26, %while3A_31 : i32
    %while3A_33 = arith.constant 1 : i32
    scf.for %while3A_39 = %while3A_26 to %while3A_32 step %while3A_33  : i32 {
      %mul3A_40 = arith.constant 40 : i32
      %mul3A_41 = arith.muli %while3A_39, %mul3A_40 : i32
      %add3A_42 = arith.addi %add3A, %mul3A_41 : i32
      "tpu.region"() ({
        %run_scoped3A = tpu.sem_alloc : memref<!tpu.dma_semaphore, #tpu.memory_space<semaphore_mem>>
        %dma_start3A_59 = arith.constant 0 : i32
        %dma_start3A_60 = tpu.memref_slice %arg3[%add3A_42, %dma_start3A_59] : memref<2560x128xi32, #tpu.memory_space<hbm>> -> memref<40x128xi32, #tpu.memory_space<hbm>>
        %dma_start3A_61 = arith.constant 0 : i32
        %dma_start3A_62 = tpu.memref_slice %arg3[%add3A_42, %dma_start3A_61] : memref<2560x128xi32, #tpu.memory_space<hbm>> -> memref<40x128xi32, #tpu.memory_space<hbm>>
        tpu.enqueue_dma source(%dma_start3A_62 : memref<40x128xi32, #tpu.memory_space<hbm>>) target(%arg7 : memref<40x128xi32, #tpu.memory_space<vmem>>) target_semaphore(%run_scoped3A : memref<!tpu.dma_semaphore, #tpu.memory_space<semaphore_mem>>)
        %dma_wait3A = arith.constant 0 : i32
        %dma_wait3A_63 = tpu.memref_slice %arg3[%add3A_42, %dma_wait3A] : memref<2560x128xi32, #tpu.memory_space<hbm>> -> memref<40x128xi32, #tpu.memory_space<hbm>>
        %dma_wait3A_64 = arith.constant 0 : i32
        %dma_wait3A_65 = tpu.memref_slice %arg3[%add3A_42, %dma_wait3A_64] : memref<2560x128xi32, #tpu.memory_space<hbm>> -> memref<40x128xi32, #tpu.memory_space<hbm>>
        tpu.wait_dma2 semaphore(%run_scoped3A : memref<!tpu.dma_semaphore, #tpu.memory_space<semaphore_mem>>) src(%dma_wait3A_65 : memref<40x128xi32, #tpu.memory_space<hbm>>) dst(%arg7 : memref<40x128xi32, #tpu.memory_space<vmem>>)
        tpu.yield
      }) : () -> ()
      "tpu.region"() ({
        %run_scoped3A = tpu.sem_alloc : memref<!tpu.dma_semaphore, #tpu.memory_space<semaphore_mem>>
        %dma_start3A_59 = arith.constant 0 : i32
        %dma_start3A_60 = tpu.memref_slice %arg4[%add3A_42, %dma_start3A_59] : memref<2560x128xi32, #tpu.memory_space<hbm>> -> memref<40x128xi32, #tpu.memory_space<hbm>>
        %dma_start3A_61 = arith.constant 0 : i32
        %dma_start3A_62 = tpu.memref_slice %arg4[%add3A_42, %dma_start3A_61] : memref<2560x128xi32, #tpu.memory_space<hbm>> -> memref<40x128xi32, #tpu.memory_space<hbm>>
        tpu.enqueue_dma source(%dma_start3A_62 : memref<40x128xi32, #tpu.memory_space<hbm>>) target(%arg8 : memref<40x128xi32, #tpu.memory_space<vmem>>) target_semaphore(%run_scoped3A : memref<!tpu.dma_semaphore, #tpu.memory_space<semaphore_mem>>)
        %dma_wait3A = arith.constant 0 : i32
        %dma_wait3A_63 = tpu.memref_slice %arg4[%add3A_42, %dma_wait3A] : memref<2560x128xi32, #tpu.memory_space<hbm>> -> memref<40x128xi32, #tpu.memory_space<hbm>>
        %dma_wait3A_64 = arith.constant 0 : i32
        %dma_wait3A_65 = tpu.memref_slice %arg4[%add3A_42, %dma_wait3A_64] : memref<2560x128xi32, #tpu.memory_space<hbm>> -> memref<40x128xi32, #tpu.memory_space<hbm>>
        tpu.wait_dma2 semaphore(%run_scoped3A : memref<!tpu.dma_semaphore, #tpu.memory_space<semaphore_mem>>) src(%dma_wait3A_65 : memref<40x128xi32, #tpu.memory_space<hbm>>) dst(%arg8 : memref<40x128xi32, #tpu.memory_space<vmem>>)
        tpu.yield
      }) : () -> ()
      %dma_start3A = arith.constant 0 : i32
      %dma_start3A_43 = arith.constant 0 : i32
      %dma_start3A_44 = arith.constant 0 : i32
      %dma_start3A_45 = arith.constant 0 : i32
      %dma_start3A_46 = tpu.memref_slice %arg9[%dma_start3A_43, %dma_start3A_44, %dma_start3A_45] : memref<2x128x128xf32, #tpu.memory_space<vmem>> -> memref<1x128x128xf32, #tpu.memory_space<vmem>>
      %dma_start3A_47 = tpu.memref_squeeze %dma_start3A_46 : memref<1x128x128xf32, #tpu.memory_space<vmem>> -> memref<128x128xf32, #tpu.memory_space<vmem>>
      %dma_start3A_48 = arith.constant 0 : i32
      %dma_start3A_49 = tpu.memref_slice %arg7[%dma_start3A, %dma_start3A_48] : memref<40x128xi32, #tpu.memory_space<vmem>> -> memref<1x128xi32, #tpu.memory_space<vmem>>
      %dma_start3A_50 = tpu.memref_squeeze %dma_start3A_49 : memref<1x128xi32, #tpu.memory_space<vmem>> -> memref<128xi32, #tpu.memory_space<vmem>>
      %dma_start3A_51 = arith.constant 0 : i32
      %dma_start3A_52 = arith.constant 0 : i32
      %dma_start3A_53 = tpu.memref_slice %arg2[%dma_start3A_51, %dma_start3A_52] : memref<10000x128xf32, #tpu.memory_space<hbm>> -> memref<10000x128xf32, #tpu.memory_space<hbm>>
      tpu.enqueue_indirect_dma source(%dma_start3A_53 : memref<10000x128xf32, #tpu.memory_space<hbm>>) target(%dma_start3A_47 : memref<128x128xf32, #tpu.memory_space<vmem>>) offsets(%dma_start3A_50 : memref<128xi32, #tpu.memory_space<vmem>>) semaphore(%arg11 : memref<!tpu.dma_semaphore, #tpu.memory_space<semaphore_mem>>)
      %scan3A = arith.constant 0 : i32
      %scan3A_54 = arith.constant 0 : i32
      %scan3A_55 = arith.constant 20 : i32
      %scan3A_56 = arith.addi %scan3A_54, %scan3A_55 : i32
      %scan3A_57 = arith.constant 1 : i32
      scf.for %scan3A_59 = %scan3A_54 to %scan3A_56 step %scan3A_57  : i32 {
        %mul3A_60 = arith.constant 2 : i32
        %mul3A_61 = arith.muli %scan3A_59, %mul3A_60 : i32
        %add3A_62 = arith.constant 0 : i32
        %add3A_63 = arith.addi %mul3A_61, %add3A_62 : i32
        %dma_wait3A = arith.constant 0 : i32
        %dma_wait3A_64 = arith.constant 0 : i32
        %dma_wait3A_65 = arith.constant 0 : i32
        %dma_wait3A_66 = tpu.memref_slice %arg9[%dma_wait3A, %dma_wait3A_64, %dma_wait3A_65] : memref<2x128x128xf32, #tpu.memory_space<vmem>> -> memref<1x128x128xf32, #tpu.memory_space<vmem>>
        %dma_wait3A_67 = tpu.memref_squeeze %dma_wait3A_66 : memref<1x128x128xf32, #tpu.memory_space<vmem>> -> memref<128x128xf32, #tpu.memory_space<vmem>>
        %dma_wait3A_68 = arith.constant 0 : i32
        %dma_wait3A_69 = tpu.memref_slice %arg7[%add3A_63, %dma_wait3A_68] : memref<40x128xi32, #tpu.memory_space<vmem>> -> memref<1x128xi32, #tpu.memory_space<vmem>>
        %dma_wait3A_70 = tpu.memref_squeeze %dma_wait3A_69 : memref<1x128xi32, #tpu.memory_space<vmem>> -> memref<128xi32, #tpu.memory_space<vmem>>
        %dma_wait3A_71 = arith.constant 0 : i32
        %dma_wait3A_72 = arith.constant 0 : i32
        %dma_wait3A_73 = tpu.memref_slice %arg2[%dma_wait3A_71, %dma_wait3A_72] : memref<10000x128xf32, #tpu.memory_space<hbm>> -> memref<10000x128xf32, #tpu.memory_space<hbm>>
        tpu.wait_indirect_dma semaphore(%arg11 : memref<!tpu.dma_semaphore, #tpu.memory_space<semaphore_mem>>) src(%dma_wait3A_73 : memref<10000x128xf32, #tpu.memory_space<hbm>>) dst(%dma_wait3A_67 : memref<128x128xf32, #tpu.memory_space<vmem>>)
        %lt3A = arith.constant 39 : i32
        %lt3A_74 = arith.cmpi slt, %add3A_63, %lt3A : i32
        %convert_element_type3A = arith.extui %lt3A_74 : i1 to i32
        %cond3A = arith.constant 0 : i32
        %cond3A_75 = arith.cmpi ne, %convert_element_type3A, %cond3A : i32
        scf.if %cond3A_75 {
          %add3A_97 = arith.constant 1 : i32
          %add3A_98 = arith.addi %add3A_63, %add3A_97 : i32
          %dma_start3A_99 = arith.constant 1 : i32
          %dma_start3A_100 = arith.constant 0 : i32
          %dma_start3A_101 = arith.constant 0 : i32
          %dma_start3A_102 = tpu.memref_slice %arg9[%dma_start3A_99, %dma_start3A_100, %dma_start3A_101] : memref<2x128x128xf32, #tpu.memory_space<vmem>> -> memref<1x128x128xf32, #tpu.memory_space<vmem>>
          %dma_start3A_103 = tpu.memref_squeeze %dma_start3A_102 : memref<1x128x128xf32, #tpu.memory_space<vmem>> -> memref<128x128xf32, #tpu.memory_space<vmem>>
          %dma_start3A_104 = arith.constant 0 : i32
          %dma_start3A_105 = tpu.memref_slice %arg7[%add3A_98, %dma_start3A_104] : memref<40x128xi32, #tpu.memory_space<vmem>> -> memref<1x128xi32, #tpu.memory_space<vmem>>
          %dma_start3A_106 = tpu.memref_squeeze %dma_start3A_105 : memref<1x128xi32, #tpu.memory_space<vmem>> -> memref<128xi32, #tpu.memory_space<vmem>>
          %dma_start3A_107 = arith.constant 0 : i32
          %dma_start3A_108 = arith.constant 0 : i32
          %dma_start3A_109 = tpu.memref_slice %arg2[%dma_start3A_107, %dma_start3A_108] : memref<10000x128xf32, #tpu.memory_space<hbm>> -> memref<10000x128xf32, #tpu.memory_space<hbm>>
          tpu.enqueue_indirect_dma source(%dma_start3A_109 : memref<10000x128xf32, #tpu.memory_space<hbm>>) target(%dma_start3A_103 : memref<128x128xf32, #tpu.memory_space<vmem>>) offsets(%dma_start3A_106 : memref<128xi32, #tpu.memory_space<vmem>>) semaphore(%arg12 : memref<!tpu.dma_semaphore, #tpu.memory_space<semaphore_mem>>)
        } else {
        }
        %run_scoped3A = arith.constant 0 : i32
        "tpu.region"() ({
          %run_scoped3A_97 = tpu.sem_alloc : memref<!tpu.dma_semaphore, #tpu.memory_space<semaphore_mem>>
          %dma_start3A_98 = arith.constant 0 : i32
          %dma_start3A_99 = arith.constant 0 : i32
          %dma_start3A_100 = tpu.memref_slice %arg9[%run_scoped3A, %dma_start3A_98, %dma_start3A_99] : memref<2x128x128xf32, #tpu.memory_space<vmem>> -> memref<1x128x128xf32, #tpu.memory_space<vmem>>
          %dma_start3A_101 = tpu.memref_squeeze %dma_start3A_100 : memref<1x128x128xf32, #tpu.memory_space<vmem>> -> memref<128x128xf32, #tpu.memory_space<vmem>>
          %dma_start3A_102 = arith.constant 0 : i32
          %dma_start3A_103 = tpu.memref_slice %arg8[%add3A_63, %dma_start3A_102] : memref<40x128xi32, #tpu.memory_space<vmem>> -> memref<1x128xi32, #tpu.memory_space<vmem>>
          %dma_start3A_104 = tpu.memref_squeeze %dma_start3A_103 : memref<1x128xi32, #tpu.memory_space<vmem>> -> memref<128xi32, #tpu.memory_space<vmem>>
          %dma_start3A_105 = arith.constant 0 : i32
          %dma_start3A_106 = arith.constant 0 : i32
          %dma_start3A_107 = tpu.memref_slice %arg10[%dma_start3A_105, %dma_start3A_106] : memref<10112x128xf32, #tpu.memory_space<vmem_shared>> -> memref<10112x128xf32, #tpu.memory_space<vmem_shared>>
          tpu.enqueue_indirect_dma source(%dma_start3A_101 : memref<128x128xf32, #tpu.memory_space<vmem>>) target(%dma_start3A_107 : memref<10112x128xf32, #tpu.memory_space<vmem_shared>>) offsets(%dma_start3A_104 : memref<128xi32, #tpu.memory_space<vmem>>) semaphore(%run_scoped3A_97 : memref<!tpu.dma_semaphore, #tpu.memory_space<semaphore_mem>>) {add = true}
          %dma_wait3A_108 = arith.constant 0 : i32
          %dma_wait3A_109 = arith.constant 0 : i32
          %dma_wait3A_110 = tpu.memref_slice %arg9[%run_scoped3A, %dma_wait3A_108, %dma_wait3A_109] : memref<2x128x128xf32, #tpu.memory_space<vmem>> -> memref<1x128x128xf32, #tpu.memory_space<vmem>>
          %dma_wait3A_111 = tpu.memref_squeeze %dma_wait3A_110 : memref<1x128x128xf32, #tpu.memory_space<vmem>> -> memref<128x128xf32, #tpu.memory_space<vmem>>
          %dma_wait3A_112 = arith.constant 0 : i32
          %dma_wait3A_113 = tpu.memref_slice %arg8[%add3A_63, %dma_wait3A_112] : memref<40x128xi32, #tpu.memory_space<vmem>> -> memref<1x128xi32, #tpu.memory_space<vmem>>
          %dma_wait3A_114 = tpu.memref_squeeze %dma_wait3A_113 : memref<1x128xi32, #tpu.memory_space<vmem>> -> memref<128xi32, #tpu.memory_space<vmem>>
          %dma_wait3A_115 = arith.constant 0 : i32
          %dma_wait3A_116 = arith.constant 0 : i32
          %dma_wait3A_117 = tpu.memref_slice %arg10[%dma_wait3A_115, %dma_wait3A_116] : memref<10112x128xf32, #tpu.memory_space<vmem_shared>> -> memref<10112x128xf32, #tpu.memory_space<vmem_shared>>
          tpu.wait_indirect_dma semaphore(%run_scoped3A_97 : memref<!tpu.dma_semaphore, #tpu.memory_space<semaphore_mem>>) src(%dma_wait3A_111 : memref<128x128xf32, #tpu.memory_space<vmem>>) dst(%dma_wait3A_117 : memref<10112x128xf32, #tpu.memory_space<vmem_shared>>)
          tpu.yield
        }) : () -> ()
        %mul3A_76 = arith.constant 2 : i32
        %mul3A_77 = arith.muli %scan3A_59, %mul3A_76 : i32
        %add3A_78 = arith.constant 1 : i32
        %add3A_79 = arith.addi %mul3A_77, %add3A_78 : i32
        %dma_wait3A_80 = arith.constant 1 : i32
        %dma_wait3A_81 = arith.constant 0 : i32
        %dma_wait3A_82 = arith.constant 0 : i32
        %dma_wait3A_83 = tpu.memref_slice %arg9[%dma_wait3A_80, %dma_wait3A_81, %dma_wait3A_82] : memref<2x128x128xf32, #tpu.memory_space<vmem>> -> memref<1x128x128xf32, #tpu.memory_space<vmem>>
        %dma_wait3A_84 = tpu.memref_squeeze %dma_wait3A_83 : memref<1x128x128xf32, #tpu.memory_space<vmem>> -> memref<128x128xf32, #tpu.memory_space<vmem>>
        %dma_wait3A_85 = arith.constant 0 : i32
        %dma_wait3A_86 = tpu.memref_slice %arg7[%add3A_79, %dma_wait3A_85] : memref<40x128xi32, #tpu.memory_space<vmem>> -> memref<1x128xi32, #tpu.memory_space<vmem>>
        %dma_wait3A_87 = tpu.memref_squeeze %dma_wait3A_86 : memref<1x128xi32, #tpu.memory_space<vmem>> -> memref<128xi32, #tpu.memory_space<vmem>>
        %dma_wait3A_88 = arith.constant 0 : i32
        %dma_wait3A_89 = arith.constant 0 : i32
        %dma_wait3A_90 = tpu.memref_slice %arg2[%dma_wait3A_88, %dma_wait3A_89] : memref<10000x128xf32, #tpu.memory_space<hbm>> -> memref<10000x128xf32, #tpu.memory_space<hbm>>
        tpu.wait_indirect_dma semaphore(%arg12 : memref<!tpu.dma_semaphore, #tpu.memory_space<semaphore_mem>>) src(%dma_wait3A_90 : memref<10000x128xf32, #tpu.memory_space<hbm>>) dst(%dma_wait3A_84 : memref<128x128xf32, #tpu.memory_space<vmem>>)
        %lt3A_91 = arith.constant 39 : i32
        %lt3A_92 = arith.cmpi slt, %add3A_79, %lt3A_91 : i32
        %convert_element_type3A_93 = arith.extui %lt3A_92 : i1 to i32
        %cond3A_94 = arith.constant 0 : i32
        %cond3A_95 = arith.cmpi ne, %convert_element_type3A_93, %cond3A_94 : i32
        scf.if %cond3A_95 {
          %add3A_97 = arith.constant 1 : i32
          %add3A_98 = arith.addi %add3A_79, %add3A_97 : i32
          %dma_start3A_99 = arith.constant 0 : i32
          %dma_start3A_100 = arith.constant 0 : i32
          %dma_start3A_101 = arith.constant 0 : i32
          %dma_start3A_102 = tpu.memref_slice %arg9[%dma_start3A_99, %dma_start3A_100, %dma_start3A_101] : memref<2x128x128xf32, #tpu.memory_space<vmem>> -> memref<1x128x128xf32, #tpu.memory_space<vmem>>
          %dma_start3A_103 = tpu.memref_squeeze %dma_start3A_102 : memref<1x128x128xf32, #tpu.memory_space<vmem>> -> memref<128x128xf32, #tpu.memory_space<vmem>>
          %dma_start3A_104 = arith.constant 0 : i32
          %dma_start3A_105 = tpu.memref_slice %arg7[%add3A_98, %dma_start3A_104] : memref<40x128xi32, #tpu.memory_space<vmem>> -> memref<1x128xi32, #tpu.memory_space<vmem>>
          %dma_start3A_106 = tpu.memref_squeeze %dma_start3A_105 : memref<1x128xi32, #tpu.memory_space<vmem>> -> memref<128xi32, #tpu.memory_space<vmem>>
          %dma_start3A_107 = arith.constant 0 : i32
          %dma_start3A_108 = arith.constant 0 : i32
          %dma_start3A_109 = tpu.memref_slice %arg2[%dma_start3A_107, %dma_start3A_108] : memref<10000x128xf32, #tpu.memory_space<hbm>> -> memref<10000x128xf32, #tpu.memory_space<hbm>>
          tpu.enqueue_indirect_dma source(%dma_start3A_109 : memref<10000x128xf32, #tpu.memory_space<hbm>>) target(%dma_start3A_103 : memref<128x128xf32, #tpu.memory_space<vmem>>) offsets(%dma_start3A_106 : memref<128xi32, #tpu.memory_space<vmem>>) semaphore(%arg11 : memref<!tpu.dma_semaphore, #tpu.memory_space<semaphore_mem>>)
        } else {
        }
        %run_scoped3A_96 = arith.constant 1 : i32
        "tpu.region"() ({
          %run_scoped3A_97 = tpu.sem_alloc : memref<!tpu.dma_semaphore, #tpu.memory_space<semaphore_mem>>
          %dma_start3A_98 = arith.constant 0 : i32
          %dma_start3A_99 = arith.constant 0 : i32
          %dma_start3A_100 = tpu.memref_slice %arg9[%run_scoped3A_96, %dma_start3A_98, %dma_start3A_99] : memref<2x128x128xf32, #tpu.memory_space<vmem>> -> memref<1x128x128xf32, #tpu.memory_space<vmem>>
          %dma_start3A_101 = tpu.memref_squeeze %dma_start3A_100 : memref<1x128x128xf32, #tpu.memory_space<vmem>> -> memref<128x128xf32, #tpu.memory_space<vmem>>
          %dma_start3A_102 = arith.constant 0 : i32
          %dma_start3A_103 = tpu.memref_slice %arg8[%add3A_79, %dma_start3A_102] : memref<40x128xi32, #tpu.memory_space<vmem>> -> memref<1x128xi32, #tpu.memory_space<vmem>>
          %dma_start3A_104 = tpu.memref_squeeze %dma_start3A_103 : memref<1x128xi32, #tpu.memory_space<vmem>> -> memref<128xi32, #tpu.memory_space<vmem>>
          %dma_start3A_105 = arith.constant 0 : i32
          %dma_start3A_106 = arith.constant 0 : i32
          %dma_start3A_107 = tpu.memref_slice %arg10[%dma_start3A_105, %dma_start3A_106] : memref<10112x128xf32, #tpu.memory_space<vmem_shared>> -> memref<10112x128xf32, #tpu.memory_space<vmem_shared>>
          tpu.enqueue_indirect_dma source(%dma_start3A_101 : memref<128x128xf32, #tpu.memory_space<vmem>>) target(%dma_start3A_107 : memref<10112x128xf32, #tpu.memory_space<vmem_shared>>) offsets(%dma_start3A_104 : memref<128xi32, #tpu.memory_space<vmem>>) semaphore(%run_scoped3A_97 : memref<!tpu.dma_semaphore, #tpu.memory_space<semaphore_mem>>) {add = true}
          %dma_wait3A_108 = arith.constant 0 : i32
          %dma_wait3A_109 = arith.constant 0 : i32
          %dma_wait3A_110 = tpu.memref_slice %arg9[%run_scoped3A_96, %dma_wait3A_108, %dma_wait3A_109] : memref<2x128x128xf32, #tpu.memory_space<vmem>> -> memref<1x128x128xf32, #tpu.memory_space<vmem>>
          %dma_wait3A_111 = tpu.memref_squeeze %dma_wait3A_110 : memref<1x128x128xf32, #tpu.memory_space<vmem>> -> memref<128x128xf32, #tpu.memory_space<vmem>>
          %dma_wait3A_112 = arith.constant 0 : i32
          %dma_wait3A_113 = tpu.memref_slice %arg8[%add3A_79, %dma_wait3A_112] : memref<40x128xi32, #tpu.memory_space<vmem>> -> memref<1x128xi32, #tpu.memory_space<vmem>>
          %dma_wait3A_114 = tpu.memref_squeeze %dma_wait3A_113 : memref<1x128xi32, #tpu.memory_space<vmem>> -> memref<128xi32, #tpu.memory_space<vmem>>
          %dma_wait3A_115 = arith.constant 0 : i32
          %dma_wait3A_116 = arith.constant 0 : i32
          %dma_wait3A_117 = tpu.memref_slice %arg10[%dma_wait3A_115, %dma_wait3A_116] : memref<10112x128xf32, #tpu.memory_space<vmem_shared>> -> memref<10112x128xf32, #tpu.memory_space<vmem_shared>>
          tpu.wait_indirect_dma semaphore(%run_scoped3A_97 : memref<!tpu.dma_semaphore, #tpu.memory_space<semaphore_mem>>) src(%dma_wait3A_111 : memref<128x128xf32, #tpu.memory_space<vmem>>) dst(%dma_wait3A_117 : memref<10112x128xf32, #tpu.memory_space<vmem_shared>>)
          tpu.yield
        }) : () -> ()
      }
      %scan3A_58 = arith.constant 20 : i32
    }
    %while3A_34 = arith.constant 1 : i32
    scf.for %while3A_39 = %while3A_32 to %while3A_28 step %while3A_34  : i32 {
      %mul3A_40 = arith.constant 40 : i32
      %mul3A_41 = arith.muli %while3A_39, %mul3A_40 : i32
      %add3A_42 = arith.addi %add3A, %mul3A_41 : i32
      "tpu.region"() ({
        %run_scoped3A = tpu.sem_alloc : memref<!tpu.dma_semaphore, #tpu.memory_space<semaphore_mem>>
        %dma_start3A_59 = arith.constant 0 : i32
        %dma_start3A_60 = tpu.memref_slice %arg3[%add3A_42, %dma_start3A_59] : memref<2560x128xi32, #tpu.memory_space<hbm>> -> memref<40x128xi32, #tpu.memory_space<hbm>>
        %dma_start3A_61 = arith.constant 0 : i32
        %dma_start3A_62 = tpu.memref_slice %arg3[%add3A_42, %dma_start3A_61] : memref<2560x128xi32, #tpu.memory_space<hbm>> -> memref<40x128xi32, #tpu.memory_space<hbm>>
        tpu.enqueue_dma source(%dma_start3A_62 : memref<40x128xi32, #tpu.memory_space<hbm>>) target(%arg7 : memref<40x128xi32, #tpu.memory_space<vmem>>) target_semaphore(%run_scoped3A : memref<!tpu.dma_semaphore, #tpu.memory_space<semaphore_mem>>)
        %dma_wait3A = arith.constant 0 : i32
        %dma_wait3A_63 = tpu.memref_slice %arg3[%add3A_42, %dma_wait3A] : memref<2560x128xi32, #tpu.memory_space<hbm>> -> memref<40x128xi32, #tpu.memory_space<hbm>>
        %dma_wait3A_64 = arith.constant 0 : i32
        %dma_wait3A_65 = tpu.memref_slice %arg3[%add3A_42, %dma_wait3A_64] : memref<2560x128xi32, #tpu.memory_space<hbm>> -> memref<40x128xi32, #tpu.memory_space<hbm>>
        tpu.wait_dma2 semaphore(%run_scoped3A : memref<!tpu.dma_semaphore, #tpu.memory_space<semaphore_mem>>) src(%dma_wait3A_65 : memref<40x128xi32, #tpu.memory_space<hbm>>) dst(%arg7 : memref<40x128xi32, #tpu.memory_space<vmem>>)
        tpu.yield
      }) : () -> ()
      "tpu.region"() ({
        %run_scoped3A = tpu.sem_alloc : memref<!tpu.dma_semaphore, #tpu.memory_space<semaphore_mem>>
        %dma_start3A_59 = arith.constant 0 : i32
        %dma_start3A_60 = tpu.memref_slice %arg4[%add3A_42, %dma_start3A_59] : memref<2560x128xi32, #tpu.memory_space<hbm>> -> memref<40x128xi32, #tpu.memory_space<hbm>>
        %dma_start3A_61 = arith.constant 0 : i32
        %dma_start3A_62 = tpu.memref_slice %arg4[%add3A_42, %dma_start3A_61] : memref<2560x128xi32, #tpu.memory_space<hbm>> -> memref<40x128xi32, #tpu.memory_space<hbm>>
        tpu.enqueue_dma source(%dma_start3A_62 : memref<40x128xi32, #tpu.memory_space<hbm>>) target(%arg8 : memref<40x128xi32, #tpu.memory_space<vmem>>) target_semaphore(%run_scoped3A : memref<!tpu.dma_semaphore, #tpu.memory_space<semaphore_mem>>)
        %dma_wait3A = arith.constant 0 : i32
        %dma_wait3A_63 = tpu.memref_slice %arg4[%add3A_42, %dma_wait3A] : memref<2560x128xi32, #tpu.memory_space<hbm>> -> memref<40x128xi32, #tpu.memory_space<hbm>>
        %dma_wait3A_64 = arith.constant 0 : i32
        %dma_wait3A_65 = tpu.memref_slice %arg4[%add3A_42, %dma_wait3A_64] : memref<2560x128xi32, #tpu.memory_space<hbm>> -> memref<40x128xi32, #tpu.memory_space<hbm>>
        tpu.wait_dma2 semaphore(%run_scoped3A : memref<!tpu.dma_semaphore, #tpu.memory_space<semaphore_mem>>) src(%dma_wait3A_65 : memref<40x128xi32, #tpu.memory_space<hbm>>) dst(%arg8 : memref<40x128xi32, #tpu.memory_space<vmem>>)
        tpu.yield
      }) : () -> ()
      %dma_start3A = arith.constant 0 : i32
      %dma_start3A_43 = arith.constant 0 : i32
      %dma_start3A_44 = arith.constant 0 : i32
      %dma_start3A_45 = arith.constant 0 : i32
      %dma_start3A_46 = tpu.memref_slice %arg9[%dma_start3A_43, %dma_start3A_44, %dma_start3A_45] : memref<2x128x128xf32, #tpu.memory_space<vmem>> -> memref<1x128x128xf32, #tpu.memory_space<vmem>>
      %dma_start3A_47 = tpu.memref_squeeze %dma_start3A_46 : memref<1x128x128xf32, #tpu.memory_space<vmem>> -> memref<128x128xf32, #tpu.memory_space<vmem>>
      %dma_start3A_48 = arith.constant 0 : i32
      %dma_start3A_49 = tpu.memref_slice %arg7[%dma_start3A, %dma_start3A_48] : memref<40x128xi32, #tpu.memory_space<vmem>> -> memref<1x128xi32, #tpu.memory_space<vmem>>
      %dma_start3A_50 = tpu.memref_squeeze %dma_start3A_49 : memref<1x128xi32, #tpu.memory_space<vmem>> -> memref<128xi32, #tpu.memory_space<vmem>>
      %dma_start3A_51 = arith.constant 0 : i32
      %dma_start3A_52 = arith.constant 0 : i32
      %dma_start3A_53 = tpu.memref_slice %arg2[%dma_start3A_51, %dma_start3A_52] : memref<10000x128xf32, #tpu.memory_space<hbm>> -> memref<10000x128xf32, #tpu.memory_space<hbm>>
      tpu.enqueue_indirect_dma source(%dma_start3A_53 : memref<10000x128xf32, #tpu.memory_space<hbm>>) target(%dma_start3A_47 : memref<128x128xf32, #tpu.memory_space<vmem>>) offsets(%dma_start3A_50 : memref<128xi32, #tpu.memory_space<vmem>>) semaphore(%arg11 : memref<!tpu.dma_semaphore, #tpu.memory_space<semaphore_mem>>)
      %scan3A = arith.constant 0 : i32
      %scan3A_54 = arith.constant 0 : i32
      %scan3A_55 = arith.constant 20 : i32
      %scan3A_56 = arith.addi %scan3A_54, %scan3A_55 : i32
      %scan3A_57 = arith.constant 1 : i32
      scf.for %scan3A_59 = %scan3A_54 to %scan3A_56 step %scan3A_57  : i32 {
        %mul3A_60 = arith.constant 2 : i32
        %mul3A_61 = arith.muli %scan3A_59, %mul3A_60 : i32
        %add3A_62 = arith.constant 0 : i32
        %add3A_63 = arith.addi %mul3A_61, %add3A_62 : i32
        %dma_wait3A = arith.constant 0 : i32
        %dma_wait3A_64 = arith.constant 0 : i32
        %dma_wait3A_65 = arith.constant 0 : i32
        %dma_wait3A_66 = tpu.memref_slice %arg9[%dma_wait3A, %dma_wait3A_64, %dma_wait3A_65] : memref<2x128x128xf32, #tpu.memory_space<vmem>> -> memref<1x128x128xf32, #tpu.memory_space<vmem>>
        %dma_wait3A_67 = tpu.memref_squeeze %dma_wait3A_66 : memref<1x128x128xf32, #tpu.memory_space<vmem>> -> memref<128x128xf32, #tpu.memory_space<vmem>>
        %dma_wait3A_68 = arith.constant 0 : i32
        %dma_wait3A_69 = tpu.memref_slice %arg7[%add3A_63, %dma_wait3A_68] : memref<40x128xi32, #tpu.memory_space<vmem>> -> memref<1x128xi32, #tpu.memory_space<vmem>>
        %dma_wait3A_70 = tpu.memref_squeeze %dma_wait3A_69 : memref<1x128xi32, #tpu.memory_space<vmem>> -> memref<128xi32, #tpu.memory_space<vmem>>
        %dma_wait3A_71 = arith.constant 0 : i32
        %dma_wait3A_72 = arith.constant 0 : i32
        %dma_wait3A_73 = tpu.memref_slice %arg2[%dma_wait3A_71, %dma_wait3A_72] : memref<10000x128xf32, #tpu.memory_space<hbm>> -> memref<10000x128xf32, #tpu.memory_space<hbm>>
        tpu.wait_indirect_dma semaphore(%arg11 : memref<!tpu.dma_semaphore, #tpu.memory_space<semaphore_mem>>) src(%dma_wait3A_73 : memref<10000x128xf32, #tpu.memory_space<hbm>>) dst(%dma_wait3A_67 : memref<128x128xf32, #tpu.memory_space<vmem>>)
        %lt3A = arith.constant 39 : i32
        %lt3A_74 = arith.cmpi slt, %add3A_63, %lt3A : i32
        %convert_element_type3A = arith.extui %lt3A_74 : i1 to i32
        %cond3A = arith.constant 0 : i32
        %cond3A_75 = arith.cmpi ne, %convert_element_type3A, %cond3A : i32
        scf.if %cond3A_75 {
          %add3A_97 = arith.constant 1 : i32
          %add3A_98 = arith.addi %add3A_63, %add3A_97 : i32
          %dma_start3A_99 = arith.constant 1 : i32
          %dma_start3A_100 = arith.constant 0 : i32
          %dma_start3A_101 = arith.constant 0 : i32
          %dma_start3A_102 = tpu.memref_slice %arg9[%dma_start3A_99, %dma_start3A_100, %dma_start3A_101] : memref<2x128x128xf32, #tpu.memory_space<vmem>> -> memref<1x128x128xf32, #tpu.memory_space<vmem>>
          %dma_start3A_103 = tpu.memref_squeeze %dma_start3A_102 : memref<1x128x128xf32, #tpu.memory_space<vmem>> -> memref<128x128xf32, #tpu.memory_space<vmem>>
          %dma_start3A_104 = arith.constant 0 : i32
          %dma_start3A_105 = tpu.memref_slice %arg7[%add3A_98, %dma_start3A_104] : memref<40x128xi32, #tpu.memory_space<vmem>> -> memref<1x128xi32, #tpu.memory_space<vmem>>
          %dma_start3A_106 = tpu.memref_squeeze %dma_start3A_105 : memref<1x128xi32, #tpu.memory_space<vmem>> -> memref<128xi32, #tpu.memory_space<vmem>>
          %dma_start3A_107 = arith.constant 0 : i32
          %dma_start3A_108 = arith.constant 0 : i32
          %dma_start3A_109 = tpu.memref_slice %arg2[%dma_start3A_107, %dma_start3A_108] : memref<10000x128xf32, #tpu.memory_space<hbm>> -> memref<10000x128xf32, #tpu.memory_space<hbm>>
          tpu.enqueue_indirect_dma source(%dma_start3A_109 : memref<10000x128xf32, #tpu.memory_space<hbm>>) target(%dma_start3A_103 : memref<128x128xf32, #tpu.memory_space<vmem>>) offsets(%dma_start3A_106 : memref<128xi32, #tpu.memory_space<vmem>>) semaphore(%arg12 : memref<!tpu.dma_semaphore, #tpu.memory_space<semaphore_mem>>)
        } else {
        }
        %run_scoped3A = arith.constant 0 : i32
        "tpu.region"() ({
          %run_scoped3A_97 = tpu.sem_alloc : memref<!tpu.dma_semaphore, #tpu.memory_space<semaphore_mem>>
          %dma_start3A_98 = arith.constant 0 : i32
          %dma_start3A_99 = arith.constant 0 : i32
          %dma_start3A_100 = tpu.memref_slice %arg9[%run_scoped3A, %dma_start3A_98, %dma_start3A_99] : memref<2x128x128xf32, #tpu.memory_space<vmem>> -> memref<1x128x128xf32, #tpu.memory_space<vmem>>
          %dma_start3A_101 = tpu.memref_squeeze %dma_start3A_100 : memref<1x128x128xf32, #tpu.memory_space<vmem>> -> memref<128x128xf32, #tpu.memory_space<vmem>>
          %dma_start3A_102 = arith.constant 0 : i32
          %dma_start3A_103 = tpu.memref_slice %arg8[%add3A_63, %dma_start3A_102] : memref<40x128xi32, #tpu.memory_space<vmem>> -> memref<1x128xi32, #tpu.memory_space<vmem>>
          %dma_start3A_104 = tpu.memref_squeeze %dma_start3A_103 : memref<1x128xi32, #tpu.memory_space<vmem>> -> memref<128xi32, #tpu.memory_space<vmem>>
          %dma_start3A_105 = arith.constant 0 : i32
          %dma_start3A_106 = arith.constant 0 : i32
          %dma_start3A_107 = tpu.memref_slice %arg10[%dma_start3A_105, %dma_start3A_106] : memref<10112x128xf32, #tpu.memory_space<vmem_shared>> -> memref<10112x128xf32, #tpu.memory_space<vmem_shared>>
          tpu.enqueue_indirect_dma source(%dma_start3A_101 : memref<128x128xf32, #tpu.memory_space<vmem>>) target(%dma_start3A_107 : memref<10112x128xf32, #tpu.memory_space<vmem_shared>>) offsets(%dma_start3A_104 : memref<128xi32, #tpu.memory_space<vmem>>) semaphore(%run_scoped3A_97 : memref<!tpu.dma_semaphore, #tpu.memory_space<semaphore_mem>>) {add = true}
          %dma_wait3A_108 = arith.constant 0 : i32
          %dma_wait3A_109 = arith.constant 0 : i32
          %dma_wait3A_110 = tpu.memref_slice %arg9[%run_scoped3A, %dma_wait3A_108, %dma_wait3A_109] : memref<2x128x128xf32, #tpu.memory_space<vmem>> -> memref<1x128x128xf32, #tpu.memory_space<vmem>>
          %dma_wait3A_111 = tpu.memref_squeeze %dma_wait3A_110 : memref<1x128x128xf32, #tpu.memory_space<vmem>> -> memref<128x128xf32, #tpu.memory_space<vmem>>
          %dma_wait3A_112 = arith.constant 0 : i32
          %dma_wait3A_113 = tpu.memref_slice %arg8[%add3A_63, %dma_wait3A_112] : memref<40x128xi32, #tpu.memory_space<vmem>> -> memref<1x128xi32, #tpu.memory_space<vmem>>
          %dma_wait3A_114 = tpu.memref_squeeze %dma_wait3A_113 : memref<1x128xi32, #tpu.memory_space<vmem>> -> memref<128xi32, #tpu.memory_space<vmem>>
          %dma_wait3A_115 = arith.constant 0 : i32
          %dma_wait3A_116 = arith.constant 0 : i32
          %dma_wait3A_117 = tpu.memref_slice %arg10[%dma_wait3A_115, %dma_wait3A_116] : memref<10112x128xf32, #tpu.memory_space<vmem_shared>> -> memref<10112x128xf32, #tpu.memory_space<vmem_shared>>
          tpu.wait_indirect_dma semaphore(%run_scoped3A_97 : memref<!tpu.dma_semaphore, #tpu.memory_space<semaphore_mem>>) src(%dma_wait3A_111 : memref<128x128xf32, #tpu.memory_space<vmem>>) dst(%dma_wait3A_117 : memref<10112x128xf32, #tpu.memory_space<vmem_shared>>)
          tpu.yield
        }) : () -> ()
        %mul3A_76 = arith.constant 2 : i32
        %mul3A_77 = arith.muli %scan3A_59, %mul3A_76 : i32
        %add3A_78 = arith.constant 1 : i32
        %add3A_79 = arith.addi %mul3A_77, %add3A_78 : i32
        %dma_wait3A_80 = arith.constant 1 : i32
        %dma_wait3A_81 = arith.constant 0 : i32
        %dma_wait3A_82 = arith.constant 0 : i32
        %dma_wait3A_83 = tpu.memref_slice %arg9[%dma_wait3A_80, %dma_wait3A_81, %dma_wait3A_82] : memref<2x128x128xf32, #tpu.memory_space<vmem>> -> memref<1x128x128xf32, #tpu.memory_space<vmem>>
        %dma_wait3A_84 = tpu.memref_squeeze %dma_wait3A_83 : memref<1x128x128xf32, #tpu.memory_space<vmem>> -> memref<128x128xf32, #tpu.memory_space<vmem>>
        %dma_wait3A_85 = arith.constant 0 : i32
        %dma_wait3A_86 = tpu.memref_slice %arg7[%add3A_79, %dma_wait3A_85] : memref<40x128xi32, #tpu.memory_space<vmem>> -> memref<1x128xi32, #tpu.memory_space<vmem>>
        %dma_wait3A_87 = tpu.memref_squeeze %dma_wait3A_86 : memref<1x128xi32, #tpu.memory_space<vmem>> -> memref<128xi32, #tpu.memory_space<vmem>>
        %dma_wait3A_88 = arith.constant 0 : i32
        %dma_wait3A_89 = arith.constant 0 : i32
        %dma_wait3A_90 = tpu.memref_slice %arg2[%dma_wait3A_88, %dma_wait3A_89] : memref<10000x128xf32, #tpu.memory_space<hbm>> -> memref<10000x128xf32, #tpu.memory_space<hbm>>
        tpu.wait_indirect_dma semaphore(%arg12 : memref<!tpu.dma_semaphore, #tpu.memory_space<semaphore_mem>>) src(%dma_wait3A_90 : memref<10000x128xf32, #tpu.memory_space<hbm>>) dst(%dma_wait3A_84 : memref<128x128xf32, #tpu.memory_space<vmem>>)
        %lt3A_91 = arith.constant 39 : i32
        %lt3A_92 = arith.cmpi slt, %add3A_79, %lt3A_91 : i32
        %convert_element_type3A_93 = arith.extui %lt3A_92 : i1 to i32
        %cond3A_94 = arith.constant 0 : i32
        %cond3A_95 = arith.cmpi ne, %convert_element_type3A_93, %cond3A_94 : i32
        scf.if %cond3A_95 {
          %add3A_97 = arith.constant 1 : i32
          %add3A_98 = arith.addi %add3A_79, %add3A_97 : i32
          %dma_start3A_99 = arith.constant 0 : i32
          %dma_start3A_100 = arith.constant 0 : i32
          %dma_start3A_101 = arith.constant 0 : i32
          %dma_start3A_102 = tpu.memref_slice %arg9[%dma_start3A_99, %dma_start3A_100, %dma_start3A_101] : memref<2x128x128xf32, #tpu.memory_space<vmem>> -> memref<1x128x128xf32, #tpu.memory_space<vmem>>
          %dma_start3A_103 = tpu.memref_squeeze %dma_start3A_102 : memref<1x128x128xf32, #tpu.memory_space<vmem>> -> memref<128x128xf32, #tpu.memory_space<vmem>>
          %dma_start3A_104 = arith.constant 0 : i32
          %dma_start3A_105 = tpu.memref_slice %arg7[%add3A_98, %dma_start3A_104] : memref<40x128xi32, #tpu.memory_space<vmem>> -> memref<1x128xi32, #tpu.memory_space<vmem>>
          %dma_start3A_106 = tpu.memref_squeeze %dma_start3A_105 : memref<1x128xi32, #tpu.memory_space<vmem>> -> memref<128xi32, #tpu.memory_space<vmem>>
          %dma_start3A_107 = arith.constant 0 : i32
          %dma_start3A_108 = arith.constant 0 : i32
          %dma_start3A_109 = tpu.memref_slice %arg2[%dma_start3A_107, %dma_start3A_108] : memref<10000x128xf32, #tpu.memory_space<hbm>> -> memref<10000x128xf32, #tpu.memory_space<hbm>>
          tpu.enqueue_indirect_dma source(%dma_start3A_109 : memref<10000x128xf32, #tpu.memory_space<hbm>>) target(%dma_start3A_103 : memref<128x128xf32, #tpu.memory_space<vmem>>) offsets(%dma_start3A_106 : memref<128xi32, #tpu.memory_space<vmem>>) semaphore(%arg11 : memref<!tpu.dma_semaphore, #tpu.memory_space<semaphore_mem>>)
        } else {
        }
        %run_scoped3A_96 = arith.constant 1 : i32
        "tpu.region"() ({
          %run_scoped3A_97 = tpu.sem_alloc : memref<!tpu.dma_semaphore, #tpu.memory_space<semaphore_mem>>
          %dma_start3A_98 = arith.constant 0 : i32
          %dma_start3A_99 = arith.constant 0 : i32
          %dma_start3A_100 = tpu.memref_slice %arg9[%run_scoped3A_96, %dma_start3A_98, %dma_start3A_99] : memref<2x128x128xf32, #tpu.memory_space<vmem>> -> memref<1x128x128xf32, #tpu.memory_space<vmem>>
          %dma_start3A_101 = tpu.memref_squeeze %dma_start3A_100 : memref<1x128x128xf32, #tpu.memory_space<vmem>> -> memref<128x128xf32, #tpu.memory_space<vmem>>
          %dma_start3A_102 = arith.constant 0 : i32
          %dma_start3A_103 = tpu.memref_slice %arg8[%add3A_79, %dma_start3A_102] : memref<40x128xi32, #tpu.memory_space<vmem>> -> memref<1x128xi32, #tpu.memory_space<vmem>>
          %dma_start3A_104 = tpu.memref_squeeze %dma_start3A_103 : memref<1x128xi32, #tpu.memory_space<vmem>> -> memref<128xi32, #tpu.memory_space<vmem>>
          %dma_start3A_105 = arith.constant 0 : i32
          %dma_start3A_106 = arith.constant 0 : i32
          %dma_start3A_107 = tpu.memref_slice %arg10[%dma_start3A_105, %dma_start3A_106] : memref<10112x128xf32, #tpu.memory_space<vmem_shared>> -> memref<10112x128xf32, #tpu.memory_space<vmem_shared>>
          tpu.enqueue_indirect_dma source(%dma_start3A_101 : memref<128x128xf32, #tpu.memory_space<vmem>>) target(%dma_start3A_107 : memref<10112x128xf32, #tpu.memory_space<vmem_shared>>) offsets(%dma_start3A_104 : memref<128xi32, #tpu.memory_space<vmem>>) semaphore(%run_scoped3A_97 : memref<!tpu.dma_semaphore, #tpu.memory_space<semaphore_mem>>) {add = true}
          %dma_wait3A_108 = arith.constant 0 : i32
          %dma_wait3A_109 = arith.constant 0 : i32
          %dma_wait3A_110 = tpu.memref_slice %arg9[%run_scoped3A_96, %dma_wait3A_108, %dma_wait3A_109] : memref<2x128x128xf32, #tpu.memory_space<vmem>> -> memref<1x128x128xf32, #tpu.memory_space<vmem>>
          %dma_wait3A_111 = tpu.memref_squeeze %dma_wait3A_110 : memref<1x128x128xf32, #tpu.memory_space<vmem>> -> memref<128x128xf32, #tpu.memory_space<vmem>>
          %dma_wait3A_112 = arith.constant 0 : i32
          %dma_wait3A_113 = tpu.memref_slice %arg8[%add3A_79, %dma_wait3A_112] : memref<40x128xi32, #tpu.memory_space<vmem>> -> memref<1x128xi32, #tpu.memory_space<vmem>>
          %dma_wait3A_114 = tpu.memref_squeeze %dma_wait3A_113 : memref<1x128xi32, #tpu.memory_space<vmem>> -> memref<128xi32, #tpu.memory_space<vmem>>
          %dma_wait3A_115 = arith.constant 0 : i32
          %dma_wait3A_116 = arith.constant 0 : i32
          %dma_wait3A_117 = tpu.memref_slice %arg10[%dma_wait3A_115, %dma_wait3A_116] : memref<10112x128xf32, #tpu.memory_space<vmem_shared>> -> memref<10112x128xf32, #tpu.memory_space<vmem_shared>>
          tpu.wait_indirect_dma semaphore(%run_scoped3A_97 : memref<!tpu.dma_semaphore, #tpu.memory_space<semaphore_mem>>) src(%dma_wait3A_111 : memref<128x128xf32, #tpu.memory_space<vmem>>) dst(%dma_wait3A_117 : memref<10112x128xf32, #tpu.memory_space<vmem_shared>>)
          tpu.yield
        }) : () -> ()
      }
      %scan3A_58 = arith.constant 20 : i32
    }
    %barrier3A_35 = arith.constant 0 : index
    tpu.barrier barrier_id(%barrier3A_35)
    %mul3A_36 = arith.constant 10112 : i32
    %mul3A_37 = arith.muli %arg0, %mul3A_36 : i32
    %add3A_38 = arith.addi %mul3A_37, %mul3A_0 : i32
    "tpu.region"() ({
      %run_scoped3A = tpu.sem_alloc : memref<!tpu.dma_semaphore, #tpu.memory_space<semaphore_mem>>
      %dma_start3A = arith.constant 0 : i32
      %dma_start3A_39 = tpu.memref_slice %arg6[%add3A_38, %dma_start3A] : memref<20224x128xf32, #tpu.memory_space<hbm>> -> memref<632x128xf32, #tpu.memory_space<hbm>>
      %dma_start3A_40 = arith.constant 0 : i32
      %dma_start3A_41 = tpu.memref_slice %arg10[%mul3A_0, %dma_start3A_40] : memref<10112x128xf32, #tpu.memory_space<vmem_shared>> -> memref<632x128xf32, #tpu.memory_space<vmem_shared>>
      tpu.enqueue_dma source(%dma_start3A_41 : memref<632x128xf32, #tpu.memory_space<vmem_shared>>) target(%dma_start3A_39 : memref<632x128xf32, #tpu.memory_space<hbm>>) target_semaphore(%run_scoped3A : memref<!tpu.dma_semaphore, #tpu.memory_space<semaphore_mem>>)
      %dma_wait3A = arith.constant 0 : i32
      %dma_wait3A_42 = tpu.memref_slice %arg6[%add3A_38, %dma_wait3A] : memref<20224x128xf32, #tpu.memory_space<hbm>> -> memref<632x128xf32, #tpu.memory_space<hbm>>
      %dma_wait3A_43 = arith.constant 0 : i32
      %dma_wait3A_44 = tpu.memref_slice %arg10[%mul3A_0, %dma_wait3A_43] : memref<10112x128xf32, #tpu.memory_space<vmem_shared>> -> memref<632x128xf32, #tpu.memory_space<vmem_shared>>
      tpu.wait_dma2 semaphore(%run_scoped3A : memref<!tpu.dma_semaphore, #tpu.memory_space<semaphore_mem>>) src(%dma_wait3A_44 : memref<632x128xf32, #tpu.memory_space<vmem_shared>>) dst(%dma_wait3A_42 : memref<632x128xf32, #tpu.memory_space<hbm>>)
      tpu.yield
    }) : () -> ()
    return
  }
}

#map = affine_map<(d0, d1) -> (0, 0)>
module attributes {stable_mosaic.version = 14 : i64} {
  func.func @_sc_prop(%arg0: i32, %arg1: i32, %arg2: memref<10000x128xf32, #tpu.memory_space<hbm>>, %arg3: memref<2560x128xi32, #tpu.memory_space<hbm>>, %arg4: memref<2560x128xi32, #tpu.memory_space<hbm>>, %arg5: memref<10112x128xf32, #tpu.memory_space<hbm>>, %arg6: memref<20224x128xf32, #tpu.memory_space<hbm>>, %arg7: memref<40x128xi32, #tpu.memory_space<vmem>>, %arg8: memref<40x128xi32, #tpu.memory_space<vmem>>, %arg9: memref<2x128x128xf32, #tpu.memory_space<vmem>>, %arg10: memref<10112x128xf32, #tpu.memory_space<vmem_shared>>, %arg11: memref<!tpu.dma_semaphore, #tpu.memory_space<semaphore_mem>>, %arg12: memref<!tpu.dma_semaphore, #tpu.memory_space<semaphore_mem>>, %arg13: memref<!tpu.dma_semaphore, #tpu.memory_space<semaphore_mem>>, %arg14: memref<!tpu.dma_semaphore, #tpu.memory_space<semaphore_mem>>) attributes {dimension_semantics = [#tpu.dimension_semantics<core_parallel>, #tpu.dimension_semantics<subcore_parallel>], iteration_bounds = array<i64: 2, 16>, scalar_prefetch = 0 : i64, scratch_operands = 8 : i64, tpu.core_type = #tpu.core_type<sc_vector_subcore>, window_params = [{transform_indices = #map}, {transform_indices = #map}, {transform_indices = #map}, {transform_indices = #map}, {transform_indices = #map}]} {
    %mul3A = arith.constant 632 : i32
    %mul3A_0 = arith.muli %arg1, %mul3A : i32
    "tpu.region"() ({
      %run_scoped3A = tpu.sem_alloc : memref<!tpu.dma_semaphore, #tpu.memory_space<semaphore_mem>>
      %dma_start3A = arith.constant 0 : i32
      %dma_start3A_39 = tpu.memref_slice %arg10[%mul3A_0, %dma_start3A] : memref<10112x128xf32, #tpu.memory_space<vmem_shared>> -> memref<632x128xf32, #tpu.memory_space<vmem_shared>>
      %dma_start3A_40 = arith.constant 0 : i32
      %dma_start3A_41 = tpu.memref_slice %arg5[%mul3A_0, %dma_start3A_40] : memref<10112x128xf32, #tpu.memory_space<hbm>> -> memref<632x128xf32, #tpu.memory_space<hbm>>
      tpu.enqueue_dma source(%dma_start3A_41 : memref<632x128xf32, #tpu.memory_space<hbm>>) target(%dma_start3A_39 : memref<632x128xf32, #tpu.memory_space<vmem_shared>>) target_semaphore(%run_scoped3A : memref<!tpu.dma_semaphore, #tpu.memory_space<semaphore_mem>>)
      %dma_wait3A = arith.constant 0 : i32
      %dma_wait3A_42 = tpu.memref_slice %arg10[%mul3A_0, %dma_wait3A] : memref<10112x128xf32, #tpu.memory_space<vmem_shared>> -> memref<632x128xf32, #tpu.memory_space<vmem_shared>>
      %dma_wait3A_43 = arith.constant 0 : i32
      %dma_wait3A_44 = tpu.memref_slice %arg5[%mul3A_0, %dma_wait3A_43] : memref<10112x128xf32, #tpu.memory_space<hbm>> -> memref<632x128xf32, #tpu.memory_space<hbm>>
      tpu.wait_dma2 semaphore(%run_scoped3A : memref<!tpu.dma_semaphore, #tpu.memory_space<semaphore_mem>>) src(%dma_wait3A_44 : memref<632x128xf32, #tpu.memory_space<hbm>>) dst(%dma_wait3A_42 : memref<632x128xf32, #tpu.memory_space<vmem_shared>>)
      tpu.yield
    }) : () -> ()
    %barrier3A = arith.constant 0 : index
    tpu.barrier barrier_id(%barrier3A)
    %eq3A = arith.constant 0 : i32
    %eq3A_1 = arith.cmpi eq, %arg0, %eq3A : i32
    %jit3A = arith.constant 120 : i32
    %jit3A_2 = arith.constant 40 : i32
    %select_n3A = arith.select %eq3A_1, %jit3A, %jit3A_2 : i32
    %mul3A_3 = arith.constant 16 : i32
    %mul3A_4 = arith.muli %arg0, %mul3A_3 : i32
    %mul3A_5 = arith.constant 120 : i32
    %mul3A_6 = arith.muli %mul3A_4, %mul3A_5 : i32
    %mul3A_7 = arith.muli %arg1, %select_n3A : i32
    %add3A = arith.addi %mul3A_6, %mul3A_7 : i32
    %jit3A_8 = arith.constant 40 : i32
    %div3A = arith.divsi %select_n3A, %jit3A_8 : i32
    %sign3A = arith.constant 0 : i32
    %sign3A_9 = arith.cmpi sgt, %select_n3A, %sign3A : i32
    %sign3A_10 = arith.extui %sign3A_9 : i1 to i32
    %sign3A_11 = arith.constant 0 : i32
    %sign3A_12 = arith.cmpi slt, %select_n3A, %sign3A_11 : i32
    %sign3A_13 = arith.extui %sign3A_12 : i1 to i32
    %sign3A_14 = arith.subi %sign3A_10, %sign3A_13 : i32
    %sign3A_15 = arith.constant 0 : i32
    %sign3A_16 = arith.cmpi sgt, %jit3A_8, %sign3A_15 : i32
    %sign3A_17 = arith.extui %sign3A_16 : i1 to i32
    %sign3A_18 = arith.constant 0 : i32
    %sign3A_19 = arith.cmpi slt, %jit3A_8, %sign3A_18 : i32
    %sign3A_20 = arith.extui %sign3A_19 : i1 to i32
    %sign3A_21 = arith.subi %sign3A_17, %sign3A_20 : i32
    %ne3A = arith.cmpi ne, %sign3A_14, %sign3A_21 : i32
    %rem3A = arith.remsi %select_n3A, %jit3A_8 : i32
    %ne3A_22 = arith.constant 0 : i32
    %ne3A_23 = arith.cmpi ne, %rem3A, %ne3A_22 : i32
    %and3A = arith.andi %ne3A, %ne3A_23 : i1
    %sub3A = arith.constant 1 : i32
    %sub3A_24 = arith.subi %div3A, %sub3A : i32
    %select_n3A_25 = arith.select %and3A, %sub3A_24, %div3A : i32
    %while3A = arith.constant 0 : i32
    %while3A_26 = arith.constant 0 : i32
    %while3A_27 = arith.subi %select_n3A_25, %while3A_26 : i32
    %while3A_28 = arith.addi %while3A_26, %while3A_27 : i32
    %while3A_29 = arith.constant 1 : i32
    %while3A_30 = arith.divsi %while3A_27, %while3A_29 : i32
    %while3A_31 = arith.muli %while3A_30, %while3A_29 : i32
    %while3A_32 = arith.addi %while3A_26, %while3A_31 : i32
    %while3A_33 = arith.constant 1 : i32
    scf.for %while3A_39 = %while3A_26 to %while3A_32 step %while3A_33  : i32 {
      %mul3A_40 = arith.constant 40 : i32
      %mul3A_41 = arith.muli %while3A_39, %mul3A_40 : i32
      %add3A_42 = arith.addi %add3A, %mul3A_41 : i32
      "tpu.region"() ({
        %run_scoped3A = tpu.sem_alloc : memref<!tpu.dma_semaphore, #tpu.memory_space<semaphore_mem>>
        %dma_start3A_59 = arith.constant 0 : i32
        %dma_start3A_60 = tpu.memref_slice %arg3[%add3A_42, %dma_start3A_59] : memref<2560x128xi32, #tpu.memory_space<hbm>> -> memref<40x128xi32, #tpu.memory_space<hbm>>
        %dma_start3A_61 = arith.constant 0 : i32
        %dma_start3A_62 = tpu.memref_slice %arg3[%add3A_42, %dma_start3A_61] : memref<2560x128xi32, #tpu.memory_space<hbm>> -> memref<40x128xi32, #tpu.memory_space<hbm>>
        tpu.enqueue_dma source(%dma_start3A_62 : memref<40x128xi32, #tpu.memory_space<hbm>>) target(%arg7 : memref<40x128xi32, #tpu.memory_space<vmem>>) target_semaphore(%run_scoped3A : memref<!tpu.dma_semaphore, #tpu.memory_space<semaphore_mem>>)
        %dma_wait3A = arith.constant 0 : i32
        %dma_wait3A_63 = tpu.memref_slice %arg3[%add3A_42, %dma_wait3A] : memref<2560x128xi32, #tpu.memory_space<hbm>> -> memref<40x128xi32, #tpu.memory_space<hbm>>
        %dma_wait3A_64 = arith.constant 0 : i32
        %dma_wait3A_65 = tpu.memref_slice %arg3[%add3A_42, %dma_wait3A_64] : memref<2560x128xi32, #tpu.memory_space<hbm>> -> memref<40x128xi32, #tpu.memory_space<hbm>>
        tpu.wait_dma2 semaphore(%run_scoped3A : memref<!tpu.dma_semaphore, #tpu.memory_space<semaphore_mem>>) src(%dma_wait3A_65 : memref<40x128xi32, #tpu.memory_space<hbm>>) dst(%arg7 : memref<40x128xi32, #tpu.memory_space<vmem>>)
        tpu.yield
      }) : () -> ()
      "tpu.region"() ({
        %run_scoped3A = tpu.sem_alloc : memref<!tpu.dma_semaphore, #tpu.memory_space<semaphore_mem>>
        %dma_start3A_59 = arith.constant 0 : i32
        %dma_start3A_60 = tpu.memref_slice %arg4[%add3A_42, %dma_start3A_59] : memref<2560x128xi32, #tpu.memory_space<hbm>> -> memref<40x128xi32, #tpu.memory_space<hbm>>
        %dma_start3A_61 = arith.constant 0 : i32
        %dma_start3A_62 = tpu.memref_slice %arg4[%add3A_42, %dma_start3A_61] : memref<2560x128xi32, #tpu.memory_space<hbm>> -> memref<40x128xi32, #tpu.memory_space<hbm>>
        tpu.enqueue_dma source(%dma_start3A_62 : memref<40x128xi32, #tpu.memory_space<hbm>>) target(%arg8 : memref<40x128xi32, #tpu.memory_space<vmem>>) target_semaphore(%run_scoped3A : memref<!tpu.dma_semaphore, #tpu.memory_space<semaphore_mem>>)
        %dma_wait3A = arith.constant 0 : i32
        %dma_wait3A_63 = tpu.memref_slice %arg4[%add3A_42, %dma_wait3A] : memref<2560x128xi32, #tpu.memory_space<hbm>> -> memref<40x128xi32, #tpu.memory_space<hbm>>
        %dma_wait3A_64 = arith.constant 0 : i32
        %dma_wait3A_65 = tpu.memref_slice %arg4[%add3A_42, %dma_wait3A_64] : memref<2560x128xi32, #tpu.memory_space<hbm>> -> memref<40x128xi32, #tpu.memory_space<hbm>>
        tpu.wait_dma2 semaphore(%run_scoped3A : memref<!tpu.dma_semaphore, #tpu.memory_space<semaphore_mem>>) src(%dma_wait3A_65 : memref<40x128xi32, #tpu.memory_space<hbm>>) dst(%arg8 : memref<40x128xi32, #tpu.memory_space<vmem>>)
        tpu.yield
      }) : () -> ()
      %dma_start3A = arith.constant 0 : i32
      %dma_start3A_43 = arith.constant 0 : i32
      %dma_start3A_44 = arith.constant 0 : i32
      %dma_start3A_45 = arith.constant 0 : i32
      %dma_start3A_46 = tpu.memref_slice %arg9[%dma_start3A_43, %dma_start3A_44, %dma_start3A_45] : memref<2x128x128xf32, #tpu.memory_space<vmem>> -> memref<1x128x128xf32, #tpu.memory_space<vmem>>
      %dma_start3A_47 = tpu.memref_squeeze %dma_start3A_46 : memref<1x128x128xf32, #tpu.memory_space<vmem>> -> memref<128x128xf32, #tpu.memory_space<vmem>>
      %dma_start3A_48 = arith.constant 0 : i32
      %dma_start3A_49 = tpu.memref_slice %arg7[%dma_start3A, %dma_start3A_48] : memref<40x128xi32, #tpu.memory_space<vmem>> -> memref<1x128xi32, #tpu.memory_space<vmem>>
      %dma_start3A_50 = tpu.memref_squeeze %dma_start3A_49 : memref<1x128xi32, #tpu.memory_space<vmem>> -> memref<128xi32, #tpu.memory_space<vmem>>
      %dma_start3A_51 = arith.constant 0 : i32
      %dma_start3A_52 = arith.constant 0 : i32
      %dma_start3A_53 = tpu.memref_slice %arg2[%dma_start3A_51, %dma_start3A_52] : memref<10000x128xf32, #tpu.memory_space<hbm>> -> memref<10000x128xf32, #tpu.memory_space<hbm>>
      tpu.enqueue_indirect_dma source(%dma_start3A_53 : memref<10000x128xf32, #tpu.memory_space<hbm>>) target(%dma_start3A_47 : memref<128x128xf32, #tpu.memory_space<vmem>>) offsets(%dma_start3A_50 : memref<128xi32, #tpu.memory_space<vmem>>) semaphore(%arg11 : memref<!tpu.dma_semaphore, #tpu.memory_space<semaphore_mem>>)
      %scan3A = arith.constant 0 : i32
      %scan3A_54 = arith.constant 0 : i32
      %scan3A_55 = arith.constant 20 : i32
      %scan3A_56 = arith.addi %scan3A_54, %scan3A_55 : i32
      %scan3A_57 = arith.constant 1 : i32
      scf.for %scan3A_59 = %scan3A_54 to %scan3A_56 step %scan3A_57  : i32 {
        %mul3A_60 = arith.constant 2 : i32
        %mul3A_61 = arith.muli %scan3A_59, %mul3A_60 : i32
        %add3A_62 = arith.constant 0 : i32
        %add3A_63 = arith.addi %mul3A_61, %add3A_62 : i32
        %dma_wait3A = arith.constant 0 : i32
        %dma_wait3A_64 = arith.constant 0 : i32
        %dma_wait3A_65 = arith.constant 0 : i32
        %dma_wait3A_66 = tpu.memref_slice %arg9[%dma_wait3A, %dma_wait3A_64, %dma_wait3A_65] : memref<2x128x128xf32, #tpu.memory_space<vmem>> -> memref<1x128x128xf32, #tpu.memory_space<vmem>>
        %dma_wait3A_67 = tpu.memref_squeeze %dma_wait3A_66 : memref<1x128x128xf32, #tpu.memory_space<vmem>> -> memref<128x128xf32, #tpu.memory_space<vmem>>
        %dma_wait3A_68 = arith.constant 0 : i32
        %dma_wait3A_69 = tpu.memref_slice %arg7[%add3A_63, %dma_wait3A_68] : memref<40x128xi32, #tpu.memory_space<vmem>> -> memref<1x128xi32, #tpu.memory_space<vmem>>
        %dma_wait3A_70 = tpu.memref_squeeze %dma_wait3A_69 : memref<1x128xi32, #tpu.memory_space<vmem>> -> memref<128xi32, #tpu.memory_space<vmem>>
        %dma_wait3A_71 = arith.constant 0 : i32
        %dma_wait3A_72 = arith.constant 0 : i32
        %dma_wait3A_73 = tpu.memref_slice %arg2[%dma_wait3A_71, %dma_wait3A_72] : memref<10000x128xf32, #tpu.memory_space<hbm>> -> memref<10000x128xf32, #tpu.memory_space<hbm>>
        tpu.wait_indirect_dma semaphore(%arg11 : memref<!tpu.dma_semaphore, #tpu.memory_space<semaphore_mem>>) src(%dma_wait3A_73 : memref<10000x128xf32, #tpu.memory_space<hbm>>) dst(%dma_wait3A_67 : memref<128x128xf32, #tpu.memory_space<vmem>>)
        %lt3A = arith.constant 39 : i32
        %lt3A_74 = arith.cmpi slt, %add3A_63, %lt3A : i32
        %convert_element_type3A = arith.extui %lt3A_74 : i1 to i32
        %cond3A = arith.constant 0 : i32
        %cond3A_75 = arith.cmpi ne, %convert_element_type3A, %cond3A : i32
        scf.if %cond3A_75 {
          %add3A_97 = arith.constant 1 : i32
          %add3A_98 = arith.addi %add3A_63, %add3A_97 : i32
          %dma_start3A_99 = arith.constant 1 : i32
          %dma_start3A_100 = arith.constant 0 : i32
          %dma_start3A_101 = arith.constant 0 : i32
          %dma_start3A_102 = tpu.memref_slice %arg9[%dma_start3A_99, %dma_start3A_100, %dma_start3A_101] : memref<2x128x128xf32, #tpu.memory_space<vmem>> -> memref<1x128x128xf32, #tpu.memory_space<vmem>>
          %dma_start3A_103 = tpu.memref_squeeze %dma_start3A_102 : memref<1x128x128xf32, #tpu.memory_space<vmem>> -> memref<128x128xf32, #tpu.memory_space<vmem>>
          %dma_start3A_104 = arith.constant 0 : i32
          %dma_start3A_105 = tpu.memref_slice %arg7[%add3A_98, %dma_start3A_104] : memref<40x128xi32, #tpu.memory_space<vmem>> -> memref<1x128xi32, #tpu.memory_space<vmem>>
          %dma_start3A_106 = tpu.memref_squeeze %dma_start3A_105 : memref<1x128xi32, #tpu.memory_space<vmem>> -> memref<128xi32, #tpu.memory_space<vmem>>
          %dma_start3A_107 = arith.constant 0 : i32
          %dma_start3A_108 = arith.constant 0 : i32
          %dma_start3A_109 = tpu.memref_slice %arg2[%dma_start3A_107, %dma_start3A_108] : memref<10000x128xf32, #tpu.memory_space<hbm>> -> memref<10000x128xf32, #tpu.memory_space<hbm>>
          tpu.enqueue_indirect_dma source(%dma_start3A_109 : memref<10000x128xf32, #tpu.memory_space<hbm>>) target(%dma_start3A_103 : memref<128x128xf32, #tpu.memory_space<vmem>>) offsets(%dma_start3A_106 : memref<128xi32, #tpu.memory_space<vmem>>) semaphore(%arg12 : memref<!tpu.dma_semaphore, #tpu.memory_space<semaphore_mem>>)
        } else {
        }
        %run_scoped3A = arith.constant 0 : i32
        "tpu.region"() ({
          %run_scoped3A_97 = tpu.sem_alloc : memref<!tpu.dma_semaphore, #tpu.memory_space<semaphore_mem>>
          %dma_start3A_98 = arith.constant 0 : i32
          %dma_start3A_99 = arith.constant 0 : i32
          %dma_start3A_100 = tpu.memref_slice %arg9[%run_scoped3A, %dma_start3A_98, %dma_start3A_99] : memref<2x128x128xf32, #tpu.memory_space<vmem>> -> memref<1x128x128xf32, #tpu.memory_space<vmem>>
          %dma_start3A_101 = tpu.memref_squeeze %dma_start3A_100 : memref<1x128x128xf32, #tpu.memory_space<vmem>> -> memref<128x128xf32, #tpu.memory_space<vmem>>
          %dma_start3A_102 = arith.constant 0 : i32
          %dma_start3A_103 = tpu.memref_slice %arg8[%add3A_63, %dma_start3A_102] : memref<40x128xi32, #tpu.memory_space<vmem>> -> memref<1x128xi32, #tpu.memory_space<vmem>>
          %dma_start3A_104 = tpu.memref_squeeze %dma_start3A_103 : memref<1x128xi32, #tpu.memory_space<vmem>> -> memref<128xi32, #tpu.memory_space<vmem>>
          %dma_start3A_105 = arith.constant 0 : i32
          %dma_start3A_106 = arith.constant 0 : i32
          %dma_start3A_107 = tpu.memref_slice %arg10[%dma_start3A_105, %dma_start3A_106] : memref<10112x128xf32, #tpu.memory_space<vmem_shared>> -> memref<10112x128xf32, #tpu.memory_space<vmem_shared>>
          tpu.enqueue_indirect_dma source(%dma_start3A_101 : memref<128x128xf32, #tpu.memory_space<vmem>>) target(%dma_start3A_107 : memref<10112x128xf32, #tpu.memory_space<vmem_shared>>) offsets(%dma_start3A_104 : memref<128xi32, #tpu.memory_space<vmem>>) semaphore(%run_scoped3A_97 : memref<!tpu.dma_semaphore, #tpu.memory_space<semaphore_mem>>) {add = true}
          %dma_wait3A_108 = arith.constant 0 : i32
          %dma_wait3A_109 = arith.constant 0 : i32
          %dma_wait3A_110 = tpu.memref_slice %arg9[%run_scoped3A, %dma_wait3A_108, %dma_wait3A_109] : memref<2x128x128xf32, #tpu.memory_space<vmem>> -> memref<1x128x128xf32, #tpu.memory_space<vmem>>
          %dma_wait3A_111 = tpu.memref_squeeze %dma_wait3A_110 : memref<1x128x128xf32, #tpu.memory_space<vmem>> -> memref<128x128xf32, #tpu.memory_space<vmem>>
          %dma_wait3A_112 = arith.constant 0 : i32
          %dma_wait3A_113 = tpu.memref_slice %arg8[%add3A_63, %dma_wait3A_112] : memref<40x128xi32, #tpu.memory_space<vmem>> -> memref<1x128xi32, #tpu.memory_space<vmem>>
          %dma_wait3A_114 = tpu.memref_squeeze %dma_wait3A_113 : memref<1x128xi32, #tpu.memory_space<vmem>> -> memref<128xi32, #tpu.memory_space<vmem>>
          %dma_wait3A_115 = arith.constant 0 : i32
          %dma_wait3A_116 = arith.constant 0 : i32
          %dma_wait3A_117 = tpu.memref_slice %arg10[%dma_wait3A_115, %dma_wait3A_116] : memref<10112x128xf32, #tpu.memory_space<vmem_shared>> -> memref<10112x128xf32, #tpu.memory_space<vmem_shared>>
          tpu.wait_indirect_dma semaphore(%run_scoped3A_97 : memref<!tpu.dma_semaphore, #tpu.memory_space<semaphore_mem>>) src(%dma_wait3A_111 : memref<128x128xf32, #tpu.memory_space<vmem>>) dst(%dma_wait3A_117 : memref<10112x128xf32, #tpu.memory_space<vmem_shared>>)
          tpu.yield
        }) : () -> ()
        %mul3A_76 = arith.constant 2 : i32
        %mul3A_77 = arith.muli %scan3A_59, %mul3A_76 : i32
        %add3A_78 = arith.constant 1 : i32
        %add3A_79 = arith.addi %mul3A_77, %add3A_78 : i32
        %dma_wait3A_80 = arith.constant 1 : i32
        %dma_wait3A_81 = arith.constant 0 : i32
        %dma_wait3A_82 = arith.constant 0 : i32
        %dma_wait3A_83 = tpu.memref_slice %arg9[%dma_wait3A_80, %dma_wait3A_81, %dma_wait3A_82] : memref<2x128x128xf32, #tpu.memory_space<vmem>> -> memref<1x128x128xf32, #tpu.memory_space<vmem>>
        %dma_wait3A_84 = tpu.memref_squeeze %dma_wait3A_83 : memref<1x128x128xf32, #tpu.memory_space<vmem>> -> memref<128x128xf32, #tpu.memory_space<vmem>>
        %dma_wait3A_85 = arith.constant 0 : i32
        %dma_wait3A_86 = tpu.memref_slice %arg7[%add3A_79, %dma_wait3A_85] : memref<40x128xi32, #tpu.memory_space<vmem>> -> memref<1x128xi32, #tpu.memory_space<vmem>>
        %dma_wait3A_87 = tpu.memref_squeeze %dma_wait3A_86 : memref<1x128xi32, #tpu.memory_space<vmem>> -> memref<128xi32, #tpu.memory_space<vmem>>
        %dma_wait3A_88 = arith.constant 0 : i32
        %dma_wait3A_89 = arith.constant 0 : i32
        %dma_wait3A_90 = tpu.memref_slice %arg2[%dma_wait3A_88, %dma_wait3A_89] : memref<10000x128xf32, #tpu.memory_space<hbm>> -> memref<10000x128xf32, #tpu.memory_space<hbm>>
        tpu.wait_indirect_dma semaphore(%arg12 : memref<!tpu.dma_semaphore, #tpu.memory_space<semaphore_mem>>) src(%dma_wait3A_90 : memref<10000x128xf32, #tpu.memory_space<hbm>>) dst(%dma_wait3A_84 : memref<128x128xf32, #tpu.memory_space<vmem>>)
        %lt3A_91 = arith.constant 39 : i32
        %lt3A_92 = arith.cmpi slt, %add3A_79, %lt3A_91 : i32
        %convert_element_type3A_93 = arith.extui %lt3A_92 : i1 to i32
        %cond3A_94 = arith.constant 0 : i32
        %cond3A_95 = arith.cmpi ne, %convert_element_type3A_93, %cond3A_94 : i32
        scf.if %cond3A_95 {
          %add3A_97 = arith.constant 1 : i32
          %add3A_98 = arith.addi %add3A_79, %add3A_97 : i32
          %dma_start3A_99 = arith.constant 0 : i32
          %dma_start3A_100 = arith.constant 0 : i32
          %dma_start3A_101 = arith.constant 0 : i32
          %dma_start3A_102 = tpu.memref_slice %arg9[%dma_start3A_99, %dma_start3A_100, %dma_start3A_101] : memref<2x128x128xf32, #tpu.memory_space<vmem>> -> memref<1x128x128xf32, #tpu.memory_space<vmem>>
          %dma_start3A_103 = tpu.memref_squeeze %dma_start3A_102 : memref<1x128x128xf32, #tpu.memory_space<vmem>> -> memref<128x128xf32, #tpu.memory_space<vmem>>
          %dma_start3A_104 = arith.constant 0 : i32
          %dma_start3A_105 = tpu.memref_slice %arg7[%add3A_98, %dma_start3A_104] : memref<40x128xi32, #tpu.memory_space<vmem>> -> memref<1x128xi32, #tpu.memory_space<vmem>>
          %dma_start3A_106 = tpu.memref_squeeze %dma_start3A_105 : memref<1x128xi32, #tpu.memory_space<vmem>> -> memref<128xi32, #tpu.memory_space<vmem>>
          %dma_start3A_107 = arith.constant 0 : i32
          %dma_start3A_108 = arith.constant 0 : i32
          %dma_start3A_109 = tpu.memref_slice %arg2[%dma_start3A_107, %dma_start3A_108] : memref<10000x128xf32, #tpu.memory_space<hbm>> -> memref<10000x128xf32, #tpu.memory_space<hbm>>
          tpu.enqueue_indirect_dma source(%dma_start3A_109 : memref<10000x128xf32, #tpu.memory_space<hbm>>) target(%dma_start3A_103 : memref<128x128xf32, #tpu.memory_space<vmem>>) offsets(%dma_start3A_106 : memref<128xi32, #tpu.memory_space<vmem>>) semaphore(%arg11 : memref<!tpu.dma_semaphore, #tpu.memory_space<semaphore_mem>>)
        } else {
        }
        %run_scoped3A_96 = arith.constant 1 : i32
        "tpu.region"() ({
          %run_scoped3A_97 = tpu.sem_alloc : memref<!tpu.dma_semaphore, #tpu.memory_space<semaphore_mem>>
          %dma_start3A_98 = arith.constant 0 : i32
          %dma_start3A_99 = arith.constant 0 : i32
          %dma_start3A_100 = tpu.memref_slice %arg9[%run_scoped3A_96, %dma_start3A_98, %dma_start3A_99] : memref<2x128x128xf32, #tpu.memory_space<vmem>> -> memref<1x128x128xf32, #tpu.memory_space<vmem>>
          %dma_start3A_101 = tpu.memref_squeeze %dma_start3A_100 : memref<1x128x128xf32, #tpu.memory_space<vmem>> -> memref<128x128xf32, #tpu.memory_space<vmem>>
          %dma_start3A_102 = arith.constant 0 : i32
          %dma_start3A_103 = tpu.memref_slice %arg8[%add3A_79, %dma_start3A_102] : memref<40x128xi32, #tpu.memory_space<vmem>> -> memref<1x128xi32, #tpu.memory_space<vmem>>
          %dma_start3A_104 = tpu.memref_squeeze %dma_start3A_103 : memref<1x128xi32, #tpu.memory_space<vmem>> -> memref<128xi32, #tpu.memory_space<vmem>>
          %dma_start3A_105 = arith.constant 0 : i32
          %dma_start3A_106 = arith.constant 0 : i32
          %dma_start3A_107 = tpu.memref_slice %arg10[%dma_start3A_105, %dma_start3A_106] : memref<10112x128xf32, #tpu.memory_space<vmem_shared>> -> memref<10112x128xf32, #tpu.memory_space<vmem_shared>>
          tpu.enqueue_indirect_dma source(%dma_start3A_101 : memref<128x128xf32, #tpu.memory_space<vmem>>) target(%dma_start3A_107 : memref<10112x128xf32, #tpu.memory_space<vmem_shared>>) offsets(%dma_start3A_104 : memref<128xi32, #tpu.memory_space<vmem>>) semaphore(%run_scoped3A_97 : memref<!tpu.dma_semaphore, #tpu.memory_space<semaphore_mem>>) {add = true}
          %dma_wait3A_108 = arith.constant 0 : i32
          %dma_wait3A_109 = arith.constant 0 : i32
          %dma_wait3A_110 = tpu.memref_slice %arg9[%run_scoped3A_96, %dma_wait3A_108, %dma_wait3A_109] : memref<2x128x128xf32, #tpu.memory_space<vmem>> -> memref<1x128x128xf32, #tpu.memory_space<vmem>>
          %dma_wait3A_111 = tpu.memref_squeeze %dma_wait3A_110 : memref<1x128x128xf32, #tpu.memory_space<vmem>> -> memref<128x128xf32, #tpu.memory_space<vmem>>
          %dma_wait3A_112 = arith.constant 0 : i32
          %dma_wait3A_113 = tpu.memref_slice %arg8[%add3A_79, %dma_wait3A_112] : memref<40x128xi32, #tpu.memory_space<vmem>> -> memref<1x128xi32, #tpu.memory_space<vmem>>
          %dma_wait3A_114 = tpu.memref_squeeze %dma_wait3A_113 : memref<1x128xi32, #tpu.memory_space<vmem>> -> memref<128xi32, #tpu.memory_space<vmem>>
          %dma_wait3A_115 = arith.constant 0 : i32
          %dma_wait3A_116 = arith.constant 0 : i32
          %dma_wait3A_117 = tpu.memref_slice %arg10[%dma_wait3A_115, %dma_wait3A_116] : memref<10112x128xf32, #tpu.memory_space<vmem_shared>> -> memref<10112x128xf32, #tpu.memory_space<vmem_shared>>
          tpu.wait_indirect_dma semaphore(%run_scoped3A_97 : memref<!tpu.dma_semaphore, #tpu.memory_space<semaphore_mem>>) src(%dma_wait3A_111 : memref<128x128xf32, #tpu.memory_space<vmem>>) dst(%dma_wait3A_117 : memref<10112x128xf32, #tpu.memory_space<vmem_shared>>)
          tpu.yield
        }) : () -> ()
      }
      %scan3A_58 = arith.constant 20 : i32
    }
    %while3A_34 = arith.constant 1 : i32
    scf.for %while3A_39 = %while3A_32 to %while3A_28 step %while3A_34  : i32 {
      %mul3A_40 = arith.constant 40 : i32
      %mul3A_41 = arith.muli %while3A_39, %mul3A_40 : i32
      %add3A_42 = arith.addi %add3A, %mul3A_41 : i32
      "tpu.region"() ({
        %run_scoped3A = tpu.sem_alloc : memref<!tpu.dma_semaphore, #tpu.memory_space<semaphore_mem>>
        %dma_start3A_59 = arith.constant 0 : i32
        %dma_start3A_60 = tpu.memref_slice %arg3[%add3A_42, %dma_start3A_59] : memref<2560x128xi32, #tpu.memory_space<hbm>> -> memref<40x128xi32, #tpu.memory_space<hbm>>
        %dma_start3A_61 = arith.constant 0 : i32
        %dma_start3A_62 = tpu.memref_slice %arg3[%add3A_42, %dma_start3A_61] : memref<2560x128xi32, #tpu.memory_space<hbm>> -> memref<40x128xi32, #tpu.memory_space<hbm>>
        tpu.enqueue_dma source(%dma_start3A_62 : memref<40x128xi32, #tpu.memory_space<hbm>>) target(%arg7 : memref<40x128xi32, #tpu.memory_space<vmem>>) target_semaphore(%run_scoped3A : memref<!tpu.dma_semaphore, #tpu.memory_space<semaphore_mem>>)
        %dma_wait3A = arith.constant 0 : i32
        %dma_wait3A_63 = tpu.memref_slice %arg3[%add3A_42, %dma_wait3A] : memref<2560x128xi32, #tpu.memory_space<hbm>> -> memref<40x128xi32, #tpu.memory_space<hbm>>
        %dma_wait3A_64 = arith.constant 0 : i32
        %dma_wait3A_65 = tpu.memref_slice %arg3[%add3A_42, %dma_wait3A_64] : memref<2560x128xi32, #tpu.memory_space<hbm>> -> memref<40x128xi32, #tpu.memory_space<hbm>>
        tpu.wait_dma2 semaphore(%run_scoped3A : memref<!tpu.dma_semaphore, #tpu.memory_space<semaphore_mem>>) src(%dma_wait3A_65 : memref<40x128xi32, #tpu.memory_space<hbm>>) dst(%arg7 : memref<40x128xi32, #tpu.memory_space<vmem>>)
        tpu.yield
      }) : () -> ()
      "tpu.region"() ({
        %run_scoped3A = tpu.sem_alloc : memref<!tpu.dma_semaphore, #tpu.memory_space<semaphore_mem>>
        %dma_start3A_59 = arith.constant 0 : i32
        %dma_start3A_60 = tpu.memref_slice %arg4[%add3A_42, %dma_start3A_59] : memref<2560x128xi32, #tpu.memory_space<hbm>> -> memref<40x128xi32, #tpu.memory_space<hbm>>
        %dma_start3A_61 = arith.constant 0 : i32
        %dma_start3A_62 = tpu.memref_slice %arg4[%add3A_42, %dma_start3A_61] : memref<2560x128xi32, #tpu.memory_space<hbm>> -> memref<40x128xi32, #tpu.memory_space<hbm>>
        tpu.enqueue_dma source(%dma_start3A_62 : memref<40x128xi32, #tpu.memory_space<hbm>>) target(%arg8 : memref<40x128xi32, #tpu.memory_space<vmem>>) target_semaphore(%run_scoped3A : memref<!tpu.dma_semaphore, #tpu.memory_space<semaphore_mem>>)
        %dma_wait3A = arith.constant 0 : i32
        %dma_wait3A_63 = tpu.memref_slice %arg4[%add3A_42, %dma_wait3A] : memref<2560x128xi32, #tpu.memory_space<hbm>> -> memref<40x128xi32, #tpu.memory_space<hbm>>
        %dma_wait3A_64 = arith.constant 0 : i32
        %dma_wait3A_65 = tpu.memref_slice %arg4[%add3A_42, %dma_wait3A_64] : memref<2560x128xi32, #tpu.memory_space<hbm>> -> memref<40x128xi32, #tpu.memory_space<hbm>>
        tpu.wait_dma2 semaphore(%run_scoped3A : memref<!tpu.dma_semaphore, #tpu.memory_space<semaphore_mem>>) src(%dma_wait3A_65 : memref<40x128xi32, #tpu.memory_space<hbm>>) dst(%arg8 : memref<40x128xi32, #tpu.memory_space<vmem>>)
        tpu.yield
      }) : () -> ()
      %dma_start3A = arith.constant 0 : i32
      %dma_start3A_43 = arith.constant 0 : i32
      %dma_start3A_44 = arith.constant 0 : i32
      %dma_start3A_45 = arith.constant 0 : i32
      %dma_start3A_46 = tpu.memref_slice %arg9[%dma_start3A_43, %dma_start3A_44, %dma_start3A_45] : memref<2x128x128xf32, #tpu.memory_space<vmem>> -> memref<1x128x128xf32, #tpu.memory_space<vmem>>
      %dma_start3A_47 = tpu.memref_squeeze %dma_start3A_46 : memref<1x128x128xf32, #tpu.memory_space<vmem>> -> memref<128x128xf32, #tpu.memory_space<vmem>>
      %dma_start3A_48 = arith.constant 0 : i32
      %dma_start3A_49 = tpu.memref_slice %arg7[%dma_start3A, %dma_start3A_48] : memref<40x128xi32, #tpu.memory_space<vmem>> -> memref<1x128xi32, #tpu.memory_space<vmem>>
      %dma_start3A_50 = tpu.memref_squeeze %dma_start3A_49 : memref<1x128xi32, #tpu.memory_space<vmem>> -> memref<128xi32, #tpu.memory_space<vmem>>
      %dma_start3A_51 = arith.constant 0 : i32
      %dma_start3A_52 = arith.constant 0 : i32
      %dma_start3A_53 = tpu.memref_slice %arg2[%dma_start3A_51, %dma_start3A_52] : memref<10000x128xf32, #tpu.memory_space<hbm>> -> memref<10000x128xf32, #tpu.memory_space<hbm>>
      tpu.enqueue_indirect_dma source(%dma_start3A_53 : memref<10000x128xf32, #tpu.memory_space<hbm>>) target(%dma_start3A_47 : memref<128x128xf32, #tpu.memory_space<vmem>>) offsets(%dma_start3A_50 : memref<128xi32, #tpu.memory_space<vmem>>) semaphore(%arg11 : memref<!tpu.dma_semaphore, #tpu.memory_space<semaphore_mem>>)
      %scan3A = arith.constant 0 : i32
      %scan3A_54 = arith.constant 0 : i32
      %scan3A_55 = arith.constant 20 : i32
      %scan3A_56 = arith.addi %scan3A_54, %scan3A_55 : i32
      %scan3A_57 = arith.constant 1 : i32
      scf.for %scan3A_59 = %scan3A_54 to %scan3A_56 step %scan3A_57  : i32 {
        %mul3A_60 = arith.constant 2 : i32
        %mul3A_61 = arith.muli %scan3A_59, %mul3A_60 : i32
        %add3A_62 = arith.constant 0 : i32
        %add3A_63 = arith.addi %mul3A_61, %add3A_62 : i32
        %dma_wait3A = arith.constant 0 : i32
        %dma_wait3A_64 = arith.constant 0 : i32
        %dma_wait3A_65 = arith.constant 0 : i32
        %dma_wait3A_66 = tpu.memref_slice %arg9[%dma_wait3A, %dma_wait3A_64, %dma_wait3A_65] : memref<2x128x128xf32, #tpu.memory_space<vmem>> -> memref<1x128x128xf32, #tpu.memory_space<vmem>>
        %dma_wait3A_67 = tpu.memref_squeeze %dma_wait3A_66 : memref<1x128x128xf32, #tpu.memory_space<vmem>> -> memref<128x128xf32, #tpu.memory_space<vmem>>
        %dma_wait3A_68 = arith.constant 0 : i32
        %dma_wait3A_69 = tpu.memref_slice %arg7[%add3A_63, %dma_wait3A_68] : memref<40x128xi32, #tpu.memory_space<vmem>> -> memref<1x128xi32, #tpu.memory_space<vmem>>
        %dma_wait3A_70 = tpu.memref_squeeze %dma_wait3A_69 : memref<1x128xi32, #tpu.memory_space<vmem>> -> memref<128xi32, #tpu.memory_space<vmem>>
        %dma_wait3A_71 = arith.constant 0 : i32
        %dma_wait3A_72 = arith.constant 0 : i32
        %dma_wait3A_73 = tpu.memref_slice %arg2[%dma_wait3A_71, %dma_wait3A_72] : memref<10000x128xf32, #tpu.memory_space<hbm>> -> memref<10000x128xf32, #tpu.memory_space<hbm>>
        tpu.wait_indirect_dma semaphore(%arg11 : memref<!tpu.dma_semaphore, #tpu.memory_space<semaphore_mem>>) src(%dma_wait3A_73 : memref<10000x128xf32, #tpu.memory_space<hbm>>) dst(%dma_wait3A_67 : memref<128x128xf32, #tpu.memory_space<vmem>>)
        %lt3A = arith.constant 39 : i32
        %lt3A_74 = arith.cmpi slt, %add3A_63, %lt3A : i32
        %convert_element_type3A = arith.extui %lt3A_74 : i1 to i32
        %cond3A = arith.constant 0 : i32
        %cond3A_75 = arith.cmpi ne, %convert_element_type3A, %cond3A : i32
        scf.if %cond3A_75 {
          %add3A_97 = arith.constant 1 : i32
          %add3A_98 = arith.addi %add3A_63, %add3A_97 : i32
          %dma_start3A_99 = arith.constant 1 : i32
          %dma_start3A_100 = arith.constant 0 : i32
          %dma_start3A_101 = arith.constant 0 : i32
          %dma_start3A_102 = tpu.memref_slice %arg9[%dma_start3A_99, %dma_start3A_100, %dma_start3A_101] : memref<2x128x128xf32, #tpu.memory_space<vmem>> -> memref<1x128x128xf32, #tpu.memory_space<vmem>>
          %dma_start3A_103 = tpu.memref_squeeze %dma_start3A_102 : memref<1x128x128xf32, #tpu.memory_space<vmem>> -> memref<128x128xf32, #tpu.memory_space<vmem>>
          %dma_start3A_104 = arith.constant 0 : i32
          %dma_start3A_105 = tpu.memref_slice %arg7[%add3A_98, %dma_start3A_104] : memref<40x128xi32, #tpu.memory_space<vmem>> -> memref<1x128xi32, #tpu.memory_space<vmem>>
          %dma_start3A_106 = tpu.memref_squeeze %dma_start3A_105 : memref<1x128xi32, #tpu.memory_space<vmem>> -> memref<128xi32, #tpu.memory_space<vmem>>
          %dma_start3A_107 = arith.constant 0 : i32
          %dma_start3A_108 = arith.constant 0 : i32
          %dma_start3A_109 = tpu.memref_slice %arg2[%dma_start3A_107, %dma_start3A_108] : memref<10000x128xf32, #tpu.memory_space<hbm>> -> memref<10000x128xf32, #tpu.memory_space<hbm>>
          tpu.enqueue_indirect_dma source(%dma_start3A_109 : memref<10000x128xf32, #tpu.memory_space<hbm>>) target(%dma_start3A_103 : memref<128x128xf32, #tpu.memory_space<vmem>>) offsets(%dma_start3A_106 : memref<128xi32, #tpu.memory_space<vmem>>) semaphore(%arg12 : memref<!tpu.dma_semaphore, #tpu.memory_space<semaphore_mem>>)
        } else {
        }
        %run_scoped3A = arith.constant 0 : i32
        "tpu.region"() ({
          %run_scoped3A_97 = tpu.sem_alloc : memref<!tpu.dma_semaphore, #tpu.memory_space<semaphore_mem>>
          %dma_start3A_98 = arith.constant 0 : i32
          %dma_start3A_99 = arith.constant 0 : i32
          %dma_start3A_100 = tpu.memref_slice %arg9[%run_scoped3A, %dma_start3A_98, %dma_start3A_99] : memref<2x128x128xf32, #tpu.memory_space<vmem>> -> memref<1x128x128xf32, #tpu.memory_space<vmem>>
          %dma_start3A_101 = tpu.memref_squeeze %dma_start3A_100 : memref<1x128x128xf32, #tpu.memory_space<vmem>> -> memref<128x128xf32, #tpu.memory_space<vmem>>
          %dma_start3A_102 = arith.constant 0 : i32
          %dma_start3A_103 = tpu.memref_slice %arg8[%add3A_63, %dma_start3A_102] : memref<40x128xi32, #tpu.memory_space<vmem>> -> memref<1x128xi32, #tpu.memory_space<vmem>>
          %dma_start3A_104 = tpu.memref_squeeze %dma_start3A_103 : memref<1x128xi32, #tpu.memory_space<vmem>> -> memref<128xi32, #tpu.memory_space<vmem>>
          %dma_start3A_105 = arith.constant 0 : i32
          %dma_start3A_106 = arith.constant 0 : i32
          %dma_start3A_107 = tpu.memref_slice %arg10[%dma_start3A_105, %dma_start3A_106] : memref<10112x128xf32, #tpu.memory_space<vmem_shared>> -> memref<10112x128xf32, #tpu.memory_space<vmem_shared>>
          tpu.enqueue_indirect_dma source(%dma_start3A_101 : memref<128x128xf32, #tpu.memory_space<vmem>>) target(%dma_start3A_107 : memref<10112x128xf32, #tpu.memory_space<vmem_shared>>) offsets(%dma_start3A_104 : memref<128xi32, #tpu.memory_space<vmem>>) semaphore(%run_scoped3A_97 : memref<!tpu.dma_semaphore, #tpu.memory_space<semaphore_mem>>) {add = true}
          %dma_wait3A_108 = arith.constant 0 : i32
          %dma_wait3A_109 = arith.constant 0 : i32
          %dma_wait3A_110 = tpu.memref_slice %arg9[%run_scoped3A, %dma_wait3A_108, %dma_wait3A_109] : memref<2x128x128xf32, #tpu.memory_space<vmem>> -> memref<1x128x128xf32, #tpu.memory_space<vmem>>
          %dma_wait3A_111 = tpu.memref_squeeze %dma_wait3A_110 : memref<1x128x128xf32, #tpu.memory_space<vmem>> -> memref<128x128xf32, #tpu.memory_space<vmem>>
          %dma_wait3A_112 = arith.constant 0 : i32
          %dma_wait3A_113 = tpu.memref_slice %arg8[%add3A_63, %dma_wait3A_112] : memref<40x128xi32, #tpu.memory_space<vmem>> -> memref<1x128xi32, #tpu.memory_space<vmem>>
          %dma_wait3A_114 = tpu.memref_squeeze %dma_wait3A_113 : memref<1x128xi32, #tpu.memory_space<vmem>> -> memref<128xi32, #tpu.memory_space<vmem>>
          %dma_wait3A_115 = arith.constant 0 : i32
          %dma_wait3A_116 = arith.constant 0 : i32
          %dma_wait3A_117 = tpu.memref_slice %arg10[%dma_wait3A_115, %dma_wait3A_116] : memref<10112x128xf32, #tpu.memory_space<vmem_shared>> -> memref<10112x128xf32, #tpu.memory_space<vmem_shared>>
          tpu.wait_indirect_dma semaphore(%run_scoped3A_97 : memref<!tpu.dma_semaphore, #tpu.memory_space<semaphore_mem>>) src(%dma_wait3A_111 : memref<128x128xf32, #tpu.memory_space<vmem>>) dst(%dma_wait3A_117 : memref<10112x128xf32, #tpu.memory_space<vmem_shared>>)
          tpu.yield
        }) : () -> ()
        %mul3A_76 = arith.constant 2 : i32
        %mul3A_77 = arith.muli %scan3A_59, %mul3A_76 : i32
        %add3A_78 = arith.constant 1 : i32
        %add3A_79 = arith.addi %mul3A_77, %add3A_78 : i32
        %dma_wait3A_80 = arith.constant 1 : i32
        %dma_wait3A_81 = arith.constant 0 : i32
        %dma_wait3A_82 = arith.constant 0 : i32
        %dma_wait3A_83 = tpu.memref_slice %arg9[%dma_wait3A_80, %dma_wait3A_81, %dma_wait3A_82] : memref<2x128x128xf32, #tpu.memory_space<vmem>> -> memref<1x128x128xf32, #tpu.memory_space<vmem>>
        %dma_wait3A_84 = tpu.memref_squeeze %dma_wait3A_83 : memref<1x128x128xf32, #tpu.memory_space<vmem>> -> memref<128x128xf32, #tpu.memory_space<vmem>>
        %dma_wait3A_85 = arith.constant 0 : i32
        %dma_wait3A_86 = tpu.memref_slice %arg7[%add3A_79, %dma_wait3A_85] : memref<40x128xi32, #tpu.memory_space<vmem>> -> memref<1x128xi32, #tpu.memory_space<vmem>>
        %dma_wait3A_87 = tpu.memref_squeeze %dma_wait3A_86 : memref<1x128xi32, #tpu.memory_space<vmem>> -> memref<128xi32, #tpu.memory_space<vmem>>
        %dma_wait3A_88 = arith.constant 0 : i32
        %dma_wait3A_89 = arith.constant 0 : i32
        %dma_wait3A_90 = tpu.memref_slice %arg2[%dma_wait3A_88, %dma_wait3A_89] : memref<10000x128xf32, #tpu.memory_space<hbm>> -> memref<10000x128xf32, #tpu.memory_space<hbm>>
        tpu.wait_indirect_dma semaphore(%arg12 : memref<!tpu.dma_semaphore, #tpu.memory_space<semaphore_mem>>) src(%dma_wait3A_90 : memref<10000x128xf32, #tpu.memory_space<hbm>>) dst(%dma_wait3A_84 : memref<128x128xf32, #tpu.memory_space<vmem>>)
        %lt3A_91 = arith.constant 39 : i32
        %lt3A_92 = arith.cmpi slt, %add3A_79, %lt3A_91 : i32
        %convert_element_type3A_93 = arith.extui %lt3A_92 : i1 to i32
        %cond3A_94 = arith.constant 0 : i32
        %cond3A_95 = arith.cmpi ne, %convert_element_type3A_93, %cond3A_94 : i32
        scf.if %cond3A_95 {
          %add3A_97 = arith.constant 1 : i32
          %add3A_98 = arith.addi %add3A_79, %add3A_97 : i32
          %dma_start3A_99 = arith.constant 0 : i32
          %dma_start3A_100 = arith.constant 0 : i32
          %dma_start3A_101 = arith.constant 0 : i32
          %dma_start3A_102 = tpu.memref_slice %arg9[%dma_start3A_99, %dma_start3A_100, %dma_start3A_101] : memref<2x128x128xf32, #tpu.memory_space<vmem>> -> memref<1x128x128xf32, #tpu.memory_space<vmem>>
          %dma_start3A_103 = tpu.memref_squeeze %dma_start3A_102 : memref<1x128x128xf32, #tpu.memory_space<vmem>> -> memref<128x128xf32, #tpu.memory_space<vmem>>
          %dma_start3A_104 = arith.constant 0 : i32
          %dma_start3A_105 = tpu.memref_slice %arg7[%add3A_98, %dma_start3A_104] : memref<40x128xi32, #tpu.memory_space<vmem>> -> memref<1x128xi32, #tpu.memory_space<vmem>>
          %dma_start3A_106 = tpu.memref_squeeze %dma_start3A_105 : memref<1x128xi32, #tpu.memory_space<vmem>> -> memref<128xi32, #tpu.memory_space<vmem>>
          %dma_start3A_107 = arith.constant 0 : i32
          %dma_start3A_108 = arith.constant 0 : i32
          %dma_start3A_109 = tpu.memref_slice %arg2[%dma_start3A_107, %dma_start3A_108] : memref<10000x128xf32, #tpu.memory_space<hbm>> -> memref<10000x128xf32, #tpu.memory_space<hbm>>
          tpu.enqueue_indirect_dma source(%dma_start3A_109 : memref<10000x128xf32, #tpu.memory_space<hbm>>) target(%dma_start3A_103 : memref<128x128xf32, #tpu.memory_space<vmem>>) offsets(%dma_start3A_106 : memref<128xi32, #tpu.memory_space<vmem>>) semaphore(%arg11 : memref<!tpu.dma_semaphore, #tpu.memory_space<semaphore_mem>>)
        } else {
        }
        %run_scoped3A_96 = arith.constant 1 : i32
        "tpu.region"() ({
          %run_scoped3A_97 = tpu.sem_alloc : memref<!tpu.dma_semaphore, #tpu.memory_space<semaphore_mem>>
          %dma_start3A_98 = arith.constant 0 : i32
          %dma_start3A_99 = arith.constant 0 : i32
          %dma_start3A_100 = tpu.memref_slice %arg9[%run_scoped3A_96, %dma_start3A_98, %dma_start3A_99] : memref<2x128x128xf32, #tpu.memory_space<vmem>> -> memref<1x128x128xf32, #tpu.memory_space<vmem>>
          %dma_start3A_101 = tpu.memref_squeeze %dma_start3A_100 : memref<1x128x128xf32, #tpu.memory_space<vmem>> -> memref<128x128xf32, #tpu.memory_space<vmem>>
          %dma_start3A_102 = arith.constant 0 : i32
          %dma_start3A_103 = tpu.memref_slice %arg8[%add3A_79, %dma_start3A_102] : memref<40x128xi32, #tpu.memory_space<vmem>> -> memref<1x128xi32, #tpu.memory_space<vmem>>
          %dma_start3A_104 = tpu.memref_squeeze %dma_start3A_103 : memref<1x128xi32, #tpu.memory_space<vmem>> -> memref<128xi32, #tpu.memory_space<vmem>>
          %dma_start3A_105 = arith.constant 0 : i32
          %dma_start3A_106 = arith.constant 0 : i32
          %dma_start3A_107 = tpu.memref_slice %arg10[%dma_start3A_105, %dma_start3A_106] : memref<10112x128xf32, #tpu.memory_space<vmem_shared>> -> memref<10112x128xf32, #tpu.memory_space<vmem_shared>>
          tpu.enqueue_indirect_dma source(%dma_start3A_101 : memref<128x128xf32, #tpu.memory_space<vmem>>) target(%dma_start3A_107 : memref<10112x128xf32, #tpu.memory_space<vmem_shared>>) offsets(%dma_start3A_104 : memref<128xi32, #tpu.memory_space<vmem>>) semaphore(%run_scoped3A_97 : memref<!tpu.dma_semaphore, #tpu.memory_space<semaphore_mem>>) {add = true}
          %dma_wait3A_108 = arith.constant 0 : i32
          %dma_wait3A_109 = arith.constant 0 : i32
          %dma_wait3A_110 = tpu.memref_slice %arg9[%run_scoped3A_96, %dma_wait3A_108, %dma_wait3A_109] : memref<2x128x128xf32, #tpu.memory_space<vmem>> -> memref<1x128x128xf32, #tpu.memory_space<vmem>>
          %dma_wait3A_111 = tpu.memref_squeeze %dma_wait3A_110 : memref<1x128x128xf32, #tpu.memory_space<vmem>> -> memref<128x128xf32, #tpu.memory_space<vmem>>
          %dma_wait3A_112 = arith.constant 0 : i32
          %dma_wait3A_113 = tpu.memref_slice %arg8[%add3A_79, %dma_wait3A_112] : memref<40x128xi32, #tpu.memory_space<vmem>> -> memref<1x128xi32, #tpu.memory_space<vmem>>
          %dma_wait3A_114 = tpu.memref_squeeze %dma_wait3A_113 : memref<1x128xi32, #tpu.memory_space<vmem>> -> memref<128xi32, #tpu.memory_space<vmem>>
          %dma_wait3A_115 = arith.constant 0 : i32
          %dma_wait3A_116 = arith.constant 0 : i32
          %dma_wait3A_117 = tpu.memref_slice %arg10[%dma_wait3A_115, %dma_wait3A_116] : memref<10112x128xf32, #tpu.memory_space<vmem_shared>> -> memref<10112x128xf32, #tpu.memory_space<vmem_shared>>
          tpu.wait_indirect_dma semaphore(%run_scoped3A_97 : memref<!tpu.dma_semaphore, #tpu.memory_space<semaphore_mem>>) src(%dma_wait3A_111 : memref<128x128xf32, #tpu.memory_space<vmem>>) dst(%dma_wait3A_117 : memref<10112x128xf32, #tpu.memory_space<vmem_shared>>)
          tpu.yield
        }) : () -> ()
      }
      %scan3A_58 = arith.constant 20 : i32
    }
    %barrier3A_35 = arith.constant 0 : index
    tpu.barrier barrier_id(%barrier3A_35)
    %mul3A_36 = arith.constant 10112 : i32
    %mul3A_37 = arith.muli %arg0, %mul3A_36 : i32
    %add3A_38 = arith.addi %mul3A_37, %mul3A_0 : i32
    "tpu.region"() ({
      %run_scoped3A = tpu.sem_alloc : memref<!tpu.dma_semaphore, #tpu.memory_space<semaphore_mem>>
      %dma_start3A = arith.constant 0 : i32
      %dma_start3A_39 = tpu.memref_slice %arg6[%add3A_38, %dma_start3A] : memref<20224x128xf32, #tpu.memory_space<hbm>> -> memref<632x128xf32, #tpu.memory_space<hbm>>
      %dma_start3A_40 = arith.constant 0 : i32
      %dma_start3A_41 = tpu.memref_slice %arg10[%mul3A_0, %dma_start3A_40] : memref<10112x128xf32, #tpu.memory_space<vmem_shared>> -> memref<632x128xf32, #tpu.memory_space<vmem_shared>>
      tpu.enqueue_dma source(%dma_start3A_41 : memref<632x128xf32, #tpu.memory_space<vmem_shared>>) target(%dma_start3A_39 : memref<632x128xf32, #tpu.memory_space<hbm>>) target_semaphore(%run_scoped3A : memref<!tpu.dma_semaphore, #tpu.memory_space<semaphore_mem>>)
      %dma_wait3A = arith.constant 0 : i32
      %dma_wait3A_42 = tpu.memref_slice %arg6[%add3A_38, %dma_wait3A] : memref<20224x128xf32, #tpu.memory_space<hbm>> -> memref<632x128xf32, #tpu.memory_space<hbm>>
      %dma_wait3A_43 = arith.constant 0 : i32
      %dma_wait3A_44 = tpu.memref_slice %arg10[%mul3A_0, %dma_wait3A_43] : memref<10112x128xf32, #tpu.memory_space<vmem_shared>> -> memref<632x128xf32, #tpu.memory_space<vmem_shared>>
      tpu.wait_dma2 semaphore(%run_scoped3A : memref<!tpu.dma_semaphore, #tpu.memory_space<semaphore_mem>>) src(%dma_wait3A_44 : memref<632x128xf32, #tpu.memory_space<vmem_shared>>) dst(%dma_wait3A_42 : memref<632x128xf32, #tpu.memory_space<hbm>>)
      tpu.yield
    }) : () -> ()
    return
  }
}

module attributes {stable_mosaic.version = 14 : i64} {
  func.func @_tc_y0_body(%arg0: memref<20224x128xf32, #tpu.memory_space<vmem>>, %arg1: memref<10000x128xf32, #tpu.memory_space<vmem>>, %arg2: memref<128x128xf32, #tpu.memory_space<vmem>>, %arg3: memref<10000x128xf32, #tpu.memory_space<vmem>>) attributes {dimension_semantics = [], scalar_prefetch = 0 : i64, scratch_operands = 0 : i64, tpu.core_type = #tpu.core_type<tc>} {
    %get3A = arith.constant 0 : index
    %get3A_0 = arith.constant 0 : index
    %get3A_1 = vector.load %arg0[%get3A, %get3A_0] : memref<20224x128xf32, #tpu.memory_space<vmem>>, vector<10000x1xf32>
    %get3A_2 = arith.constant 10112 : index
    %get3A_3 = arith.constant 0 : index
    %get3A_4 = vector.load %arg0[%get3A_2, %get3A_3] : memref<20224x128xf32, #tpu.memory_space<vmem>>, vector<10000x1xf32>
    %add3A = arith.addf %get3A_1, %get3A_4 : vector<10000x1xf32>
    %add3A_5 = arith.constant 1.000000e+00 : f32
    %add3A_6 = vector.broadcast %add3A_5 : f32 to vector<10000x1xf32>
    %add3A_7 = arith.addf %add3A, %add3A_6 : vector<10000x1xf32>
    %rsqrt3A = math.rsqrt %add3A_7 : vector<10000x1xf32>
    %get3A_8 = arith.constant 0 : index
    %get3A_9 = arith.constant 0 : index
    %get3A_10 = vector.load %arg1[%get3A_8, %get3A_9] : memref<10000x128xf32, #tpu.memory_space<vmem>>, vector<10000x128xf32>
    %get3A_11 = arith.constant 0 : index
    %get3A_12 = arith.constant 0 : index
    %get3A_13 = vector.load %arg2[%get3A_11, %get3A_12] : memref<128x128xf32, #tpu.memory_space<vmem>>, vector<128x128xf32>
    %dot_general3A = arith.constant dense<0.000000e+00> : vector<10000x128xf32>
    %dot_general3A_14 = tpu.matmul %get3A_10, %get3A_13, %dot_general3A {dimension_numbers = #tpu.dot_dimension_numbers<[1], [0], [0], [1], [0, 0, 1, 1], [], []>, transpose_lhs_hint = false} : vector<10000x128xf32>, vector<128x128xf32>, vector<10000x128xf32> -> vector<10000x128xf32>
    %mul3A = vector.broadcast %rsqrt3A : vector<10000x1xf32> to vector<10000x128xf32>
    %mul3A_15 = arith.mulf %dot_general3A_14, %mul3A : vector<10000x128xf32>
    %swap3A = arith.constant 0 : index
    %swap3A_16 = arith.constant 0 : index
    %swap3A_17 = vector.load %arg3[%swap3A, %swap3A_16] : memref<10000x128xf32, #tpu.memory_space<vmem>>, vector<10000x128xf32>
    tpu.vector_store %arg3[%swap3A, %swap3A_16], %mul3A_15 {strides = array<i32>} : memref<10000x128xf32, #tpu.memory_space<vmem>>, vector<10000x128xf32>,
    return
  }
}

module attributes {stable_mosaic.version = 14 : i64} {
  func.func @_tc_layer_body(%arg0: memref<20224x128xf32, #tpu.memory_space<vmem>>, %arg1: memref<10000x128xf32, #tpu.memory_space<vmem>>, %arg2: memref<20224x128xf32, #tpu.memory_space<vmem>>, %arg3: memref<1x128xf32, #tpu.memory_space<vmem>>, %arg4: memref<1x128xf32, #tpu.memory_space<vmem>>, %arg5: memref<1x128xf32, #tpu.memory_space<vmem>>, %arg6: memref<128x128xf32, #tpu.memory_space<vmem>>, %arg7: memref<10000x128xf32, #tpu.memory_space<vmem>>, %arg8: memref<10000x128xf32, #tpu.memory_space<vmem>>) attributes {dimension_semantics = [], scalar_prefetch = 0 : i64, scratch_operands = 0 : i64, tpu.core_type = #tpu.core_type<tc>} {
    %get3A = arith.constant 0 : index
    %get3A_0 = arith.constant 0 : index
    %get3A_1 = vector.load %arg2[%get3A, %get3A_0] : memref<20224x128xf32, #tpu.memory_space<vmem>>, vector<10000x1xf32>
    %get3A_2 = arith.constant 10112 : index
    %get3A_3 = arith.constant 0 : index
    %get3A_4 = vector.load %arg2[%get3A_2, %get3A_3] : memref<20224x128xf32, #tpu.memory_space<vmem>>, vector<10000x1xf32>
    %add3A = arith.addf %get3A_1, %get3A_4 : vector<10000x1xf32>
    %add3A_5 = arith.constant 1.000000e+00 : f32
    %add3A_6 = vector.broadcast %add3A_5 : f32 to vector<10000x1xf32>
    %add3A_7 = arith.addf %add3A, %add3A_6 : vector<10000x1xf32>
    %rsqrt3A = math.rsqrt %add3A_7 : vector<10000x1xf32>
    %get3A_8 = arith.constant 0 : index
    %get3A_9 = arith.constant 0 : index
    %get3A_10 = vector.load %arg0[%get3A_8, %get3A_9] : memref<20224x128xf32, #tpu.memory_space<vmem>>, vector<10000x128xf32>
    %get3A_11 = arith.constant 10112 : index
    %get3A_12 = arith.constant 0 : index
    %get3A_13 = vector.load %arg0[%get3A_11, %get3A_12] : memref<20224x128xf32, #tpu.memory_space<vmem>>, vector<10000x128xf32>
    %add3A_14 = arith.addf %get3A_10, %get3A_13 : vector<10000x128xf32>
    %get3A_15 = arith.constant 0 : index
    %get3A_16 = arith.constant 0 : index
    %get3A_17 = vector.load %arg1[%get3A_15, %get3A_16] : memref<10000x128xf32, #tpu.memory_space<vmem>>, vector<10000x128xf32>
    %add3A_18 = arith.addf %add3A_14, %get3A_17 : vector<10000x128xf32>
    %mul3A = vector.broadcast %rsqrt3A : vector<10000x1xf32> to vector<10000x128xf32>
    %mul3A_19 = arith.mulf %mul3A, %add3A_18 : vector<10000x128xf32>
    %get3A_20 = arith.constant 0 : index
    %get3A_21 = arith.constant 0 : index
    %get3A_22 = vector.load %arg3[%get3A_20, %get3A_21] : memref<1x128xf32, #tpu.memory_space<vmem>>, vector<1x128xf32>
    %add3A_23 = vector.broadcast %get3A_22 : vector<1x128xf32> to vector<10000x128xf32>
    %add3A_24 = arith.addf %mul3A_19, %add3A_23 : vector<10000x128xf32>
    %reduce_sum3A = arith.constant dense<0.000000e+00> : vector<128xf32>
    %reduce_sum3A_25 = vector.multi_reduction <add>, %add3A_24, %reduce_sum3A [0] : vector<10000x128xf32> to vector<128xf32>
    %broadcast_in_dim3A = vector.shape_cast %reduce_sum3A_25 : vector<128xf32> to vector<1x128xf32>
    %div3A = arith.constant 1.000000e+04 : f32
    %div3A_26 = vector.broadcast %div3A : f32 to vector<1x128xf32>
    %div3A_27 = arith.divf %broadcast_in_dim3A, %div3A_26 : vector<1x128xf32>
    %sub3A = vector.broadcast %div3A_27 : vector<1x128xf32> to vector<10000x128xf32>
    %sub3A_28 = arith.subf %add3A_24, %sub3A : vector<10000x128xf32>
    %integer_pow3A = arith.mulf %sub3A_28, %sub3A_28 : vector<10000x128xf32>
    %reduce_sum3A_29 = arith.constant dense<0.000000e+00> : vector<128xf32>
    %reduce_sum3A_30 = vector.multi_reduction <add>, %integer_pow3A, %reduce_sum3A_29 [0] : vector<10000x128xf32> to vector<128xf32>
    %broadcast_in_dim3A_31 = vector.shape_cast %reduce_sum3A_30 : vector<128xf32> to vector<1x128xf32>
    %div3A_32 = arith.constant 1.000000e+04 : f32
    %div3A_33 = vector.broadcast %div3A_32 : f32 to vector<1x128xf32>
    %div3A_34 = arith.divf %broadcast_in_dim3A_31, %div3A_33 : vector<1x128xf32>
    %get3A_35 = arith.constant 0 : index
    %get3A_36 = arith.constant 0 : index
    %get3A_37 = vector.load %arg4[%get3A_35, %get3A_36] : memref<1x128xf32, #tpu.memory_space<vmem>>, vector<1x128xf32>
    %sub3A_38 = vector.broadcast %div3A_27 : vector<1x128xf32> to vector<10000x128xf32>
    %sub3A_39 = arith.subf %add3A_24, %sub3A_38 : vector<10000x128xf32>
    %mul3A_40 = vector.broadcast %get3A_37 : vector<1x128xf32> to vector<10000x128xf32>
    %mul3A_41 = arith.mulf %mul3A_40, %sub3A_39 : vector<10000x128xf32>
    %add3A_42 = arith.constant 9.99999974E-6 : f32
    %add3A_43 = vector.broadcast %add3A_42 : f32 to vector<1x128xf32>
    %add3A_44 = arith.addf %div3A_34, %add3A_43 : vector<1x128xf32>
    %rsqrt3A_45 = math.rsqrt %add3A_44 : vector<1x128xf32>
    %mul3A_46 = vector.broadcast %rsqrt3A_45 : vector<1x128xf32> to vector<10000x128xf32>
    %mul3A_47 = arith.mulf %mul3A_41, %mul3A_46 : vector<10000x128xf32>
    %get3A_48 = arith.constant 0 : index
    %get3A_49 = arith.constant 0 : index
    %get3A_50 = vector.load %arg5[%get3A_48, %get3A_49] : memref<1x128xf32, #tpu.memory_space<vmem>>, vector<1x128xf32>
    %add3A_51 = vector.broadcast %get3A_50 : vector<1x128xf32> to vector<10000x128xf32>
    %add3A_52 = arith.addf %mul3A_47, %add3A_51 : vector<10000x128xf32>
    %max3A = arith.constant 0.000000e+00 : f32
    %max3A_53 = vector.broadcast %max3A : f32 to vector<10000x128xf32>
    %max3A_54 = arith.maximumf %add3A_52, %max3A_53 : vector<10000x128xf32>
    %swap3A = arith.constant 0 : index
    %swap3A_55 = arith.constant 0 : index
    %swap3A_56 = vector.load %arg7[%swap3A, %swap3A_55] : memref<10000x128xf32, #tpu.memory_space<vmem>>, vector<10000x128xf32>
    tpu.vector_store %arg7[%swap3A, %swap3A_55], %max3A_54 {strides = array<i32>} : memref<10000x128xf32, #tpu.memory_space<vmem>>, vector<10000x128xf32>,
    %get3A_57 = arith.constant 0 : index
    %get3A_58 = arith.constant 0 : index
    %get3A_59 = vector.load %arg6[%get3A_57, %get3A_58] : memref<128x128xf32, #tpu.memory_space<vmem>>, vector<128x128xf32>
    %dot_general3A = arith.constant dense<0.000000e+00> : vector<10000x128xf32>
    %dot_general3A_60 = tpu.matmul %max3A_54, %get3A_59, %dot_general3A {dimension_numbers = #tpu.dot_dimension_numbers<[1], [0], [0], [1], [0, 0, 1, 1], [], []>, transpose_lhs_hint = false} : vector<10000x128xf32>, vector<128x128xf32>, vector<10000x128xf32> -> vector<10000x128xf32>
    %mul3A_61 = vector.broadcast %rsqrt3A : vector<10000x1xf32> to vector<10000x128xf32>
    %mul3A_62 = arith.mulf %dot_general3A_60, %mul3A_61 : vector<10000x128xf32>
    %swap3A_63 = arith.constant 0 : index
    %swap3A_64 = arith.constant 0 : index
    %swap3A_65 = vector.load %arg8[%swap3A_63, %swap3A_64] : memref<10000x128xf32, #tpu.memory_space<vmem>>, vector<10000x128xf32>
    tpu.vector_store %arg8[%swap3A_63, %swap3A_64], %mul3A_62 {strides = array<i32>} : memref<10000x128xf32, #tpu.memory_space<vmem>>, vector<10000x128xf32>,
    return
  }
}

module attributes {stable_mosaic.version = 14 : i64} {
  func.func @_tc_bn_body(%arg0: memref<20224x128xf32, #tpu.memory_space<vmem>>, %arg1: memref<10000x128xf32, #tpu.memory_space<vmem>>, %arg2: memref<20224x128xf32, #tpu.memory_space<vmem>>, %arg3: memref<1x128xf32, #tpu.memory_space<vmem>>, %arg4: memref<1x128xf32, #tpu.memory_space<vmem>>, %arg5: memref<1x128xf32, #tpu.memory_space<vmem>>, %arg6: memref<10000x128xf32, #tpu.memory_space<vmem>>) attributes {dimension_semantics = [], scalar_prefetch = 0 : i64, scratch_operands = 0 : i64, tpu.core_type = #tpu.core_type<tc>} {
    %get3A = arith.constant 0 : index
    %get3A_0 = arith.constant 0 : index
    %get3A_1 = vector.load %arg2[%get3A, %get3A_0] : memref<20224x128xf32, #tpu.memory_space<vmem>>, vector<10000x1xf32>
    %get3A_2 = arith.constant 10112 : index
    %get3A_3 = arith.constant 0 : index
    %get3A_4 = vector.load %arg2[%get3A_2, %get3A_3] : memref<20224x128xf32, #tpu.memory_space<vmem>>, vector<10000x1xf32>
    %add3A = arith.addf %get3A_1, %get3A_4 : vector<10000x1xf32>
    %add3A_5 = arith.constant 1.000000e+00 : f32
    %add3A_6 = vector.broadcast %add3A_5 : f32 to vector<10000x1xf32>
    %add3A_7 = arith.addf %add3A, %add3A_6 : vector<10000x1xf32>
    %rsqrt3A = math.rsqrt %add3A_7 : vector<10000x1xf32>
    %get3A_8 = arith.constant 0 : index
    %get3A_9 = arith.constant 0 : index
    %get3A_10 = vector.load %arg0[%get3A_8, %get3A_9] : memref<20224x128xf32, #tpu.memory_space<vmem>>, vector<10000x128xf32>
    %get3A_11 = arith.constant 10112 : index
    %get3A_12 = arith.constant 0 : index
    %get3A_13 = vector.load %arg0[%get3A_11, %get3A_12] : memref<20224x128xf32, #tpu.memory_space<vmem>>, vector<10000x128xf32>
    %add3A_14 = arith.addf %get3A_10, %get3A_13 : vector<10000x128xf32>
    %get3A_15 = arith.constant 0 : index
    %get3A_16 = arith.constant 0 : index
    %get3A_17 = vector.load %arg1[%get3A_15, %get3A_16] : memref<10000x128xf32, #tpu.memory_space<vmem>>, vector<10000x128xf32>
    %add3A_18 = arith.addf %add3A_14, %get3A_17 : vector<10000x128xf32>
    %mul3A = vector.broadcast %rsqrt3A : vector<10000x1xf32> to vector<10000x128xf32>
    %mul3A_19 = arith.mulf %mul3A, %add3A_18 : vector<10000x128xf32>
    %get3A_20 = arith.constant 0 : index
    %get3A_21 = arith.constant 0 : index
    %get3A_22 = vector.load %arg3[%get3A_20, %get3A_21] : memref<1x128xf32, #tpu.memory_space<vmem>>, vector<1x128xf32>
    %add3A_23 = vector.broadcast %get3A_22 : vector<1x128xf32> to vector<10000x128xf32>
    %add3A_24 = arith.addf %mul3A_19, %add3A_23 : vector<10000x128xf32>
    %reduce_sum3A = arith.constant dense<0.000000e+00> : vector<128xf32>
    %reduce_sum3A_25 = vector.multi_reduction <add>, %add3A_24, %reduce_sum3A [0] : vector<10000x128xf32> to vector<128xf32>
    %broadcast_in_dim3A = vector.shape_cast %reduce_sum3A_25 : vector<128xf32> to vector<1x128xf32>
    %div3A = arith.constant 1.000000e+04 : f32
    %div3A_26 = vector.broadcast %div3A : f32 to vector<1x128xf32>
    %div3A_27 = arith.divf %broadcast_in_dim3A, %div3A_26 : vector<1x128xf32>
    %sub3A = vector.broadcast %div3A_27 : vector<1x128xf32> to vector<10000x128xf32>
    %sub3A_28 = arith.subf %add3A_24, %sub3A : vector<10000x128xf32>
    %integer_pow3A = arith.mulf %sub3A_28, %sub3A_28 : vector<10000x128xf32>
    %reduce_sum3A_29 = arith.constant dense<0.000000e+00> : vector<128xf32>
    %reduce_sum3A_30 = vector.multi_reduction <add>, %integer_pow3A, %reduce_sum3A_29 [0] : vector<10000x128xf32> to vector<128xf32>
    %broadcast_in_dim3A_31 = vector.shape_cast %reduce_sum3A_30 : vector<128xf32> to vector<1x128xf32>
    %div3A_32 = arith.constant 1.000000e+04 : f32
    %div3A_33 = vector.broadcast %div3A_32 : f32 to vector<1x128xf32>
    %div3A_34 = arith.divf %broadcast_in_dim3A_31, %div3A_33 : vector<1x128xf32>
    %get3A_35 = arith.constant 0 : index
    %get3A_36 = arith.constant 0 : index
    %get3A_37 = vector.load %arg4[%get3A_35, %get3A_36] : memref<1x128xf32, #tpu.memory_space<vmem>>, vector<1x128xf32>
    %sub3A_38 = vector.broadcast %div3A_27 : vector<1x128xf32> to vector<10000x128xf32>
    %sub3A_39 = arith.subf %add3A_24, %sub3A_38 : vector<10000x128xf32>
    %mul3A_40 = vector.broadcast %get3A_37 : vector<1x128xf32> to vector<10000x128xf32>
    %mul3A_41 = arith.mulf %mul3A_40, %sub3A_39 : vector<10000x128xf32>
    %add3A_42 = arith.constant 9.99999974E-6 : f32
    %add3A_43 = vector.broadcast %add3A_42 : f32 to vector<1x128xf32>
    %add3A_44 = arith.addf %div3A_34, %add3A_43 : vector<1x128xf32>
    %rsqrt3A_45 = math.rsqrt %add3A_44 : vector<1x128xf32>
    %mul3A_46 = vector.broadcast %rsqrt3A_45 : vector<1x128xf32> to vector<10000x128xf32>
    %mul3A_47 = arith.mulf %mul3A_41, %mul3A_46 : vector<10000x128xf32>
    %get3A_48 = arith.constant 0 : index
    %get3A_49 = arith.constant 0 : index
    %get3A_50 = vector.load %arg5[%get3A_48, %get3A_49] : memref<1x128xf32, #tpu.memory_space<vmem>>, vector<1x128xf32>
    %add3A_51 = vector.broadcast %get3A_50 : vector<1x128xf32> to vector<10000x128xf32>
    %add3A_52 = arith.addf %mul3A_47, %add3A_51 : vector<10000x128xf32>
    %max3A = arith.constant 0.000000e+00 : f32
    %max3A_53 = vector.broadcast %max3A : f32 to vector<10000x128xf32>
    %max3A_54 = arith.maximumf %add3A_52, %max3A_53 : vector<10000x128xf32>
    %swap3A = arith.constant 0 : index
    %swap3A_55 = arith.constant 0 : index
    %swap3A_56 = vector.load %arg6[%swap3A, %swap3A_55] : memref<10000x128xf32, #tpu.memory_space<vmem>>, vector<10000x128xf32>
    tpu.vector_store %arg6[%swap3A, %swap3A_55], %max3A_54 {strides = array<i32>} : memref<10000x128xf32, #tpu.memory_space<vmem>>, vector<10000x128xf32>,
    return
  }
}

module attributes {stable_mosaic.version = 14 : i64} {
  func.func @_tc_head_body(%arg0: memref<10000x128xf32, #tpu.memory_space<vmem>>, %arg1: memref<10000x128xf32, #tpu.memory_space<vmem>>, %arg2: memref<10000x128xf32, #tpu.memory_space<vmem>>, %arg3: memref<1x10000xi32, #tpu.memory_space<vmem>>, %arg4: memref<384x128xf32, #tpu.memory_space<vmem>>, %arg5: memref<1x128xf32, #tpu.memory_space<vmem>>, %arg6: memref<128x8xf32, #tpu.memory_space<vmem>>, %arg7: memref<1x8xf32, #tpu.memory_space<vmem>>, %arg8: memref<64x8xf32, #tpu.memory_space<vmem>>) attributes {dimension_semantics = [], scalar_prefetch = 0 : i64, scratch_operands = 0 : i64, tpu.core_type = #tpu.core_type<tc>} {
    %iota3A = tpu.iota {dimensions = array<i32: 0>} : vector<64x10000xi32>
    %get3A = arith.constant 0 : index
    %get3A_0 = arith.constant 0 : index
    %get3A_1 = vector.load %arg3[%get3A, %get3A_0] : memref<1x10000xi32, #tpu.memory_space<vmem>>, vector<1x10000xi32>
    %eq3A = vector.broadcast %get3A_1 : vector<1x10000xi32> to vector<64x10000xi32>
    %eq3A_2 = arith.cmpi eq, %iota3A, %eq3A : vector<64x10000xi32>
    %convert_element_type3A = arith.extui %eq3A_2 : vector<64x10000xi1> to vector<64x10000xi32>
    %convert_element_type3A_3 = arith.sitofp %convert_element_type3A : vector<64x10000xi32> to vector<64x10000xf32>
    %reduce_sum3A = arith.constant dense<0.000000e+00> : vector<64xf32>
    %reduce_sum3A_4 = vector.multi_reduction <add>, %convert_element_type3A_3, %reduce_sum3A [1] : vector<64x10000xf32> to vector<64xf32>
    %broadcast_in_dim3A = vector.shape_cast %reduce_sum3A_4 : vector<64xf32> to vector<64x1xf32>
    %max3A = arith.constant 1.000000e+00 : f32
    %max3A_5 = vector.broadcast %max3A : f32 to vector<64x1xf32>
    %max3A_6 = arith.maximumf %broadcast_in_dim3A, %max3A_5 : vector<64x1xf32>
    %div3A = arith.constant 1.000000e+00 : f32
    %div3A_7 = vector.broadcast %div3A : f32 to vector<64x1xf32>
    %div3A_8 = arith.divf %div3A_7, %max3A_6 : vector<64x1xf32>
    %get3A_9 = arith.constant 0 : index
    %get3A_10 = arith.constant 0 : index
    %get3A_11 = vector.load %arg0[%get3A_9, %get3A_10] : memref<10000x128xf32, #tpu.memory_space<vmem>>, vector<10000x128xf32>
    %dot_general3A = arith.constant dense<0.000000e+00> : vector<64x128xf32>
    %dot_general3A_12 = tpu.matmul %convert_element_type3A_3, %get3A_11, %dot_general3A {dimension_numbers = #tpu.dot_dimension_numbers<[1], [0], [0], [1], [0, 0, 1, 1], [], []>, transpose_lhs_hint = false} : vector<64x10000xf32>, vector<10000x128xf32>, vector<64x128xf32> -> vector<64x128xf32>
    %get3A_13 = arith.constant 0 : index
    %get3A_14 = arith.constant 0 : index
    %get3A_15 = vector.load %arg1[%get3A_13, %get3A_14] : memref<10000x128xf32, #tpu.memory_space<vmem>>, vector<10000x128xf32>
    %dot_general3A_16 = arith.constant dense<0.000000e+00> : vector<64x128xf32>
    %dot_general3A_17 = tpu.matmul %convert_element_type3A_3, %get3A_15, %dot_general3A_16 {dimension_numbers = #tpu.dot_dimension_numbers<[1], [0], [0], [1], [0, 0, 1, 1], [], []>, transpose_lhs_hint = false} : vector<64x10000xf32>, vector<10000x128xf32>, vector<64x128xf32> -> vector<64x128xf32>
    %get3A_18 = arith.constant 0 : index
    %get3A_19 = arith.constant 0 : index
    %get3A_20 = vector.load %arg2[%get3A_18, %get3A_19] : memref<10000x128xf32, #tpu.memory_space<vmem>>, vector<10000x128xf32>
    %dot_general3A_21 = arith.constant dense<0.000000e+00> : vector<64x128xf32>
    %dot_general3A_22 = tpu.matmul %convert_element_type3A_3, %get3A_20, %dot_general3A_21 {dimension_numbers = #tpu.dot_dimension_numbers<[1], [0], [0], [1], [0, 0, 1, 1], [], []>, transpose_lhs_hint = false} : vector<64x10000xf32>, vector<10000x128xf32>, vector<64x128xf32> -> vector<64x128xf32>
    %concatenate3A = tpu.concatenate %dot_general3A_12, %dot_general3A_17, %dot_general3A_22 in 1 : vector<64x128xf32>, vector<64x128xf32>, vector<64x128xf32> -> vector<64x384xf32>
    %mul3A = vector.broadcast %div3A_8 : vector<64x1xf32> to vector<64x384xf32>
    %mul3A_23 = arith.mulf %concatenate3A, %mul3A : vector<64x384xf32>
    %get3A_24 = arith.constant 0 : index
    %get3A_25 = arith.constant 0 : index
    %get3A_26 = vector.load %arg4[%get3A_24, %get3A_25] : memref<384x128xf32, #tpu.memory_space<vmem>>, vector<384x128xf32>
    %dot_general3A_27 = arith.constant dense<0.000000e+00> : vector<64x128xf32>
    %dot_general3A_28 = tpu.matmul %mul3A_23, %get3A_26, %dot_general3A_27 {dimension_numbers = #tpu.dot_dimension_numbers<[1], [0], [0], [1], [0, 0, 1, 1], [], []>, transpose_lhs_hint = false} : vector<64x384xf32>, vector<384x128xf32>, vector<64x128xf32> -> vector<64x128xf32>
    %get3A_29 = arith.constant 0 : index
    %get3A_30 = arith.constant 0 : index
    %get3A_31 = vector.load %arg5[%get3A_29, %get3A_30] : memref<1x128xf32, #tpu.memory_space<vmem>>, vector<1x128xf32>
    %add3A = vector.broadcast %get3A_31 : vector<1x128xf32> to vector<64x128xf32>
    %add3A_32 = arith.addf %dot_general3A_28, %add3A : vector<64x128xf32>
    %max3A_33 = arith.constant 0.000000e+00 : f32
    %max3A_34 = vector.broadcast %max3A_33 : f32 to vector<64x128xf32>
    %max3A_35 = arith.maximumf %add3A_32, %max3A_34 : vector<64x128xf32>
    %get3A_36 = arith.constant 0 : index
    %get3A_37 = arith.constant 0 : index
    %get3A_38 = vector.load %arg6[%get3A_36, %get3A_37] : memref<128x8xf32, #tpu.memory_space<vmem>>, vector<128x8xf32>
    %dot_general3A_39 = arith.constant dense<0.000000e+00> : vector<64x8xf32>
    %dot_general3A_40 = tpu.matmul %max3A_35, %get3A_38, %dot_general3A_39 {dimension_numbers = #tpu.dot_dimension_numbers<[1], [0], [0], [1], [0, 0, 1, 1], [], []>, transpose_lhs_hint = false} : vector<64x128xf32>, vector<128x8xf32>, vector<64x8xf32> -> vector<64x8xf32>
    %get3A_41 = arith.constant 0 : index
    %get3A_42 = arith.constant 0 : index
    %get3A_43 = vector.load %arg7[%get3A_41, %get3A_42] : memref<1x8xf32, #tpu.memory_space<vmem>>, vector<1x8xf32>
    %add3A_44 = vector.broadcast %get3A_43 : vector<1x8xf32> to vector<64x8xf32>
    %add3A_45 = arith.addf %dot_general3A_40, %add3A_44 : vector<64x8xf32>
    %reduce_max3A = arith.constant dense<0xFF800000> : vector<64xf32>
    %reduce_max3A_46 = vector.multi_reduction <maximumf>, %add3A_45, %reduce_max3A [1] : vector<64x8xf32> to vector<64xf32>
    %broadcast_in_dim3A_47 = vector.shape_cast %reduce_max3A_46 : vector<64xf32> to vector<64x1xf32>
    %sub3A = vector.broadcast %broadcast_in_dim3A_47 : vector<64x1xf32> to vector<64x8xf32>
    %sub3A_48 = arith.subf %add3A_45, %sub3A : vector<64x8xf32>
    %exp3A = math.exp %sub3A_48 : vector<64x8xf32>
    %reduce_sum3A_49 = arith.constant dense<0.000000e+00> : vector<64xf32>
    %reduce_sum3A_50 = vector.multi_reduction <add>, %exp3A, %reduce_sum3A_49 [1] : vector<64x8xf32> to vector<64xf32>
    %broadcast_in_dim3A_51 = vector.shape_cast %reduce_sum3A_50 : vector<64xf32> to vector<64x1xf32>
    %log3A = math.log %broadcast_in_dim3A_51 : vector<64x1xf32>
    %sub3A_52 = vector.broadcast %log3A : vector<64x1xf32> to vector<64x8xf32>
    %sub3A_53 = arith.subf %sub3A_48, %sub3A_52 : vector<64x8xf32>
    %swap3A = arith.constant 0 : index
    %swap3A_54 = arith.constant 0 : index
    %swap3A_55 = vector.load %arg8[%swap3A, %swap3A_54] : memref<64x8xf32, #tpu.memory_space<vmem>>, vector<64x8xf32>
    tpu.vector_store %arg8[%swap3A, %swap3A_54], %sub3A_53 {strides = array<i32>} : memref<64x8xf32, #tpu.memory_space<vmem>>, vector<64x8xf32>,
    return
  }
}

</mosaic_0001>

<sc_bundles>
// kernel: kernel.11.cloned.1.call-start
scs
__scs_entry_jumppad:
0x0: {  	(pc) =	sbr.rel $0x88, $3  }
0x1: {  	(tag) =	ssettag $0x0;
	lr =	simm.s32 $0x1  }
0x2: {  	[smem:$0x3F88] =	sst lr;
	_ =	strace $0xD0000000  }
0x3: {  	_ = 	snop  }
0x4: {  	_ = 	snop  }
0x5: {  	_ = 	snop  }
0x6: {  	_ = 	snop  }
0x7: {  	_ = 	snop  }
__scs_overlays_trampoline_lowered:
0x8: {  	[smem:$0x3F97] =	sst s0  }
0x9: {  	[smem:$0x3F98] =	sst s1  }
0xa: {  	[smem:$0x3F99] =	sst s2  }
0xb: {  	[smem:$0x3F9A] =	sst s3  }
0xc: {  	[smem:$0x3F9B] =	sst s4  }
0xd: {  	[smem:$0x3F9C] =	sst s5  }
0xe: {  	[smem:$0x3F9D] =	sst s6  }
0xf: {  	[smem:$0x3F9E] =	sst s7  }
0x10: {  	[smem:$0x3F9F] =	sst s8  }
0x11: {  	[smem:$0x3FA0] =	sst s9;
	s0 =	simm.s32 @!p0 $0x0  }
0x12: {  	s1 =	sld [smem:$0x3F86];
	s0 =	simm.s32 @p0 $0x1  }
0x13: {  	[smem:$0x3FA1] =	sst s0;
	s0 =	simm.s32 @!p1 $0x0  }
0x14: {  	s2 =	sld [smem:$0x3F85];
	s0 =	simm.s32 @p1 $0x1  }
0x15: {  	[smem:$0x3FA2] =	sst s0;
	s0 =	simm.s32 @!p2 $0x0  }
0x16: {  	s3 =	sld [smem:$0x3FDB];
	s0 =	simm.s32 @p2 $0x1  }
0x17: {  	s4 =	simm.s32 $0x1BF5;
	[smem:$0x3FA4] =	sst s0  }
0x18: {  	s0 =	sld [smem:$0x3F87];
	_ =	swait.ge [sflag:s4], $0x0  }
0x19: {  	s7 =	sld [smem:$0x3F88]  }
0x1a: {  	s8 =	sadd.s32 $0xFFFFE003, lr  }
0x1b: {  	s9 =	sadd.s32 $0xFFFFFEF7, lr;
	s5 =	simm.s32 $0xFFFFFFFF;
	p2 =	slt.u32 s8, $0xFFFFF086  }
0x1c: {  	p1 =	slt.u32 s9, $0xF7A;
	s5 =	simm.s32 @!p2 $0x0  }
0x1d: {  	s5 =	simm.s32 @p1 $0x1;
	p0 =	seq.s32 s7, s2  }
0x1e: {  	s7 =	smul.u32 @!p0 $0xF7A, s2;
	p2 =	seq.s32 @!p0 s5, $0x0  }
0x1f: {  	s9 =	smul.u32 $0xF7A, s1;
	s8 =	simm.s32 @!p0 $0x1BF5;
	p2 =	por !p2, p0  }
0x20: {  	[sflag:s8] =	ssyncset.s32 @!p0 $0xFFFFF086;
	s6 =	sadd.s32 @!p0 s3, s7;
	s7 =	simm.s32 @!p0 $0x108  }
0x21: {  	s3 =	sadd.s32 s3, s9;
	s6 =	sadd.s32 @!p0 $0x88, s6;
	s7 =	simm.s32 @p2 $0x1082  }
0x22: {  	[simem:s7], [sflag:s8] =	dma.local @!p0 [hbm:s6], $0xF7A  }
0x23: {  	s9 =	sor.u32 $0xD0000000, s2;
	s6 =	simm.s32 $0x108;
	_ =	swait.ge @!p0 [sflag:s8], $0x0  }
0x24: {  	s3 =	sadd.s32 $0x88, s3;
	s6 =	simm.s32 @!p1 $0x1082;
	[sflag:s4] =	ssyncset.s32 $0xFFFFF086  }
0x25: {  	[simem:s6], [sflag:s4] =	dma.local [hbm:s3], $0xF7A  }
0x26: {  	[smem:$0x3F88] =	sst s1;
	(tag) =	ssettag s2;
	_ =	strace s9  }
0x27: {  	s1 =	sld [smem:$0x3F98]  }
0x28: {  	s2 =	sld [smem:$0x3F99]  }
0x29: {  	s4 =	sld [smem:$0x3F9B]  }
0x2a: {  	p0 =	seq.s32 s5, $0x0;
	s5 =	sld [smem:$0x3F9C]  }
0x2b: {  	s6 =	sld [smem:$0x3F9D]  }
0x2c: {  	s7 =	sld [smem:$0x3F9E]  }
0x2d: {  	s3 =	simm.s32 $0x108;
	s8 =	sld [smem:$0x3F9F]  }
0x2e: {  	s3 =	simm.s32 @!p0 $0x1082;
	s9 =	sld [smem:$0x3FA0]  }
0x2f: {  	lr =	sadd.s32 s0, s3;
	s0 =	sld [smem:$0x3F97]  }
0x30: {  	s3 =	sld [smem:$0x3F9A]  }
0x31: {  	[smem:$0x3FA3] =	sst s10  }
0x32: {  	s10 =	sld [smem:$0x3FA1];
	_ =	sdelay $0x3  }
0x33: {  	p0 =	seq.s32 s10, $0x1;
	s10 =	sld [smem:$0x3FA3];
	_ =	sdelay $0x3  }
0x34: {  	[smem:$0x3FA3] =	sst s10  }
0x35: {  	s10 =	sld [smem:$0x3FA2];
	_ =	sdelay $0x3  }
0x36: {  	p1 =	seq.s32 s10, $0x1;
	s10 =	sld [smem:$0x3FA3];
	_ =	sdelay $0x3  }
0x37: {  	[smem:$0x3FA3] =	sst s10  }
0x38: {  	s10 =	sld [smem:$0x3FA4]  }
0x39: {  	_ = 	snop;
	(pc) =	sbr.ind lr, $3  }
0x3a: {  	_ = 	snop  }
0x3b: {  	_ = 	snop  }
0x3c: {  	p2 =	seq.s32 s10, $0x1;
	s10 =	sld [smem:$0x3FA3]  }
0x3d: {  	_ =	shalt  }
0x3e: {  	_ =	shalt  }
0x3f: {  	_ =	shalt  }
0x40: {  	_ =	shalt  }
0x41: {  	_ =	shalt  }
0x42: {  	_ =	shalt  }
0x43: {  	_ =	shalt  }
0x44: {  	_ =	shalt  }
0x45: {  	_ =	shalt  }
0x46: {  	_ =	shalt  }
0x47: {  	_ =	shalt  }
0x48: {  	_ =	shalt  }
0x49: {  	_ =	shalt  }
0x4a: {  	_ =	shalt  }
0x4b: {  	_ =	shalt  }
0x4c: {  	_ =	shalt  }
0x4d: {  	_ =	shalt  }
0x4e: {  	_ =	shalt  }
0x4f: {  	_ =	shalt  }
0x50: {  	_ =	shalt  }
0x51: {  	_ =	shalt  }
0x52: {  	_ =	shalt  }
0x53: {  	_ =	shalt  }
0x54: {  	_ =	shalt  }
0x55: {  	_ =	shalt  }
0x56: {  	_ =	shalt  }
0x57: {  	_ =	shalt  }
0x58: {  	_ =	shalt  }
0x59: {  	_ =	shalt  }
0x5a: {  	_ =	shalt  }
0x5b: {  	_ =	shalt  }
0x5c: {  	_ =	shalt  }
0x5d: {  	_ =	shalt  }
0x5e: {  	_ =	shalt  }
0x5f: {  	_ =	shalt  }
0x60: {  	_ =	shalt  }
0x61: {  	_ =	shalt  }
0x62: {  	_ =	shalt  }
0x63: {  	_ =	shalt  }
0x64: {  	_ =	shalt  }
0x65: {  	_ =	shalt  }
0x66: {  	_ =	shalt  }
0x67: {  	_ =	shalt  }
0x68: {  	_ =	shalt  }
0x69: {  	_ =	shalt  }
0x6a: {  	_ =	shalt  }
0x6b: {  	_ =	shalt  }
0x6c: {  	_ =	shalt  }
0x6d: {  	_ =	shalt  }
0x6e: {  	_ =	shalt  }
0x6f: {  	_ =	shalt  }
0x70: {  	_ =	shalt  }
0x71: {  	_ =	shalt  }
0x72: {  	_ =	shalt  }
0x73: {  	_ =	shalt  }
0x74: {  	_ =	shalt  }
0x75: {  	_ =	shalt  }
0x76: {  	_ =	shalt  }
0x77: {  	_ =	shalt  }
0x78: {  	_ =	shalt  }
0x79: {  	_ =	shalt  }
0x7a: {  	_ =	shalt  }
0x7b: {  	_ =	shalt  }
0x7c: {  	_ =	shalt  }
0x7d: {  	_ =	shalt  }
0x7e: {  	_ =	shalt  }
0x7f: {  	_ =	shalt  }
0x80: {  	_ =	shalt  }
0x81: {  	_ =	shalt  }
0x82: {  	_ =	shalt  }
0x83: {  	_ =	shalt  }
0x84: {  	_ =	shalt  }
0x85: {  	_ =	shalt  }
0x86: {  	_ =	shalt  }
0x87: {  	_ =	shalt  }
.Lfunc_end0:
.L_simem_size_0:
called_computation_lowered:
.L_overlay_start_0:
0x88: {  	s2 =	sld [smem:$0x3FD9]  }
0x89: {  	s3 =	sld [smem:$0x3FFE];
	_ =	sdelay $0x1  }
0x8a: {  	s1 =	srdreg.scid  }
0x8b: {  	s0 =	sand.u32 $0x1, s1  }
0x8c: {  	s16 =	sshll.u32 s0, $0xA;
	s2 =	sadd.s32 s3, s2  }
0x8d: {  	s2 =	sadd.s32 s2, s16  }
0x8e: {  	[smem:$0x3FAF] =	sst s2  }
0x8f: {  	_ = 	snop  }
0x90: {  	(tm) =	ssettm $0x1  }
0x91: {  	s17 =	sld [smem:$0x3FFB];
	_ =	sdelay $0x3  }
0x92: {  	_ =	strace s17  }
0x93: {  	s2 =	sld [smem:$0x3FFC];
	_ =	sdelay $0x3  }
0x94: {  	_ =	strace s2  }
0x95: {  	s2 =	sld [smem:$0x3FFD];
	_ =	sdelay $0x3  }
0x96: {  	_ =	strace s2  }
0x97: {  	_ =	strace $0x8FFFFFFF  }
0x98: {  	s18 =	sld [smem:$0x3FDB];
	_ =	sdelay $0x1  }
0x99: {  	s19 =	simm.s32 $_scs_section_size  }
0x9a: {  	s4 =	simm.s32 $_size__tile_overlayer_lowered;
	s5 =	simm.s32 $_tile_overlayer_lowered  }
0x9b: {  	s22 =	simm.s32 $0x1BFF;
	s21 =	sshll.u32 s5, $0x1;
	s2 =	sadd.s32 s19, s18  }
0x9c: {  	s6 =	simm.s32 $0x0;
	s20 =	sshll.u32 s4, $0x1;
	s4 =	sadd.s32 s21, s2  }
0x9d: {  	[timem:s6], [sflag:s22] =	dma.local [hbm:s4], s20  }
0x9e: {  	_ =	swait.ge [sflag:s22], s20  }
0x9f: {  	s3 =	ssub.s32 $0x0, s20;
	[sflag:s22] =	ssyncset.done $0x0  }
0xa0: {  	[sflag:s22] =	ssyncadd.s32 s3;
	_ =	sdelay $0x1  }
0xa1: {  	s23 =	simm.s32 $0x1B8B  }
0xa2: {  	_ =	swait.ge [sflag:s23], $0x1  }
0xa3: {  	[sflag:s23] =	ssyncset.done $0x0  }
0xa4: {  	s25 =	simm.s32 $0x1B8E;
	s24 =	sld [smem:$0x3FFE];
	[sflag:s23] =	ssyncadd.s32 $0xFFFFFFFF  }
0xa5: {  	s26 =	simm.s32 $execute0_lowered;
	[smem:$0x3FD2] =	sst s25  }
0xa6: {  	s4 =	sshll.u32 s26, $0x1;
	_ =	strace $0x80000046;
	[dreg:$0x1] =	wrdreg $0xFFFFFFFF  }
0xa7: {  	s28 =	simm.s32 $_size_execute0_lowered;
	s2 =	sadd.s32 s2, s4;
	[dreg:$0x0] =	wrdreg $0x0  }
0xa8: {  	s4 =	sshll.u32 s28, $0x1;
	[dreg:$0x2] =	wrdreg s2  }
0xa9: {  	[dreg:$0x3] =	wrdreg s4  }
0xaa: {  	[dreg:$0x4] =	wrdreg $0xC0  }
0xab: {  	_ =	task [dreg:s6], $0x5FFFF  }
0xac: {  	[dreg:$0x1] =	wrdreg $0xFFFFFFFF  }
0xad: {  	[dreg:$0x0] =	wrdreg $0x60  }
0xae: {  	[dreg:$0x2] =	wrdreg s24  }
0xaf: {  	[dreg:$0x3] =	wrdreg $0x68000  }
0xb0: {  	[dreg:$0x4] =	wrdreg $0x9  }
0xb1: {  	_ =	task.clear_ibuf [dreg:s6], $0x5FFFF;
	_ =	strace $0x90000046  }
0xb2: {  	s29 =	simm.s32 $0x9;
	_ =	strace $0x80000048  }
0xb3: {  	_ =	swait.ge [sflag:s29], $0x1  }
0xb4: {  	[sflag:s29] =	ssyncadd.s32 $0xFFFFFFFF  }
0xb5: {  	_ =	strace $0x90000048  }
0xb6: {  	_ =	sfence  }
0xb7: {  	s30 =	sld [smem:$0x0];
	_ =	sdelay $0x2  }
0xb8: {  	s31 =	sshll.u32 s1, $0xD;
	s1 =	sshrl.u32 s1, $0x2  }
0xb9: {  	s3 =	sand.u32 $0x4000, s31;
	s1 =	sadd.s32 s1, s30  }
0xba: {  	s0 =	sor.u32 s3, s0;
	s1 =	sshll.u32 s1, $0x11  }
0xbb: {  	s0 =	sor.u32 s1, s0  }
0xbc: {  	s0 =	sadd.s32 $0x8F2B, s0  }
0xbd: {  	[sflag:s0] =	ssyncadd.remote.s32 $0x1  }
0xbe: {  	_ =	sfence.sel $0xFFFF  }
0xbf: {  	[dreg:$0x0] =	wrdreg $0xFFFFFFFF;
	(pc) =	sbr.abs _section_cstart, $3  }
0xc0: {  	[dreg:$0x1] =	wrdreg $0xFFFFFFFF  }
0xc1: {  	_ =	task.clear_ibuf [dreg:s6], $0x2FFFF;
	_ =	strace $0x9FFFFFFF  }
0xc2: {  	(tm) =	ssettm $0x7FFFFFFF  }
0xc3: {  	_ =	shalt  }
tec
execute0_lowered:
.L_overlay_start_1:
0x0: {  	(tag) =	ssettag $0x1  }
0x1: {  	s5 =	rddreg [dreg:$0x0]  }
0x2: {  	s0 =	srdreg.scid;
	s2 =	rddreg [dreg:$0x1]  }
0x3: {  	s3 =	simm.s32 $0x0;
	s4 =	sand.u32 $0x1, s0;
	s0 =	stileid.u32  }
0x4: {  	s13 =	simm.s32 $0x80;
	s14 =	simm.s32 $0x0;
	s7 =	smul.u32 $0x2780, s0  }
0x5: {  	[smem:$0x7FF] =	sst s3;
	s1 =	sshll.u32 s4, $0x4;
	s28 =	smul.u32 $0x27800, s4  }
0x6: {  	s10 =	ssub.s32 $0x2, s4;
	s11 =	smul.u32 $0x4F000, s0;
	s4 =	sadd.s32 $0x41E00, s5  }
0x7: {  	s31 =	sshll.u32 s0, $0x6;
	s6 =	sor.u32 s0, s1;
	s1 =	rddreg [dreg:$0x2]  }
0x8: {  	_ =	strace $0x80000047;
	s29 =	sshrl.u32 s10, $0x1;
	s6 =	smul.u32 $0x500, s6  }
0x9: {  	s9 =	sadd.s32 s7, s5;
	s10 =	ssub.s32 s10, s29;
	s30 =	sshrl.u32 s11, $0x2  }
0xa: {  	s11 =	sadd.s32 s30, s2;
	s8 =	sadd.s32 s6, s5;
	s6 =	sadd.s32 s7, s28  }
0xb: {  	s12 =	sadd.s32 s6, s5;
	s5 =	sadd.s32 $0x1A600, s9;
	s6 =	sor.u32 $0x1C01, s31  }
0xc: {  	s7 =	sadd.s32 $0x10600, s8;
	s9 =	smax.u32 s10, $0x1;
	s10 =	sshrl.u32 s11, $0x3  }
0xd: {  	s11 =	simm.s32 $0x1;
	s8 =	sadd.s32 $0x42600, s12;
	s12 =	simm.s32 $0x2800  }
.LBB2_1:
0xe: {  	[spmem:s10], [sflag:s6] =	dma.local [hbm:s5], $0x2780  }
0xf: {  	_ =	swait.ge [sflag:s11], $0x2780  }
0x10: {  	[sflag:s11] =	ssyncset.done $0x0  }
0x11: {  	[sflag:s11] =	ssyncadd.s32 $0xFFFFD880  }
0x12: {  	[tilespmem:s12], [sflag:$0x1] =	stream.linear.gather [hbm4b:s4+s3], $0x4000, $0x38;
	[tilespmem:$0x1A400] =	vst v63  }
0x13: {  	_ =	swait.ge [sflag:s11], $0x4000  }
0x14: {  	[sflag:s11] =	ssyncset.done $0x0  }
0x15: {  	[sflag:s11] =	ssyncadd.s32 $0xFFFFC000  }
0x16: {  	[tilespmem:s3], [sflag:$0x1] =	stream.linear.gather [hbm4b:s7+s3], $0x2800, $0x38;
	[tilespmem:$0x1A400] =	vst v63  }
0x17: {  	_ =	swait.ge [sflag:s11], $0x2800  }
0x18: {  	[sflag:s11] =	ssyncset.done $0x0  }
0x19: {  	[sflag:s11] =	ssyncadd.s32 $0xFFFFD800  }
0x1a: {  	s15 =	simm.s32 $0x0;
	[bflag:$0x0] =	sbarrier.arrive $0xFFFF  }
0x1b: {  	[spmem:s2] =	stream.indirect.scatter.add.f32 [tilespmem:s12], [sflag:$0x1], $0x80, s15, s13, $0xb8;
	[tilespmem:$0x1A400] =	vst v63  }
0x1c: {  	_ =	swait.ge [sflag:s11], $0x4000  }
0x1d: {  	s15 =	simm.s32 $0x200;
	[sflag:s11] =	ssyncset.done $0x0  }
.LBB2_2:
0x1e: {  	s16 =	sshra.s32 s15, $0x2;
	[sflag:s11] =	ssyncadd.s32 $0xFFFFC000;
	p0 =	sne.s32 s15, $0x9E00  }
0x1f: {  	[spmem:s2] =	stream.indirect.scatter.add.f32 [tilespmem:s12], [sflag:$0x1], $0x80, s16, s13, $0xb8;
	[tilespmem:$0x1A400] =	vst v63  }
.Ltmp0:
0x20: {  	_ = 	snop;
	(pc) =	sbr.rel @p0 .LBB2_2-.Ltmp0, $4  }
0x21: {  	_ = 	snop  }
0x22: {  	s15 =	sadd.s32 $0x200, s15  }
0x23: {  	_ =	swait.ge [sflag:s11], $0x4000  }
0x24: {  	[sflag:s11] =	ssyncset.done $0x0  }
0x25: {  	s14 =	sadd.s32 $0x1, s14  }
0x26: {  	[sflag:s11] =	ssyncadd.s32 $0xFFFFC000;
	p0 =	sne.s32 s14, s9  }
.Ltmp1:
0x27: {  	[bflag:$0x0] =	sbarrier.arrive $0xFFFF;
	(pc) =	sbr.rel @p0 .LBB2_1-.Ltmp1, $4  }
0x28: {  	[hbm:s8], [sflag:s6] =	dma.local [spmem:s10], $0x2780  }
0x29: {  	_ =	swait.ge [sflag:s11], $0x2780  }
0x2a: {  	[sflag:s11] =	ssyncset.done $0x0  }
0x2b: {  	[sflag:s11] =	ssyncadd.s32 $0xFFFFD880  }
0x2c: {  	_ =	sfence.sel $0x180000  }
0x2d: {  	[bflag:$0x0] =	sbarrier.arrive $0xFFFF  }
0x2e: {  	p0 =	sne.s32 s0, $0x0;
	_ =	strace $0x90000047  }
0x2f: {  	s0 =	sadd.s32 @!p0 $0x100000, s1;
	[bflag:$0x2] =	sbarrier.arrive $0xFFFF  }
0x30: {  	[sflag:s0] =	ssyncadd.tile.s32 @!p0 $0x1;
	_ =	shalt  }
.Lfunc_end2:
_tile_overlayer_lowered:
.L_overlay_start_2:
0x31: {  	(tag) =	ssettag $0x2  }
0x32: {  	s0 =	rddreg [dreg:$0x0];
	s2 =	stileid.u32  }
0x33: {  	s1 =	rddreg [dreg:$0x1];
	p0 =	sne.s32 s2, $0x0  }
0x34: {  	s3 =	rddreg [dreg:$0x2];
	[bflag:$0x3] =	sbarrier.arrive $0xFFFF;
	s2 =	simm.s32 @!p0 $0x1C01  }
0x35: {  	[timem:s3], [sflag:s2] =	dma.local @!p0 [hbm:s0], s1  }
0x36: {  	s0 =	simm.s32 @!p0 $0x1  }
0x37: {  	_ =	swait.ge @!p0 [sflag:s0], s1  }
0x38: {  	s1 =	ssub.s32 @!p0 $0x0, s1;
	[sflag:s0] =	ssyncset.done @!p0 $0x0  }
0x39: {  	[sflag:s0] =	ssyncadd.s32 @!p0 s1  }
0x3a: {  	[bflag:$0x3] =	sbarrier.arrive $0xFFFF  }
0x3b: {  	_ =	shalt  }

// kernel: kernel.14.cloned.1.call-start
scs
__scs_entry_jumppad:
0x0: {  	(pc) =	sbr.rel $0x88, $3  }
0x1: {  	(tag) =	ssettag $0x0;
	lr =	simm.s32 $0x1  }
0x2: {  	[smem:$0x3F88] =	sst lr;
	_ =	strace $0xD0000000  }
0x3: {  	_ = 	snop  }
0x4: {  	_ = 	snop  }
0x5: {  	_ = 	snop  }
0x6: {  	_ = 	snop  }
0x7: {  	_ = 	snop  }
__scs_overlays_trampoline_lowered:
0x8: {  	[smem:$0x3F97] =	sst s0  }
0x9: {  	[smem:$0x3F98] =	sst s1  }
0xa: {  	[smem:$0x3F99] =	sst s2  }
0xb: {  	[smem:$0x3F9A] =	sst s3  }
0xc: {  	[smem:$0x3F9B] =	sst s4  }
0xd: {  	[smem:$0x3F9C] =	sst s5  }
0xe: {  	[smem:$0x3F9D] =	sst s6  }
0xf: {  	[smem:$0x3F9E] =	sst s7  }
0x10: {  	[smem:$0x3F9F] =	sst s8  }
0x11: {  	[smem:$0x3FA0] =	sst s9;
	s0 =	simm.s32 @!p0 $0x0  }
0x12: {  	s1 =	sld [smem:$0x3F86];
	s0 =	simm.s32 @p0 $0x1  }
0x13: {  	[smem:$0x3FA1] =	sst s0;
	s0 =	simm.s32 @!p1 $0x0  }
0x14: {  	s2 =	sld [smem:$0x3F85];
	s0 =	simm.s32 @p1 $0x1  }
0x15: {  	[smem:$0x3FA2] =	sst s0;
	s0 =	simm.s32 @!p2 $0x0  }
0x16: {  	s3 =	sld [smem:$0x3FDB];
	s0 =	simm.s32 @p2 $0x1  }
0x17: {  	s4 =	simm.s32 $0x1BF5;
	[smem:$0x3FA4] =	sst s0  }
0x18: {  	s0 =	sld [smem:$0x3F87];
	_ =	swait.ge [sflag:s4], $0x0  }
0x19: {  	s7 =	sld [smem:$0x3F88]  }
0x1a: {  	s8 =	sadd.s32 $0xFFFFE003, lr  }
0x1b: {  	s9 =	sadd.s32 $0xFFFFFEF7, lr;
	s5 =	simm.s32 $0xFFFFFFFF;
	p2 =	slt.u32 s8, $0xFFFFF086  }
0x1c: {  	p1 =	slt.u32 s9, $0xF7A;
	s5 =	simm.s32 @!p2 $0x0  }
0x1d: {  	s5 =	simm.s32 @p1 $0x1;
	p0 =	seq.s32 s7, s2  }
0x1e: {  	s7 =	smul.u32 @!p0 $0xF7A, s2;
	p2 =	seq.s32 @!p0 s5, $0x0  }
0x1f: {  	s9 =	smul.u32 $0xF7A, s1;
	s8 =	simm.s32 @!p0 $0x1BF5;
	p2 =	por !p2, p0  }
0x20: {  	[sflag:s8] =	ssyncset.s32 @!p0 $0xFFFFF086;
	s6 =	sadd.s32 @!p0 s3, s7;
	s7 =	simm.s32 @!p0 $0x108  }
0x21: {  	s3 =	sadd.s32 s3, s9;
	s6 =	sadd.s32 @!p0 $0x88, s6;
	s7 =	simm.s32 @p2 $0x1082  }
0x22: {  	[simem:s7], [sflag:s8] =	dma.local @!p0 [hbm:s6], $0xF7A  }
0x23: {  	s9 =	sor.u32 $0xD0000000, s2;
	s6 =	simm.s32 $0x108;
	_ =	swait.ge @!p0 [sflag:s8], $0x0  }
0x24: {  	s3 =	sadd.s32 $0x88, s3;
	s6 =	simm.s32 @!p1 $0x1082;
	[sflag:s4] =	ssyncset.s32 $0xFFFFF086  }
0x25: {  	[simem:s6], [sflag:s4] =	dma.local [hbm:s3], $0xF7A  }
0x26: {  	[smem:$0x3F88] =	sst s1;
	(tag) =	ssettag s2;
	_ =	strace s9  }
0x27: {  	s1 =	sld [smem:$0x3F98]  }
0x28: {  	s2 =	sld [smem:$0x3F99]  }
0x29: {  	s4 =	sld [smem:$0x3F9B]  }
0x2a: {  	p0 =	seq.s32 s5, $0x0;
	s5 =	sld [smem:$0x3F9C]  }
0x2b: {  	s6 =	sld [smem:$0x3F9D]  }
0x2c: {  	s7 =	sld [smem:$0x3F9E]  }
0x2d: {  	s3 =	simm.s32 $0x108;
	s8 =	sld [smem:$0x3F9F]  }
0x2e: {  	s3 =	simm.s32 @!p0 $0x1082;
	s9 =	sld [smem:$0x3FA0]  }
0x2f: {  	lr =	sadd.s32 s0, s3;
	s0 =	sld [smem:$0x3F97]  }
0x30: {  	s3 =	sld [smem:$0x3F9A]  }
0x31: {  	[smem:$0x3FA3] =	sst s10  }
0x32: {  	s10 =	sld [smem:$0x3FA1];
	_ =	sdelay $0x3  }
0x33: {  	p0 =	seq.s32 s10, $0x1;
	s10 =	sld [smem:$0x3FA3];
	_ =	sdelay $0x3  }
0x34: {  	[smem:$0x3FA3] =	sst s10  }
0x35: {  	s10 =	sld [smem:$0x3FA2];
	_ =	sdelay $0x3  }
0x36: {  	p1 =	seq.s32 s10, $0x1;
	s10 =	sld [smem:$0x3FA3];
	_ =	sdelay $0x3  }
0x37: {  	[smem:$0x3FA3] =	sst s10  }
0x38: {  	s10 =	sld [smem:$0x3FA4]  }
0x39: {  	_ = 	snop;
	(pc) =	sbr.ind lr, $3  }
0x3a: {  	_ = 	snop  }
0x3b: {  	_ = 	snop  }
0x3c: {  	p2 =	seq.s32 s10, $0x1;
	s10 =	sld [smem:$0x3FA3]  }
0x3d: {  	_ =	shalt  }
0x3e: {  	_ =	shalt  }
0x3f: {  	_ =	shalt  }
0x40: {  	_ =	shalt  }
0x41: {  	_ =	shalt  }
0x42: {  	_ =	shalt  }
0x43: {  	_ =	shalt  }
0x44: {  	_ =	shalt  }
0x45: {  	_ =	shalt  }
0x46: {  	_ =	shalt  }
0x47: {  	_ =	shalt  }
0x48: {  	_ =	shalt  }
0x49: {  	_ =	shalt  }
0x4a: {  	_ =	shalt  }
0x4b: {  	_ =	shalt  }
0x4c: {  	_ =	shalt  }
0x4d: {  	_ =	shalt  }
0x4e: {  	_ =	shalt  }
0x4f: {  	_ =	shalt  }
0x50: {  	_ =	shalt  }
0x51: {  	_ =	shalt  }
0x52: {  	_ =	shalt  }
0x53: {  	_ =	shalt  }
0x54: {  	_ =	shalt  }
0x55: {  	_ =	shalt  }
0x56: {  	_ =	shalt  }
0x57: {  	_ =	shalt  }
0x58: {  	_ =	shalt  }
0x59: {  	_ =	shalt  }
0x5a: {  	_ =	shalt  }
0x5b: {  	_ =	shalt  }
0x5c: {  	_ =	shalt  }
0x5d: {  	_ =	shalt  }
0x5e: {  	_ =	shalt  }
0x5f: {  	_ =	shalt  }
0x60: {  	_ =	shalt  }
0x61: {  	_ =	shalt  }
0x62: {  	_ =	shalt  }
0x63: {  	_ =	shalt  }
0x64: {  	_ =	shalt  }
0x65: {  	_ =	shalt  }
0x66: {  	_ =	shalt  }
0x67: {  	_ =	shalt  }
0x68: {  	_ =	shalt  }
0x69: {  	_ =	shalt  }
0x6a: {  	_ =	shalt  }
0x6b: {  	_ =	shalt  }
0x6c: {  	_ =	shalt  }
0x6d: {  	_ =	shalt  }
0x6e: {  	_ =	shalt  }
0x6f: {  	_ =	shalt  }
0x70: {  	_ =	shalt  }
0x71: {  	_ =	shalt  }
0x72: {  	_ =	shalt  }
0x73: {  	_ =	shalt  }
0x74: {  	_ =	shalt  }
0x75: {  	_ =	shalt  }
0x76: {  	_ =	shalt  }
0x77: {  	_ =	shalt  }
0x78: {  	_ =	shalt  }
0x79: {  	_ =	shalt  }
0x7a: {  	_ =	shalt  }
0x7b: {  	_ =	shalt  }
0x7c: {  	_ =	shalt  }
0x7d: {  	_ =	shalt  }
0x7e: {  	_ =	shalt  }
0x7f: {  	_ =	shalt  }
0x80: {  	_ =	shalt  }
0x81: {  	_ =	shalt  }
0x82: {  	_ =	shalt  }
0x83: {  	_ =	shalt  }
0x84: {  	_ =	shalt  }
0x85: {  	_ =	shalt  }
0x86: {  	_ =	shalt  }
0x87: {  	_ =	shalt  }
.Lfunc_end0:
.L_simem_size_0:
called_computation.1_lowered:
.L_overlay_start_0:
0x88: {  	s2 =	sld [smem:$0x3FD9]  }
0x89: {  	s3 =	sld [smem:$0x3FFE];
	_ =	sdelay $0x1  }
0x8a: {  	s1 =	srdreg.scid  }
0x8b: {  	s0 =	sand.u32 $0x1, s1  }
0x8c: {  	s16 =	sshll.u32 s0, $0xA;
	s2 =	sadd.s32 s3, s2  }
0x8d: {  	s2 =	sadd.s32 s2, s16  }
0x8e: {  	[smem:$0x3FAF] =	sst s2  }
0x8f: {  	_ = 	snop  }
0x90: {  	(tm) =	ssettm $0x1  }
0x91: {  	s17 =	sld [smem:$0x3FFB];
	_ =	sdelay $0x3  }
0x92: {  	_ =	strace s17  }
0x93: {  	s2 =	sld [smem:$0x3FFC];
	_ =	sdelay $0x3  }
0x94: {  	_ =	strace s2  }
0x95: {  	s2 =	sld [smem:$0x3FFD];
	_ =	sdelay $0x3  }
0x96: {  	_ =	strace s2  }
0x97: {  	_ =	strace $0x8FFFFFFF  }
0x98: {  	s18 =	sld [smem:$0x3FDB];
	_ =	sdelay $0x1  }
0x99: {  	s19 =	simm.s32 $_scs_section_size  }
0x9a: {  	s4 =	simm.s32 $_size__tile_overlayer_lowered;
	s5 =	simm.s32 $_tile_overlayer_lowered  }
0x9b: {  	s22 =	simm.s32 $0x1BFF;
	s21 =	sshll.u32 s5, $0x1;
	s2 =	sadd.s32 s19, s18  }
0x9c: {  	s6 =	simm.s32 $0x0;
	s20 =	sshll.u32 s4, $0x1;
	s4 =	sadd.s32 s21, s2  }
0x9d: {  	[timem:s6], [sflag:s22] =	dma.local [hbm:s4], s20  }
0x9e: {  	_ =	swait.ge [sflag:s22], s20  }
0x9f: {  	s3 =	ssub.s32 $0x0, s20;
	[sflag:s22] =	ssyncset.done $0x0  }
0xa0: {  	[sflag:s22] =	ssyncadd.s32 s3;
	_ =	sdelay $0x1  }
0xa1: {  	s23 =	simm.s32 $0x1B8B  }
0xa2: {  	_ =	swait.ge [sflag:s23], $0x1  }
0xa3: {  	[sflag:s23] =	ssyncset.done $0x0  }
0xa4: {  	s25 =	simm.s32 $0x1B8E;
	s24 =	sld [smem:$0x3FFE];
	[sflag:s23] =	ssyncadd.s32 $0xFFFFFFFF  }
0xa5: {  	s26 =	simm.s32 $execute0_lowered;
	[smem:$0x3FD2] =	sst s25  }
0xa6: {  	s4 =	sshll.u32 s26, $0x1;
	_ =	strace $0x80000049;
	[dreg:$0x1] =	wrdreg $0xFFFFFFFF  }
0xa7: {  	s28 =	simm.s32 $_size_execute0_lowered;
	s2 =	sadd.s32 s2, s4;
	[dreg:$0x0] =	wrdreg $0x0  }
0xa8: {  	s4 =	sshll.u32 s28, $0x1;
	[dreg:$0x2] =	wrdreg s2  }
0xa9: {  	[dreg:$0x3] =	wrdreg s4  }
0xaa: {  	[dreg:$0x4] =	wrdreg $0xC0  }
0xab: {  	_ =	task [dreg:s6], $0x5FFFF  }
0xac: {  	[dreg:$0x1] =	wrdreg $0xFFFFFFFF  }
0xad: {  	[dreg:$0x0] =	wrdreg $0x60  }
0xae: {  	[dreg:$0x2] =	wrdreg s24  }
0xaf: {  	[dreg:$0x3] =	wrdreg $0xA8000  }
0xb0: {  	[dreg:$0x4] =	wrdreg $0x9  }
0xb1: {  	_ =	task.clear_ibuf [dreg:s6], $0x5FFFF;
	_ =	strace $0x90000049  }
0xb2: {  	s29 =	simm.s32 $0x9;
	_ =	strace $0x8000004B  }
0xb3: {  	_ =	swait.ge [sflag:s29], $0x1  }
0xb4: {  	[sflag:s29] =	ssyncadd.s32 $0xFFFFFFFF  }
0xb5: {  	_ =	strace $0x9000004B  }
0xb6: {  	_ =	sfence  }
0xb7: {  	s30 =	sld [smem:$0x0];
	_ =	sdelay $0x2  }
0xb8: {  	s31 =	sshll.u32 s1, $0xD;
	s1 =	sshrl.u32 s1, $0x2  }
0xb9: {  	s3 =	sand.u32 $0x4000, s31;
	s1 =	sadd.s32 s1, s30  }
0xba: {  	s0 =	sor.u32 s3, s0;
	s1 =	sshll.u32 s1, $0x11  }
0xbb: {  	s0 =	sor.u32 s1, s0  }
0xbc: {  	s0 =	sadd.s32 $0x8F2B, s0  }
0xbd: {  	[sflag:s0] =	ssyncadd.remote.s32 $0x1  }
0xbe: {  	_ =	sfence.sel $0xFFFF  }
0xbf: {  	[dreg:$0x0] =	wrdreg $0xFFFFFFFF;
	(pc) =	sbr.abs _section_cstart, $3  }
0xc0: {  	[dreg:$0x1] =	wrdreg $0xFFFFFFFF  }
0xc1: {  	_ =	task.clear_ibuf [dreg:s6], $0x2FFFF;
	_ =	strace $0x9FFFFFFF  }
0xc2: {  	(tm) =	ssettm $0x7FFFFFFF  }
0xc3: {  	_ =	shalt  }
tec
execute0_lowered:
.L_overlay_start_1:
0x0: {  	(tag) =	ssettag $0x1  }
0x1: {  	s7 =	rddreg [dreg:$0x0]  }
0x2: {  	s2 =	rddreg [dreg:$0x1]  }
0x3: {  	s0 =	rddreg [dreg:$0x2];
	s3 =	simm.s32 $0x0;
	s1 =	stileid.u32  }
0x4: {  	s4 =	srdreg.scid;
	s13 =	simm.s32 $0x78;
	s16 =	simm.s32 $0x80  }
0x5: {  	s17 =	simm.s32 $0x2800;
	s18 =	simm.s32 $0x1;
	s19 =	simm.s32 $0x6800  }
0x6: {  	s20 =	simm.s32 $0x2;
	s21 =	simm.s32 $0x1380;
	s22 =	simm.s32 $0x2700  }
0x7: {  	s23 =	simm.s32 $0x2780;
	[smem:$0x7FF] =	sst s3;
	s8 =	smul.u32 $0x2780, s1  }
0x8: {  	s9 =	sand.u32 $0x1, s4;
	s4 =	sadd.s32 $0x91600, s7;
	s5 =	sadd.s32 $0x6600, s7  }
0x9: {  	s6 =	sadd.s32 $0x10600, s7;
	s12 =	smul.u32 $0x4F000, s1;
	s29 =	sshll.u32 s1, $0x6  }
0xa: {  	_ =	strace $0x8000004A;
	s10 =	smul.u32 $0x27800, s9;
	s25 =	ssub.s32 $0x2, s9  }
0xb: {  	p0 =	seq.s32 s9, $0x0;
	s9 =	smul.u32 $0x780, s9;
	s11 =	sadd.s32 s8, s7  }
0xc: {  	s14 =	sshrl.u32 s25, $0x1;
	s13 =	simm.s32 @!p0 $0x28;
	s28 =	sshrl.u32 s12, $0x2  }
0xd: {  	s8 =	sadd.s32 s8, s10;
	s14 =	ssub.s32 s25, s14;
	s26 =	smul.u32 s1, s13  }
0xe: {  	s30 =	smul.u32 $0x67, s13;
	s31 =	sadd.s32 s28, s2;
	s15 =	sadd.s32 s8, s7  }
0xf: {  	s7 =	sadd.s32 $0x1A600, s11;
	s8 =	sor.u32 $0x1C03, s29;
	s12 =	smax.u32 s14, $0x1  }
0x10: {  	s13 =	sshrl.u32 s31, $0x3;
	s14 =	simm.s32 $0x3;
	s9 =	sadd.s32 s9, s26  }
0x11: {  	s10 =	sshrl.u32 s30, $0xC;
	s11 =	sadd.s32 $0xB8800, s15;
	s15 =	simm.s32 $0x1400  }
.LBB2_1:
0x12: {  	[spmem:s13], [sflag:s8] =	dma.local [hbm:s7], $0x2780  }
0x13: {  	_ =	swait.ge [sflag:s14], $0x2780  }
0x14: {  	[sflag:s14] =	ssyncset.done $0x0  }
0x15: {  	[sflag:s14] =	ssyncadd.s32 $0xFFFFD880  }
0x16: {  	s24 =	simm.s32 $0x0;
	[bflag:$0x0] =	sbarrier.arrive $0xFFFF  }
.LBB2_2:
0x17: {  	s25 =	smul.u32 $0x28, s24;
	_ =	sdelay $0x1  }
0x18: {  	s25 =	sadd.s32 s25, s9  }
0x19: {  	s25 =	sshll.u32 s25, $0x4  }
0x1a: {  	s28 =	simm.s32 $0x0;
	s26 =	sadd.s32 s5, s25  }
0x1b: {  	[tilespmem:s28], [sflag:$0x3] =	stream.linear.gather [hbm4b:s26+s28], $0x1400, $0x38;
	[tilespmem:$0x1E400] =	vst v63  }
0x1c: {  	_ =	swait.ge [sflag:s14], $0x1400  }
0x1d: {  	[sflag:s14] =	ssyncset.done $0x0  }
0x1e: {  	s25 =	sadd.s32 s6, s25;
	[sflag:s14] =	ssyncadd.s32 $0xFFFFEC00  }
0x1f: {  	[tilespmem:s15], [sflag:$0x3] =	stream.linear.gather [hbm4b:s25+s28], $0x1400, $0x38;
	[tilespmem:$0x1E400] =	vst v63  }
0x20: {  	_ =	swait.ge [sflag:s14], $0x1400  }
0x21: {  	[sflag:s14] =	ssyncset.done $0x0  }
0x22: {  	[sflag:s14] =	ssyncadd.s32 $0xFFFFEC00  }
0x23: {  	[tilespmem:s17], [sflag:$0x1] =	stream.indirect.gather [hbm4b:s4+s16], $0x80, s28, s16, $0xb8;
	[tilespmem:$0x1E400] =	vst v63  }
0x24: {  	_ =	swait.ge [sflag:s18], $0x4000  }
0x25: {  	[sflag:s18] =	ssyncset.done $0x0  }
0x26: {  	s28 =	simm.s32 $0x80;
	[sflag:s18] =	ssyncadd.s32 $0xFFFFC000  }
0x27: {  	[tilespmem:s19], [sflag:$0x2] =	stream.indirect.gather [hbm4b:s4+s16], $0x80, s28, s16, $0xb8;
	[tilespmem:$0x1E400] =	vst v63  }
0x28: {  	s29 =	simm.s32 $0x1400  }
0x29: {  	[spmem:s2] =	stream.indirect.scatter.add.f32 [tilespmem:s17], [sflag:$0x3], $0x80, s29, s16, $0xb8;
	[tilespmem:$0x1E400] =	vst v63  }
0x2a: {  	_ =	swait.ge [sflag:s14], $0x4000  }
0x2b: {  	[sflag:s14] =	ssyncset.done $0x0  }
0x2c: {  	[sflag:s14] =	ssyncadd.s32 $0xFFFFC000  }
0x2d: {  	_ =	swait.ge [sflag:s20], $0x4000  }
0x2e: {  	[sflag:s20] =	ssyncset.done $0x0  }
0x2f: {  	s30 =	simm.s32 $0x100;
	[sflag:s20] =	ssyncadd.s32 $0xFFFFC000  }
0x30: {  	[tilespmem:s17], [sflag:$0x1] =	stream.indirect.gather [hbm4b:s4+s16], $0x80, s30, s16, $0xb8;
	[tilespmem:$0x1E400] =	vst v63  }
0x31: {  	s31 =	simm.s32 $0x1480  }
0x32: {  	[spmem:s2] =	stream.indirect.scatter.add.f32 [tilespmem:s19], [sflag:$0x3], $0x80, s31, s16, $0xb8;
	[tilespmem:$0x1E400] =	vst v63  }
0x33: {  	_ =	swait.ge [sflag:s14], $0x4000  }
0x34: {  	s25 =	simm.s32 $0x400;
	[sflag:s14] =	ssyncset.done $0x0  }
.LBB2_3:
0x35: {  	p0 =	sne.s32 s25, $0x4800  }
0x36: {  	[sflag:s14] =	ssyncadd.s32 $0xFFFFC000;
	s26 =	smov.u32 s25;
	s25 =	sadd.s32 $0x400, s25  }
0x37: {  	_ = 	snop  }
0x38: {  	_ =	swait.ge [sflag:s18], $0x4000  }
0x39: {  	s26 =	sshra.s32 s26, $0x2;
	[sflag:s18] =	ssyncset.done $0x0  }
0x3a: {  	s28 =	sadd.s32 $0x80, s26;
	[sflag:s18] =	ssyncadd.s32 $0xFFFFC000  }
0x3b: {  	[tilespmem:s19], [sflag:$0x2] =	stream.indirect.gather [hbm4b:s4+s16], $0x80, s28, s16, $0xb8;
	[tilespmem:$0x1E400] =	vst v63  }
0x3c: {  	s28 =	sadd.s32 $0x1400, s26  }
0x3d: {  	[spmem:s2] =	stream.indirect.scatter.add.f32 [tilespmem:s17], [sflag:$0x3], $0x80, s28, s16, $0xb8;
	[tilespmem:$0x1E400] =	vst v63  }
0x3e: {  	_ =	swait.ge [sflag:s14], $0x4000  }
0x3f: {  	[sflag:s14] =	ssyncset.done $0x0  }
0x40: {  	[sflag:s14] =	ssyncadd.s32 $0xFFFFC000  }
0x41: {  	_ =	swait.ge [sflag:s20], $0x4000  }
0x42: {  	[sflag:s20] =	ssyncset.done $0x0  }
0x43: {  	s28 =	sadd.s32 $0x100, s26;
	[sflag:s20] =	ssyncadd.s32 $0xFFFFC000  }
0x44: {  	[tilespmem:s17], [sflag:$0x1] =	stream.indirect.gather [hbm4b:s4+s16], $0x80, s28, s16, $0xb8;
	[tilespmem:$0x1E400] =	vst v63  }
.Ltmp0:
0x45: {  	_ = 	snop;
	(pc) =	sbr.rel @p0 .LBB2_3-.Ltmp0, $4  }
0x46: {  	s26 =	sadd.s32 $0x1480, s26  }
0x47: {  	[spmem:s2] =	stream.indirect.scatter.add.f32 [tilespmem:s19], [sflag:$0x3], $0x80, s26, s16, $0xb8;
	[tilespmem:$0x1E400] =	vst v63  }
0x48: {  	_ =	swait.ge [sflag:s14], $0x4000  }
0x49: {  	[sflag:s14] =	ssyncset.done $0x0  }
0x4a: {  	[sflag:s14] =	ssyncadd.s32 $0xFFFFC000  }
0x4b: {  	_ =	swait.ge [sflag:s18], $0x4000  }
0x4c: {  	[sflag:s18] =	ssyncset.done $0x0  }
0x4d: {  	[sflag:s18] =	ssyncadd.s32 $0xFFFFC000  }
0x4e: {  	[tilespmem:s19], [sflag:$0x2] =	stream.indirect.gather [hbm4b:s4+s16], $0x80, s21, s16, $0xb8;
	[tilespmem:$0x1E400] =	vst v63  }
0x4f: {  	_ = 	snop  }
0x50: {  	[spmem:s2] =	stream.indirect.scatter.add.f32 [tilespmem:s17], [sflag:$0x3], $0x80, s22, s16, $0xb8;
	[tilespmem:$0x1E400] =	vst v63  }
0x51: {  	_ =	swait.ge [sflag:s14], $0x4000  }
0x52: {  	[sflag:s14] =	ssyncset.done $0x0  }
0x53: {  	[sflag:s14] =	ssyncadd.s32 $0xFFFFC000  }
0x54: {  	s24 =	sadd.s32 $0x1, s24;
	_ =	swait.ge [sflag:s20], $0x4000  }
0x55: {  	p0 =	sne.s32 s24, s10;
	[sflag:s20] =	ssyncset.done $0x0  }
.Ltmp1:
0x56: {  	[sflag:s20] =	ssyncadd.s32 $0xFFFFC000;
	(pc) =	sbr.rel @p0 .LBB2_2-.Ltmp1, $4  }
0x57: {  	[spmem:s2] =	stream.indirect.scatter.add.f32 [tilespmem:s19], [sflag:$0x3], $0x80, s23, s16, $0xb8;
	[tilespmem:$0x1E400] =	vst v63  }
0x58: {  	_ =	swait.ge [sflag:s14], $0x4000  }
0x59: {  	[sflag:s14] =	ssyncset.done $0x0  }
0x5a: {  	[sflag:s14] =	ssyncadd.s32 $0xFFFFC000  }
0x5b: {  	s3 =	sadd.s32 $0x1, s3  }
0x5c: {  	p0 =	sne.s32 s3, s12  }
.Ltmp2:
0x5d: {  	[bflag:$0x0] =	sbarrier.arrive $0xFFFF;
	(pc) =	sbr.rel @p0 .LBB2_1-.Ltmp2, $4  }
0x5e: {  	[hbm:s11], [sflag:s8] =	dma.local [spmem:s13], $0x2780  }
0x5f: {  	_ =	swait.ge [sflag:s14], $0x2780  }
0x60: {  	[sflag:s14] =	ssyncset.done $0x0  }
0x61: {  	[sflag:s14] =	ssyncadd.s32 $0xFFFFD880  }
0x62: {  	_ =	sfence.sel $0x180000  }
0x63: {  	[bflag:$0x0] =	sbarrier.arrive $0xFFFF  }
0x64: {  	p0 =	sne.s32 s1, $0x0;
	_ =	strace $0x9000004A  }
0x65: {  	s0 =	sadd.s32 @!p0 $0x100000, s0;
	[bflag:$0x2] =	sbarrier.arrive $0xFFFF  }
0x66: {  	[sflag:s0] =	ssyncadd.tile.s32 @!p0 $0x1;
	_ =	shalt  }
.Lfunc_end2:
_tile_overlayer_lowered:
.L_overlay_start_2:
0x67: {  	(tag) =	ssettag $0x2  }
0x68: {  	s0 =	rddreg [dreg:$0x0];
	s2 =	stileid.u32  }
0x69: {  	s1 =	rddreg [dreg:$0x1];
	p0 =	sne.s32 s2, $0x0  }
0x6a: {  	s3 =	rddreg [dreg:$0x2];
	[bflag:$0x3] =	sbarrier.arrive $0xFFFF;
	s2 =	simm.s32 @!p0 $0x1C03  }
0x6b: {  	[timem:s3], [sflag:s2] =	dma.local @!p0 [hbm:s0], s1  }
0x6c: {  	s0 =	simm.s32 @!p0 $0x3  }
0x6d: {  	_ =	swait.ge @!p0 [sflag:s0], s1  }
0x6e: {  	s1 =	ssub.s32 @!p0 $0x0, s1;
	[sflag:s0] =	ssyncset.done @!p0 $0x0  }
0x6f: {  	[sflag:s0] =	ssyncadd.s32 @!p0 s1  }
0x70: {  	[bflag:$0x3] =	sbarrier.arrive $0xFFFF  }
0x71: {  	_ =	shalt  }

// kernel: kernel.17.cloned.1.call-start
scs
__scs_entry_jumppad:
0x0: {  	(pc) =	sbr.rel $0x88, $3  }
0x1: {  	(tag) =	ssettag $0x0;
	lr =	simm.s32 $0x1  }
0x2: {  	[smem:$0x3F88] =	sst lr;
	_ =	strace $0xD0000000  }
0x3: {  	_ = 	snop  }
0x4: {  	_ = 	snop  }
0x5: {  	_ = 	snop  }
0x6: {  	_ = 	snop  }
0x7: {  	_ = 	snop  }
__scs_overlays_trampoline_lowered:
0x8: {  	[smem:$0x3F97] =	sst s0  }
0x9: {  	[smem:$0x3F98] =	sst s1  }
0xa: {  	[smem:$0x3F99] =	sst s2  }
0xb: {  	[smem:$0x3F9A] =	sst s3  }
0xc: {  	[smem:$0x3F9B] =	sst s4  }
0xd: {  	[smem:$0x3F9C] =	sst s5  }
0xe: {  	[smem:$0x3F9D] =	sst s6  }
0xf: {  	[smem:$0x3F9E] =	sst s7  }
0x10: {  	[smem:$0x3F9F] =	sst s8  }
0x11: {  	[smem:$0x3FA0] =	sst s9;
	s0 =	simm.s32 @!p0 $0x0  }
0x12: {  	s1 =	sld [smem:$0x3F86];
	s0 =	simm.s32 @p0 $0x1  }
0x13: {  	[smem:$0x3FA1] =	sst s0;
	s0 =	simm.s32 @!p1 $0x0  }
0x14: {  	s2 =	sld [smem:$0x3F85];
	s0 =	simm.s32 @p1 $0x1  }
0x15: {  	[smem:$0x3FA2] =	sst s0;
	s0 =	simm.s32 @!p2 $0x0  }
0x16: {  	s3 =	sld [smem:$0x3FDB];
	s0 =	simm.s32 @p2 $0x1  }
0x17: {  	s4 =	simm.s32 $0x1BF5;
	[smem:$0x3FA4] =	sst s0  }
0x18: {  	s0 =	sld [smem:$0x3F87];
	_ =	swait.ge [sflag:s4], $0x0  }
0x19: {  	s7 =	sld [smem:$0x3F88]  }
0x1a: {  	s8 =	sadd.s32 $0xFFFFE003, lr  }
0x1b: {  	s9 =	sadd.s32 $0xFFFFFEF7, lr;
	s5 =	simm.s32 $0xFFFFFFFF;
	p2 =	slt.u32 s8, $0xFFFFF086  }
0x1c: {  	p1 =	slt.u32 s9, $0xF7A;
	s5 =	simm.s32 @!p2 $0x0  }
0x1d: {  	s5 =	simm.s32 @p1 $0x1;
	p0 =	seq.s32 s7, s2  }
0x1e: {  	s7 =	smul.u32 @!p0 $0xF7A, s2;
	p2 =	seq.s32 @!p0 s5, $0x0  }
0x1f: {  	s9 =	smul.u32 $0xF7A, s1;
	s8 =	simm.s32 @!p0 $0x1BF5;
	p2 =	por !p2, p0  }
0x20: {  	[sflag:s8] =	ssyncset.s32 @!p0 $0xFFFFF086;
	s6 =	sadd.s32 @!p0 s3, s7;
	s7 =	simm.s32 @!p0 $0x108  }
0x21: {  	s3 =	sadd.s32 s3, s9;
	s6 =	sadd.s32 @!p0 $0x88, s6;
	s7 =	simm.s32 @p2 $0x1082  }
0x22: {  	[simem:s7], [sflag:s8] =	dma.local @!p0 [hbm:s6], $0xF7A  }
0x23: {  	s9 =	sor.u32 $0xD0000000, s2;
	s6 =	simm.s32 $0x108;
	_ =	swait.ge @!p0 [sflag:s8], $0x0  }
0x24: {  	s3 =	sadd.s32 $0x88, s3;
	s6 =	simm.s32 @!p1 $0x1082;
	[sflag:s4] =	ssyncset.s32 $0xFFFFF086  }
0x25: {  	[simem:s6], [sflag:s4] =	dma.local [hbm:s3], $0xF7A  }
0x26: {  	[smem:$0x3F88] =	sst s1;
	(tag) =	ssettag s2;
	_ =	strace s9  }
0x27: {  	s1 =	sld [smem:$0x3F98]  }
0x28: {  	s2 =	sld [smem:$0x3F99]  }
0x29: {  	s4 =	sld [smem:$0x3F9B]  }
0x2a: {  	p0 =	seq.s32 s5, $0x0;
	s5 =	sld [smem:$0x3F9C]  }
0x2b: {  	s6 =	sld [smem:$0x3F9D]  }
0x2c: {  	s7 =	sld [smem:$0x3F9E]  }
0x2d: {  	s3 =	simm.s32 $0x108;
	s8 =	sld [smem:$0x3F9F]  }
0x2e: {  	s3 =	simm.s32 @!p0 $0x1082;
	s9 =	sld [smem:$0x3FA0]  }
0x2f: {  	lr =	sadd.s32 s0, s3;
	s0 =	sld [smem:$0x3F97]  }
0x30: {  	s3 =	sld [smem:$0x3F9A]  }
0x31: {  	[smem:$0x3FA3] =	sst s10  }
0x32: {  	s10 =	sld [smem:$0x3FA1];
	_ =	sdelay $0x3  }
0x33: {  	p0 =	seq.s32 s10, $0x1;
	s10 =	sld [smem:$0x3FA3];
	_ =	sdelay $0x3  }
0x34: {  	[smem:$0x3FA3] =	sst s10  }
0x35: {  	s10 =	sld [smem:$0x3FA2];
	_ =	sdelay $0x3  }
0x36: {  	p1 =	seq.s32 s10, $0x1;
	s10 =	sld [smem:$0x3FA3];
	_ =	sdelay $0x3  }
0x37: {  	[smem:$0x3FA3] =	sst s10  }
0x38: {  	s10 =	sld [smem:$0x3FA4]  }
0x39: {  	_ = 	snop;
	(pc) =	sbr.ind lr, $3  }
0x3a: {  	_ = 	snop  }
0x3b: {  	_ = 	snop  }
0x3c: {  	p2 =	seq.s32 s10, $0x1;
	s10 =	sld [smem:$0x3FA3]  }
0x3d: {  	_ =	shalt  }
0x3e: {  	_ =	shalt  }
0x3f: {  	_ =	shalt  }
0x40: {  	_ =	shalt  }
0x41: {  	_ =	shalt  }
0x42: {  	_ =	shalt  }
0x43: {  	_ =	shalt  }
0x44: {  	_ =	shalt  }
0x45: {  	_ =	shalt  }
0x46: {  	_ =	shalt  }
0x47: {  	_ =	shalt  }
0x48: {  	_ =	shalt  }
0x49: {  	_ =	shalt  }
0x4a: {  	_ =	shalt  }
0x4b: {  	_ =	shalt  }
0x4c: {  	_ =	shalt  }
0x4d: {  	_ =	shalt  }
0x4e: {  	_ =	shalt  }
0x4f: {  	_ =	shalt  }
0x50: {  	_ =	shalt  }
0x51: {  	_ =	shalt  }
0x52: {  	_ =	shalt  }
0x53: {  	_ =	shalt  }
0x54: {  	_ =	shalt  }
0x55: {  	_ =	shalt  }
0x56: {  	_ =	shalt  }
0x57: {  	_ =	shalt  }
0x58: {  	_ =	shalt  }
0x59: {  	_ =	shalt  }
0x5a: {  	_ =	shalt  }
0x5b: {  	_ =	shalt  }
0x5c: {  	_ =	shalt  }
0x5d: {  	_ =	shalt  }
0x5e: {  	_ =	shalt  }
0x5f: {  	_ =	shalt  }
0x60: {  	_ =	shalt  }
0x61: {  	_ =	shalt  }
0x62: {  	_ =	shalt  }
0x63: {  	_ =	shalt  }
0x64: {  	_ =	shalt  }
0x65: {  	_ =	shalt  }
0x66: {  	_ =	shalt  }
0x67: {  	_ =	shalt  }
0x68: {  	_ =	shalt  }
0x69: {  	_ =	shalt  }
0x6a: {  	_ =	shalt  }
0x6b: {  	_ =	shalt  }
0x6c: {  	_ =	shalt  }
0x6d: {  	_ =	shalt  }
0x6e: {  	_ =	shalt  }
0x6f: {  	_ =	shalt  }
0x70: {  	_ =	shalt  }
0x71: {  	_ =	shalt  }
0x72: {  	_ =	shalt  }
0x73: {  	_ =	shalt  }
0x74: {  	_ =	shalt  }
0x75: {  	_ =	shalt  }
0x76: {  	_ =	shalt  }
0x77: {  	_ =	shalt  }
0x78: {  	_ =	shalt  }
0x79: {  	_ =	shalt  }
0x7a: {  	_ =	shalt  }
0x7b: {  	_ =	shalt  }
0x7c: {  	_ =	shalt  }
0x7d: {  	_ =	shalt  }
0x7e: {  	_ =	shalt  }
0x7f: {  	_ =	shalt  }
0x80: {  	_ =	shalt  }
0x81: {  	_ =	shalt  }
0x82: {  	_ =	shalt  }
0x83: {  	_ =	shalt  }
0x84: {  	_ =	shalt  }
0x85: {  	_ =	shalt  }
0x86: {  	_ =	shalt  }
0x87: {  	_ =	shalt  }
.Lfunc_end0:
.L_simem_size_0:
called_computation.2_lowered:
.L_overlay_start_0:
0x88: {  	s2 =	sld [smem:$0x3FD9]  }
0x89: {  	s3 =	sld [smem:$0x3FFE];
	_ =	sdelay $0x1  }
0x8a: {  	s1 =	srdreg.scid  }
0x8b: {  	s0 =	sand.u32 $0x1, s1  }
0x8c: {  	s16 =	sshll.u32 s0, $0xA;
	s2 =	sadd.s32 s3, s2  }
0x8d: {  	s2 =	sadd.s32 s2, s16  }
0x8e: {  	[smem:$0x3FAF] =	sst s2  }
0x8f: {  	_ = 	snop  }
0x90: {  	(tm) =	ssettm $0x1  }
0x91: {  	s17 =	sld [smem:$0x3FFB];
	_ =	sdelay $0x3  }
0x92: {  	_ =	strace s17  }
0x93: {  	s2 =	sld [smem:$0x3FFC];
	_ =	sdelay $0x3  }
0x94: {  	_ =	strace s2  }
0x95: {  	s2 =	sld [smem:$0x3FFD];
	_ =	sdelay $0x3  }
0x96: {  	_ =	strace s2  }
0x97: {  	_ =	strace $0x8FFFFFFF  }
0x98: {  	s18 =	sld [smem:$0x3FDB];
	_ =	sdelay $0x1  }
0x99: {  	s19 =	simm.s32 $_scs_section_size  }
0x9a: {  	s4 =	simm.s32 $_size__tile_overlayer_lowered;
	s5 =	simm.s32 $_tile_overlayer_lowered  }
0x9b: {  	s22 =	simm.s32 $0x1BFF;
	s21 =	sshll.u32 s5, $0x1;
	s2 =	sadd.s32 s19, s18  }
0x9c: {  	s6 =	simm.s32 $0x0;
	s20 =	sshll.u32 s4, $0x1;
	s4 =	sadd.s32 s21, s2  }
0x9d: {  	[timem:s6], [sflag:s22] =	dma.local [hbm:s4], s20  }
0x9e: {  	_ =	swait.ge [sflag:s22], s20  }
0x9f: {  	s3 =	ssub.s32 $0x0, s20;
	[sflag:s22] =	ssyncset.done $0x0  }
0xa0: {  	[sflag:s22] =	ssyncadd.s32 s3;
	_ =	sdelay $0x1  }
0xa1: {  	s23 =	simm.s32 $0x1B8B  }
0xa2: {  	_ =	swait.ge [sflag:s23], $0x1  }
0xa3: {  	[sflag:s23] =	ssyncset.done $0x0  }
0xa4: {  	s25 =	simm.s32 $0x1B8E;
	s24 =	sld [smem:$0x3FFE];
	[sflag:s23] =	ssyncadd.s32 $0xFFFFFFFF  }
0xa5: {  	s26 =	simm.s32 $execute0_lowered;
	[smem:$0x3FD2] =	sst s25  }
0xa6: {  	s4 =	sshll.u32 s26, $0x1;
	_ =	strace $0x8000004C;
	[dreg:$0x1] =	wrdreg $0xFFFFFFFF  }
0xa7: {  	s28 =	simm.s32 $_size_execute0_lowered;
	s2 =	sadd.s32 s2, s4;
	[dreg:$0x0] =	wrdreg $0x0  }
0xa8: {  	s4 =	sshll.u32 s28, $0x1;
	[dreg:$0x2] =	wrdreg s2  }
0xa9: {  	[dreg:$0x3] =	wrdreg s4  }
0xaa: {  	[dreg:$0x4] =	wrdreg $0xC0  }
0xab: {  	_ =	task [dreg:s6], $0x5FFFF  }
0xac: {  	[dreg:$0x1] =	wrdreg $0xFFFFFFFF  }
0xad: {  	[dreg:$0x0] =	wrdreg $0x60  }
0xae: {  	[dreg:$0x2] =	wrdreg s24  }
0xaf: {  	[dreg:$0x3] =	wrdreg $0xA8000  }
0xb0: {  	[dreg:$0x4] =	wrdreg $0x9  }
0xb1: {  	_ =	task.clear_ibuf [dreg:s6], $0x5FFFF;
	_ =	strace $0x9000004C  }
0xb2: {  	s29 =	simm.s32 $0x9;
	_ =	strace $0x8000004E  }
0xb3: {  	_ =	swait.ge [sflag:s29], $0x1  }
0xb4: {  	[sflag:s29] =	ssyncadd.s32 $0xFFFFFFFF  }
0xb5: {  	_ =	strace $0x9000004E  }
0xb6: {  	_ =	sfence  }
0xb7: {  	s30 =	sld [smem:$0x0];
	_ =	sdelay $0x2  }
0xb8: {  	s31 =	sshll.u32 s1, $0xD;
	s1 =	sshrl.u32 s1, $0x2  }
0xb9: {  	s3 =	sand.u32 $0x4000, s31;
	s1 =	sadd.s32 s1, s30  }
0xba: {  	s0 =	sor.u32 s3, s0;
	s1 =	sshll.u32 s1, $0x11  }
0xbb: {  	s0 =	sor.u32 s1, s0  }
0xbc: {  	s0 =	sadd.s32 $0x8F2B, s0  }
0xbd: {  	[sflag:s0] =	ssyncadd.remote.s32 $0x1  }
0xbe: {  	_ =	sfence.sel $0xFFFF  }
0xbf: {  	[dreg:$0x0] =	wrdreg $0xFFFFFFFF;
	(pc) =	sbr.abs _section_cstart, $3  }
0xc0: {  	[dreg:$0x1] =	wrdreg $0xFFFFFFFF  }
0xc1: {  	_ =	task.clear_ibuf [dreg:s6], $0x2FFFF;
	_ =	strace $0x9FFFFFFF  }
0xc2: {  	(tm) =	ssettm $0x7FFFFFFF  }
0xc3: {  	_ =	shalt  }
tec
execute0_lowered:
.L_overlay_start_1:
0x0: {  	(tag) =	ssettag $0x1  }
0x1: {  	s7 =	rddreg [dreg:$0x0]  }
0x2: {  	s2 =	rddreg [dreg:$0x1]  }
0x3: {  	s0 =	rddreg [dreg:$0x2];
	s3 =	simm.s32 $0x0;
	s1 =	stileid.u32  }
0x4: {  	s4 =	srdreg.scid;
	s13 =	simm.s32 $0x78;
	s16 =	simm.s32 $0x80  }
0x5: {  	s17 =	simm.s32 $0x2800;
	s18 =	simm.s32 $0x1;
	s19 =	simm.s32 $0x6800  }
0x6: {  	s20 =	simm.s32 $0x2;
	s21 =	simm.s32 $0x1380;
	s22 =	simm.s32 $0x2700  }
0x7: {  	s23 =	simm.s32 $0x2780;
	[smem:$0x7FF] =	sst s3;
	s8 =	smul.u32 $0x2780, s1  }
0x8: {  	s9 =	sand.u32 $0x1, s4;
	s4 =	sadd.s32 $0x91600, s7;
	s5 =	sadd.s32 $0x6600, s7  }
0x9: {  	s6 =	sadd.s32 $0x10600, s7;
	s12 =	smul.u32 $0x4F000, s1;
	s29 =	sshll.u32 s1, $0x6  }
0xa: {  	_ =	strace $0x8000004D;
	s10 =	smul.u32 $0x27800, s9;
	s25 =	ssub.s32 $0x2, s9  }
0xb: {  	p0 =	seq.s32 s9, $0x0;
	s9 =	smul.u32 $0x780, s9;
	s11 =	sadd.s32 s8, s7  }
0xc: {  	s14 =	sshrl.u32 s25, $0x1;
	s13 =	simm.s32 @!p0 $0x28;
	s28 =	sshrl.u32 s12, $0x2  }
0xd: {  	s8 =	sadd.s32 s8, s10;
	s14 =	ssub.s32 s25, s14;
	s26 =	smul.u32 s1, s13  }
0xe: {  	s30 =	smul.u32 $0x67, s13;
	s31 =	sadd.s32 s28, s2;
	s15 =	sadd.s32 s8, s7  }
0xf: {  	s7 =	sadd.s32 $0x1A600, s11;
	s8 =	sor.u32 $0x1C03, s29;
	s12 =	smax.u32 s14, $0x1  }
0x10: {  	s13 =	sshrl.u32 s31, $0x3;
	s14 =	simm.s32 $0x3;
	s9 =	sadd.s32 s9, s26  }
0x11: {  	s10 =	sshrl.u32 s30, $0xC;
	s11 =	sadd.s32 $0xB8800, s15;
	s15 =	simm.s32 $0x1400  }
.LBB2_1:
0x12: {  	[spmem:s13], [sflag:s8] =	dma.local [hbm:s7], $0x2780  }
0x13: {  	_ =	swait.ge [sflag:s14], $0x2780  }
0x14: {  	[sflag:s14] =	ssyncset.done $0x0  }
0x15: {  	[sflag:s14] =	ssyncadd.s32 $0xFFFFD880  }
0x16: {  	s24 =	simm.s32 $0x0;
	[bflag:$0x0] =	sbarrier.arrive $0xFFFF  }
.LBB2_2:
0x17: {  	s25 =	smul.u32 $0x28, s24;
	_ =	sdelay $0x1  }
0x18: {  	s25 =	sadd.s32 s25, s9  }
0x19: {  	s25 =	sshll.u32 s25, $0x4  }
0x1a: {  	s28 =	simm.s32 $0x0;
	s26 =	sadd.s32 s5, s25  }
0x1b: {  	[tilespmem:s28], [sflag:$0x3] =	stream.linear.gather [hbm4b:s26+s28], $0x1400, $0x38;
	[tilespmem:$0x1E400] =	vst v63  }
0x1c: {  	_ =	swait.ge [sflag:s14], $0x1400  }
0x1d: {  	[sflag:s14] =	ssyncset.done $0x0  }
0x1e: {  	s25 =	sadd.s32 s6, s25;
	[sflag:s14] =	ssyncadd.s32 $0xFFFFEC00  }
0x1f: {  	[tilespmem:s15], [sflag:$0x3] =	stream.linear.gather [hbm4b:s25+s28], $0x1400, $0x38;
	[tilespmem:$0x1E400] =	vst v63  }
0x20: {  	_ =	swait.ge [sflag:s14], $0x1400  }
0x21: {  	[sflag:s14] =	ssyncset.done $0x0  }
0x22: {  	[sflag:s14] =	ssyncadd.s32 $0xFFFFEC00  }
0x23: {  	[tilespmem:s17], [sflag:$0x1] =	stream.indirect.gather [hbm4b:s4+s16], $0x80, s28, s16, $0xb8;
	[tilespmem:$0x1E400] =	vst v63  }
0x24: {  	_ =	swait.ge [sflag:s18], $0x4000  }
0x25: {  	[sflag:s18] =	ssyncset.done $0x0  }
0x26: {  	s28 =	simm.s32 $0x80;
	[sflag:s18] =	ssyncadd.s32 $0xFFFFC000  }
0x27: {  	[tilespmem:s19], [sflag:$0x2] =	stream.indirect.gather [hbm4b:s4+s16], $0x80, s28, s16, $0xb8;
	[tilespmem:$0x1E400] =	vst v63  }
0x28: {  	s29 =	simm.s32 $0x1400  }
0x29: {  	[spmem:s2] =	stream.indirect.scatter.add.f32 [tilespmem:s17], [sflag:$0x3], $0x80, s29, s16, $0xb8;
	[tilespmem:$0x1E400] =	vst v63  }
0x2a: {  	_ =	swait.ge [sflag:s14], $0x4000  }
0x2b: {  	[sflag:s14] =	ssyncset.done $0x0  }
0x2c: {  	[sflag:s14] =	ssyncadd.s32 $0xFFFFC000  }
0x2d: {  	_ =	swait.ge [sflag:s20], $0x4000  }
0x2e: {  	[sflag:s20] =	ssyncset.done $0x0  }
0x2f: {  	s30 =	simm.s32 $0x100;
	[sflag:s20] =	ssyncadd.s32 $0xFFFFC000  }
0x30: {  	[tilespmem:s17], [sflag:$0x1] =	stream.indirect.gather [hbm4b:s4+s16], $0x80, s30, s16, $0xb8;
	[tilespmem:$0x1E400] =	vst v63  }
0x31: {  	s31 =	simm.s32 $0x1480  }
0x32: {  	[spmem:s2] =	stream.indirect.scatter.add.f32 [tilespmem:s19], [sflag:$0x3], $0x80, s31, s16, $0xb8;
	[tilespmem:$0x1E400] =	vst v63  }
0x33: {  	_ =	swait.ge [sflag:s14], $0x4000  }
0x34: {  	s25 =	simm.s32 $0x400;
	[sflag:s14] =	ssyncset.done $0x0  }
.LBB2_3:
0x35: {  	p0 =	sne.s32 s25, $0x4800  }
0x36: {  	[sflag:s14] =	ssyncadd.s32 $0xFFFFC000;
	s26 =	smov.u32 s25;
	s25 =	sadd.s32 $0x400, s25  }
0x37: {  	_ = 	snop  }
0x38: {  	_ =	swait.ge [sflag:s18], $0x4000  }
0x39: {  	s26 =	sshra.s32 s26, $0x2;
	[sflag:s18] =	ssyncset.done $0x0  }
0x3a: {  	s28 =	sadd.s32 $0x80, s26;
	[sflag:s18] =	ssyncadd.s32 $0xFFFFC000  }
0x3b: {  	[tilespmem:s19], [sflag:$0x2] =	stream.indirect.gather [hbm4b:s4+s16], $0x80, s28, s16, $0xb8;
	[tilespmem:$0x1E400] =	vst v63  }
0x3c: {  	s28 =	sadd.s32 $0x1400, s26  }
0x3d: {  	[spmem:s2] =	stream.indirect.scatter.add.f32 [tilespmem:s17], [sflag:$0x3], $0x80, s28, s16, $0xb8;
	[tilespmem:$0x1E400] =	vst v63  }
0x3e: {  	_ =	swait.ge [sflag:s14], $0x4000  }
0x3f: {  	[sflag:s14] =	ssyncset.done $0x0  }
0x40: {  	[sflag:s14] =	ssyncadd.s32 $0xFFFFC000  }
0x41: {  	_ =	swait.ge [sflag:s20], $0x4000  }
0x42: {  	[sflag:s20] =	ssyncset.done $0x0  }
0x43: {  	s28 =	sadd.s32 $0x100, s26;
	[sflag:s20] =	ssyncadd.s32 $0xFFFFC000  }
0x44: {  	[tilespmem:s17], [sflag:$0x1] =	stream.indirect.gather [hbm4b:s4+s16], $0x80, s28, s16, $0xb8;
	[tilespmem:$0x1E400] =	vst v63  }
.Ltmp0:
0x45: {  	_ = 	snop;
	(pc) =	sbr.rel @p0 .LBB2_3-.Ltmp0, $4  }
0x46: {  	s26 =	sadd.s32 $0x1480, s26  }
0x47: {  	[spmem:s2] =	stream.indirect.scatter.add.f32 [tilespmem:s19], [sflag:$0x3], $0x80, s26, s16, $0xb8;
	[tilespmem:$0x1E400] =	vst v63  }
0x48: {  	_ =	swait.ge [sflag:s14], $0x4000  }
0x49: {  	[sflag:s14] =	ssyncset.done $0x0  }
0x4a: {  	[sflag:s14] =	ssyncadd.s32 $0xFFFFC000  }
0x4b: {  	_ =	swait.ge [sflag:s18], $0x4000  }
0x4c: {  	[sflag:s18] =	ssyncset.done $0x0  }
0x4d: {  	[sflag:s18] =	ssyncadd.s32 $0xFFFFC000  }
0x4e: {  	[tilespmem:s19], [sflag:$0x2] =	stream.indirect.gather [hbm4b:s4+s16], $0x80, s21, s16, $0xb8;
	[tilespmem:$0x1E400] =	vst v63  }
0x4f: {  	_ = 	snop  }
0x50: {  	[spmem:s2] =	stream.indirect.scatter.add.f32 [tilespmem:s17], [sflag:$0x3], $0x80, s22, s16, $0xb8;
	[tilespmem:$0x1E400] =	vst v63  }
0x51: {  	_ =	swait.ge [sflag:s14], $0x4000  }
0x52: {  	[sflag:s14] =	ssyncset.done $0x0  }
0x53: {  	[sflag:s14] =	ssyncadd.s32 $0xFFFFC000  }
0x54: {  	s24 =	sadd.s32 $0x1, s24;
	_ =	swait.ge [sflag:s20], $0x4000  }
0x55: {  	p0 =	sne.s32 s24, s10;
	[sflag:s20] =	ssyncset.done $0x0  }
.Ltmp1:
0x56: {  	[sflag:s20] =	ssyncadd.s32 $0xFFFFC000;
	(pc) =	sbr.rel @p0 .LBB2_2-.Ltmp1, $4  }
0x57: {  	[spmem:s2] =	stream.indirect.scatter.add.f32 [tilespmem:s19], [sflag:$0x3], $0x80, s23, s16, $0xb8;
	[tilespmem:$0x1E400] =	vst v63  }
0x58: {  	_ =	swait.ge [sflag:s14], $0x4000  }
0x59: {  	[sflag:s14] =	ssyncset.done $0x0  }
0x5a: {  	[sflag:s14] =	ssyncadd.s32 $0xFFFFC000  }
0x5b: {  	s3 =	sadd.s32 $0x1, s3  }
0x5c: {  	p0 =	sne.s32 s3, s12  }
.Ltmp2:
0x5d: {  	[bflag:$0x0] =	sbarrier.arrive $0xFFFF;
	(pc) =	sbr.rel @p0 .LBB2_1-.Ltmp2, $4  }
0x5e: {  	[hbm:s11], [sflag:s8] =	dma.local [spmem:s13], $0x2780  }
0x5f: {  	_ =	swait.ge [sflag:s14], $0x2780  }
0x60: {  	[sflag:s14] =	ssyncset.done $0x0  }
0x61: {  	[sflag:s14] =	ssyncadd.s32 $0xFFFFD880  }
0x62: {  	_ =	sfence.sel $0x180000  }
0x63: {  	[bflag:$0x0] =	sbarrier.arrive $0xFFFF  }
0x64: {  	p0 =	sne.s32 s1, $0x0;
	_ =	strace $0x9000004D  }
0x65: {  	s0 =	sadd.s32 @!p0 $0x100000, s0;
	[bflag:$0x2] =	sbarrier.arrive $0xFFFF  }
0x66: {  	[sflag:s0] =	ssyncadd.tile.s32 @!p0 $0x1;
	_ =	shalt  }
.Lfunc_end2:
_tile_overlayer_lowered:
.L_overlay_start_2:
0x67: {  	(tag) =	ssettag $0x2  }
0x68: {  	s0 =	rddreg [dreg:$0x0];
	s2 =	stileid.u32  }
0x69: {  	s1 =	rddreg [dreg:$0x1];
	p0 =	sne.s32 s2, $0x0  }
0x6a: {  	s3 =	rddreg [dreg:$0x2];
	[bflag:$0x3] =	sbarrier.arrive $0xFFFF;
	s2 =	simm.s32 @!p0 $0x1C03  }
0x6b: {  	[timem:s3], [sflag:s2] =	dma.local @!p0 [hbm:s0], s1  }
0x6c: {  	s0 =	simm.s32 @!p0 $0x3  }
0x6d: {  	_ =	swait.ge @!p0 [sflag:s0], s1  }
0x6e: {  	s1 =	ssub.s32 @!p0 $0x0, s1;
	[sflag:s0] =	ssyncset.done @!p0 $0x0  }
0x6f: {  	[sflag:s0] =	ssyncadd.s32 @!p0 s1  }
0x70: {  	[bflag:$0x3] =	sbarrier.arrive $0xFFFF  }
0x71: {  	_ =	shalt  }

// kernel: kernel.20.cloned.1.call-start
scs
__scs_entry_jumppad:
0x0: {  	(pc) =	sbr.rel $0x88, $3  }
0x1: {  	(tag) =	ssettag $0x0;
	lr =	simm.s32 $0x1  }
0x2: {  	[smem:$0x3F88] =	sst lr;
	_ =	strace $0xD0000000  }
0x3: {  	_ = 	snop  }
0x4: {  	_ = 	snop  }
0x5: {  	_ = 	snop  }
0x6: {  	_ = 	snop  }
0x7: {  	_ = 	snop  }
__scs_overlays_trampoline_lowered:
0x8: {  	[smem:$0x3F97] =	sst s0  }
0x9: {  	[smem:$0x3F98] =	sst s1  }
0xa: {  	[smem:$0x3F99] =	sst s2  }
0xb: {  	[smem:$0x3F9A] =	sst s3  }
0xc: {  	[smem:$0x3F9B] =	sst s4  }
0xd: {  	[smem:$0x3F9C] =	sst s5  }
0xe: {  	[smem:$0x3F9D] =	sst s6  }
0xf: {  	[smem:$0x3F9E] =	sst s7  }
0x10: {  	[smem:$0x3F9F] =	sst s8  }
0x11: {  	[smem:$0x3FA0] =	sst s9;
	s0 =	simm.s32 @!p0 $0x0  }
0x12: {  	s1 =	sld [smem:$0x3F86];
	s0 =	simm.s32 @p0 $0x1  }
0x13: {  	[smem:$0x3FA1] =	sst s0;
	s0 =	simm.s32 @!p1 $0x0  }
0x14: {  	s2 =	sld [smem:$0x3F85];
	s0 =	simm.s32 @p1 $0x1  }
0x15: {  	[smem:$0x3FA2] =	sst s0;
	s0 =	simm.s32 @!p2 $0x0  }
0x16: {  	s3 =	sld [smem:$0x3FDB];
	s0 =	simm.s32 @p2 $0x1  }
0x17: {  	s4 =	simm.s32 $0x1BF5;
	[smem:$0x3FA4] =	sst s0  }
0x18: {  	s0 =	sld [smem:$0x3F87];
	_ =	swait.ge [sflag:s4], $0x0  }
0x19: {  	s7 =	sld [smem:$0x3F88]  }
0x1a: {  	s8 =	sadd.s32 $0xFFFFE003, lr  }
0x1b: {  	s9 =	sadd.s32 $0xFFFFFEF7, lr;
	s5 =	simm.s32 $0xFFFFFFFF;
	p2 =	slt.u32 s8, $0xFFFFF086  }
0x1c: {  	p1 =	slt.u32 s9, $0xF7A;
	s5 =	simm.s32 @!p2 $0x0  }
0x1d: {  	s5 =	simm.s32 @p1 $0x1;
	p0 =	seq.s32 s7, s2  }
0x1e: {  	s7 =	smul.u32 @!p0 $0xF7A, s2;
	p2 =	seq.s32 @!p0 s5, $0x0  }
0x1f: {  	s9 =	smul.u32 $0xF7A, s1;
	s8 =	simm.s32 @!p0 $0x1BF5;
	p2 =	por !p2, p0  }
0x20: {  	[sflag:s8] =	ssyncset.s32 @!p0 $0xFFFFF086;
	s6 =	sadd.s32 @!p0 s3, s7;
	s7 =	simm.s32 @!p0 $0x108  }
0x21: {  	s3 =	sadd.s32 s3, s9;
	s6 =	sadd.s32 @!p0 $0x88, s6;
	s7 =	simm.s32 @p2 $0x1082  }
0x22: {  	[simem:s7], [sflag:s8] =	dma.local @!p0 [hbm:s6], $0xF7A  }
0x23: {  	s9 =	sor.u32 $0xD0000000, s2;
	s6 =	simm.s32 $0x108;
	_ =	swait.ge @!p0 [sflag:s8], $0x0  }
0x24: {  	s3 =	sadd.s32 $0x88, s3;
	s6 =	simm.s32 @!p1 $0x1082;
	[sflag:s4] =	ssyncset.s32 $0xFFFFF086  }
0x25: {  	[simem:s6], [sflag:s4] =	dma.local [hbm:s3], $0xF7A  }
0x26: {  	[smem:$0x3F88] =	sst s1;
	(tag) =	ssettag s2;
	_ =	strace s9  }
0x27: {  	s1 =	sld [smem:$0x3F98]  }
0x28: {  	s2 =	sld [smem:$0x3F99]  }
0x29: {  	s4 =	sld [smem:$0x3F9B]  }
0x2a: {  	p0 =	seq.s32 s5, $0x0;
	s5 =	sld [smem:$0x3F9C]  }
0x2b: {  	s6 =	sld [smem:$0x3F9D]  }
0x2c: {  	s7 =	sld [smem:$0x3F9E]  }
0x2d: {  	s3 =	simm.s32 $0x108;
	s8 =	sld [smem:$0x3F9F]  }
0x2e: {  	s3 =	simm.s32 @!p0 $0x1082;
	s9 =	sld [smem:$0x3FA0]  }
0x2f: {  	lr =	sadd.s32 s0, s3;
	s0 =	sld [smem:$0x3F97]  }
0x30: {  	s3 =	sld [smem:$0x3F9A]  }
0x31: {  	[smem:$0x3FA3] =	sst s10  }
0x32: {  	s10 =	sld [smem:$0x3FA1];
	_ =	sdelay $0x3  }
0x33: {  	p0 =	seq.s32 s10, $0x1;
	s10 =	sld [smem:$0x3FA3];
	_ =	sdelay $0x3  }
0x34: {  	[smem:$0x3FA3] =	sst s10  }
0x35: {  	s10 =	sld [smem:$0x3FA2];
	_ =	sdelay $0x3  }
0x36: {  	p1 =	seq.s32 s10, $0x1;
	s10 =	sld [smem:$0x3FA3];
	_ =	sdelay $0x3  }
0x37: {  	[smem:$0x3FA3] =	sst s10  }
0x38: {  	s10 =	sld [smem:$0x3FA4]  }
0x39: {  	_ = 	snop;
	(pc) =	sbr.ind lr, $3  }
0x3a: {  	_ = 	snop  }
0x3b: {  	_ = 	snop  }
0x3c: {  	p2 =	seq.s32 s10, $0x1;
	s10 =	sld [smem:$0x3FA3]  }
0x3d: {  	_ =	shalt  }
0x3e: {  	_ =	shalt  }
0x3f: {  	_ =	shalt  }
0x40: {  	_ =	shalt  }
0x41: {  	_ =	shalt  }
0x42: {  	_ =	shalt  }
0x43: {  	_ =	shalt  }
0x44: {  	_ =	shalt  }
0x45: {  	_ =	shalt  }
0x46: {  	_ =	shalt  }
0x47: {  	_ =	shalt  }
0x48: {  	_ =	shalt  }
0x49: {  	_ =	shalt  }
0x4a: {  	_ =	shalt  }
0x4b: {  	_ =	shalt  }
0x4c: {  	_ =	shalt  }
0x4d: {  	_ =	shalt  }
0x4e: {  	_ =	shalt  }
0x4f: {  	_ =	shalt  }
0x50: {  	_ =	shalt  }
0x51: {  	_ =	shalt  }
0x52: {  	_ =	shalt  }
0x53: {  	_ =	shalt  }
0x54: {  	_ =	shalt  }
0x55: {  	_ =	shalt  }
0x56: {  	_ =	shalt  }
0x57: {  	_ =	shalt  }
0x58: {  	_ =	shalt  }
0x59: {  	_ =	shalt  }
0x5a: {  	_ =	shalt  }
0x5b: {  	_ =	shalt  }
0x5c: {  	_ =	shalt  }
0x5d: {  	_ =	shalt  }
0x5e: {  	_ =	shalt  }
0x5f: {  	_ =	shalt  }
0x60: {  	_ =	shalt  }
0x61: {  	_ =	shalt  }
0x62: {  	_ =	shalt  }
0x63: {  	_ =	shalt  }
0x64: {  	_ =	shalt  }
0x65: {  	_ =	shalt  }
0x66: {  	_ =	shalt  }
0x67: {  	_ =	shalt  }
0x68: {  	_ =	shalt  }
0x69: {  	_ =	shalt  }
0x6a: {  	_ =	shalt  }
0x6b: {  	_ =	shalt  }
0x6c: {  	_ =	shalt  }
0x6d: {  	_ =	shalt  }
0x6e: {  	_ =	shalt  }
0x6f: {  	_ =	shalt  }
0x70: {  	_ =	shalt  }
0x71: {  	_ =	shalt  }
0x72: {  	_ =	shalt  }
0x73: {  	_ =	shalt  }
0x74: {  	_ =	shalt  }
0x75: {  	_ =	shalt  }
0x76: {  	_ =	shalt  }
0x77: {  	_ =	shalt  }
0x78: {  	_ =	shalt  }
0x79: {  	_ =	shalt  }
0x7a: {  	_ =	shalt  }
0x7b: {  	_ =	shalt  }
0x7c: {  	_ =	shalt  }
0x7d: {  	_ =	shalt  }
0x7e: {  	_ =	shalt  }
0x7f: {  	_ =	shalt  }
0x80: {  	_ =	shalt  }
0x81: {  	_ =	shalt  }
0x82: {  	_ =	shalt  }
0x83: {  	_ =	shalt  }
0x84: {  	_ =	shalt  }
0x85: {  	_ =	shalt  }
0x86: {  	_ =	shalt  }
0x87: {  	_ =	shalt  }
.Lfunc_end0:
.L_simem_size_0:
called_computation.3_lowered:
.L_overlay_start_0:
0x88: {  	s2 =	sld [smem:$0x3FD9]  }
0x89: {  	s3 =	sld [smem:$0x3FFE];
	_ =	sdelay $0x1  }
0x8a: {  	s1 =	srdreg.scid  }
0x8b: {  	s0 =	sand.u32 $0x1, s1  }
0x8c: {  	s16 =	sshll.u32 s0, $0xA;
	s2 =	sadd.s32 s3, s2  }
0x8d: {  	s2 =	sadd.s32 s2, s16  }
0x8e: {  	[smem:$0x3FAF] =	sst s2  }
0x8f: {  	_ = 	snop  }
0x90: {  	(tm) =	ssettm $0x1  }
0x91: {  	s17 =	sld [smem:$0x3FFB];
	_ =	sdelay $0x3  }
0x92: {  	_ =	strace s17  }
0x93: {  	s2 =	sld [smem:$0x3FFC];
	_ =	sdelay $0x3  }
0x94: {  	_ =	strace s2  }
0x95: {  	s2 =	sld [smem:$0x3FFD];
	_ =	sdelay $0x3  }
0x96: {  	_ =	strace s2  }
0x97: {  	_ =	strace $0x8FFFFFFF  }
0x98: {  	s18 =	sld [smem:$0x3FDB];
	_ =	sdelay $0x1  }
0x99: {  	s19 =	simm.s32 $_scs_section_size  }
0x9a: {  	s4 =	simm.s32 $_size__tile_overlayer_lowered;
	s5 =	simm.s32 $_tile_overlayer_lowered  }
0x9b: {  	s22 =	simm.s32 $0x1BFF;
	s21 =	sshll.u32 s5, $0x1;
	s2 =	sadd.s32 s19, s18  }
0x9c: {  	s6 =	simm.s32 $0x0;
	s20 =	sshll.u32 s4, $0x1;
	s4 =	sadd.s32 s21, s2  }
0x9d: {  	[timem:s6], [sflag:s22] =	dma.local [hbm:s4], s20  }
0x9e: {  	_ =	swait.ge [sflag:s22], s20  }
0x9f: {  	s3 =	ssub.s32 $0x0, s20;
	[sflag:s22] =	ssyncset.done $0x0  }
0xa0: {  	[sflag:s22] =	ssyncadd.s32 s3;
	_ =	sdelay $0x1  }
0xa1: {  	s23 =	simm.s32 $0x1B8B  }
0xa2: {  	_ =	swait.ge [sflag:s23], $0x1  }
0xa3: {  	[sflag:s23] =	ssyncset.done $0x0  }
0xa4: {  	s25 =	simm.s32 $0x1B8E;
	s24 =	sld [smem:$0x3FFE];
	[sflag:s23] =	ssyncadd.s32 $0xFFFFFFFF  }
0xa5: {  	s26 =	simm.s32 $execute0_lowered;
	[smem:$0x3FD2] =	sst s25  }
0xa6: {  	s4 =	sshll.u32 s26, $0x1;
	_ =	strace $0x8000004F;
	[dreg:$0x1] =	wrdreg $0xFFFFFFFF  }
0xa7: {  	s28 =	simm.s32 $_size_execute0_lowered;
	s2 =	sadd.s32 s2, s4;
	[dreg:$0x0] =	wrdreg $0x0  }
0xa8: {  	s4 =	sshll.u32 s28, $0x1;
	[dreg:$0x2] =	wrdreg s2  }
0xa9: {  	[dreg:$0x3] =	wrdreg s4  }
0xaa: {  	[dreg:$0x4] =	wrdreg $0xC0  }
0xab: {  	_ =	task [dreg:s6], $0x5FFFF  }
0xac: {  	[dreg:$0x1] =	wrdreg $0xFFFFFFFF  }
0xad: {  	[dreg:$0x0] =	wrdreg $0x60  }
0xae: {  	[dreg:$0x2] =	wrdreg s24  }
0xaf: {  	[dreg:$0x3] =	wrdreg $0xA8000  }
0xb0: {  	[dreg:$0x4] =	wrdreg $0x9  }
0xb1: {  	_ =	task.clear_ibuf [dreg:s6], $0x5FFFF;
	_ =	strace $0x9000004F  }
0xb2: {  	s29 =	simm.s32 $0x9;
	_ =	strace $0x80000051  }
0xb3: {  	_ =	swait.ge [sflag:s29], $0x1  }
0xb4: {  	[sflag:s29] =	ssyncadd.s32 $0xFFFFFFFF  }
0xb5: {  	_ =	strace $0x90000051  }
0xb6: {  	_ =	sfence  }
0xb7: {  	s30 =	sld [smem:$0x0];
	_ =	sdelay $0x2  }
0xb8: {  	s31 =	sshll.u32 s1, $0xD;
	s1 =	sshrl.u32 s1, $0x2  }
0xb9: {  	s3 =	sand.u32 $0x4000, s31;
	s1 =	sadd.s32 s1, s30  }
0xba: {  	s0 =	sor.u32 s3, s0;
	s1 =	sshll.u32 s1, $0x11  }
0xbb: {  	s0 =	sor.u32 s1, s0  }
0xbc: {  	s0 =	sadd.s32 $0x8F2B, s0  }
0xbd: {  	[sflag:s0] =	ssyncadd.remote.s32 $0x1  }
0xbe: {  	_ =	sfence.sel $0xFFFF  }
0xbf: {  	[dreg:$0x0] =	wrdreg $0xFFFFFFFF;
	(pc) =	sbr.abs _section_cstart, $3  }
0xc0: {  	[dreg:$0x1] =	wrdreg $0xFFFFFFFF  }
0xc1: {  	_ =	task.clear_ibuf [dreg:s6], $0x2FFFF;
	_ =	strace $0x9FFFFFFF  }
0xc2: {  	(tm) =	ssettm $0x7FFFFFFF  }
0xc3: {  	_ =	shalt  }
tec
execute0_lowered:
.L_overlay_start_1:
0x0: {  	(tag) =	ssettag $0x1  }
0x1: {  	s7 =	rddreg [dreg:$0x0]  }
0x2: {  	s2 =	rddreg [dreg:$0x1]  }
0x3: {  	s0 =	rddreg [dreg:$0x2];
	s3 =	simm.s32 $0x0;
	s1 =	stileid.u32  }
0x4: {  	s4 =	srdreg.scid;
	s13 =	simm.s32 $0x78;
	s16 =	simm.s32 $0x80  }
0x5: {  	s17 =	simm.s32 $0x2800;
	s18 =	simm.s32 $0x1;
	s19 =	simm.s32 $0x6800  }
0x6: {  	s20 =	simm.s32 $0x2;
	s21 =	simm.s32 $0x1380;
	s22 =	simm.s32 $0x2700  }
0x7: {  	s23 =	simm.s32 $0x2780;
	[smem:$0x7FF] =	sst s3;
	s8 =	smul.u32 $0x2780, s1  }
0x8: {  	s9 =	sand.u32 $0x1, s4;
	s4 =	sadd.s32 $0x91600, s7;
	s5 =	sadd.s32 $0x6600, s7  }
0x9: {  	s6 =	sadd.s32 $0x10600, s7;
	s12 =	smul.u32 $0x4F000, s1;
	s29 =	sshll.u32 s1, $0x6  }
0xa: {  	_ =	strace $0x80000050;
	s10 =	smul.u32 $0x27800, s9;
	s25 =	ssub.s32 $0x2, s9  }
0xb: {  	p0 =	seq.s32 s9, $0x0;
	s9 =	smul.u32 $0x780, s9;
	s11 =	sadd.s32 s8, s7  }
0xc: {  	s14 =	sshrl.u32 s25, $0x1;
	s13 =	simm.s32 @!p0 $0x28;
	s28 =	sshrl.u32 s12, $0x2  }
0xd: {  	s8 =	sadd.s32 s8, s10;
	s14 =	ssub.s32 s25, s14;
	s26 =	smul.u32 s1, s13  }
0xe: {  	s30 =	smul.u32 $0x67, s13;
	s31 =	sadd.s32 s28, s2;
	s15 =	sadd.s32 s8, s7  }
0xf: {  	s7 =	sadd.s32 $0x1A600, s11;
	s8 =	sor.u32 $0x1C03, s29;
	s12 =	smax.u32 s14, $0x1  }
0x10: {  	s13 =	sshrl.u32 s31, $0x3;
	s14 =	simm.s32 $0x3;
	s9 =	sadd.s32 s9, s26  }
0x11: {  	s10 =	sshrl.u32 s30, $0xC;
	s11 =	sadd.s32 $0xB8800, s15;
	s15 =	simm.s32 $0x1400  }
.LBB2_1:
0x12: {  	[spmem:s13], [sflag:s8] =	dma.local [hbm:s7], $0x2780  }
0x13: {  	_ =	swait.ge [sflag:s14], $0x2780  }
0x14: {  	[sflag:s14] =	ssyncset.done $0x0  }
0x15: {  	[sflag:s14] =	ssyncadd.s32 $0xFFFFD880  }
0x16: {  	s24 =	simm.s32 $0x0;
	[bflag:$0x0] =	sbarrier.arrive $0xFFFF  }
.LBB2_2:
0x17: {  	s25 =	smul.u32 $0x28, s24;
	_ =	sdelay $0x1  }
0x18: {  	s25 =	sadd.s32 s25, s9  }
0x19: {  	s25 =	sshll.u32 s25, $0x4  }
0x1a: {  	s28 =	simm.s32 $0x0;
	s26 =	sadd.s32 s5, s25  }
0x1b: {  	[tilespmem:s28], [sflag:$0x3] =	stream.linear.gather [hbm4b:s26+s28], $0x1400, $0x38;
	[tilespmem:$0x1E400] =	vst v63  }
0x1c: {  	_ =	swait.ge [sflag:s14], $0x1400  }
0x1d: {  	[sflag:s14] =	ssyncset.done $0x0  }
0x1e: {  	s25 =	sadd.s32 s6, s25;
	[sflag:s14] =	ssyncadd.s32 $0xFFFFEC00  }
0x1f: {  	[tilespmem:s15], [sflag:$0x3] =	stream.linear.gather [hbm4b:s25+s28], $0x1400, $0x38;
	[tilespmem:$0x1E400] =	vst v63  }
0x20: {  	_ =	swait.ge [sflag:s14], $0x1400  }
0x21: {  	[sflag:s14] =	ssyncset.done $0x0  }
0x22: {  	[sflag:s14] =	ssyncadd.s32 $0xFFFFEC00  }
0x23: {  	[tilespmem:s17], [sflag:$0x1] =	stream.indirect.gather [hbm4b:s4+s16], $0x80, s28, s16, $0xb8;
	[tilespmem:$0x1E400] =	vst v63  }
0x24: {  	_ =	swait.ge [sflag:s18], $0x4000  }
0x25: {  	[sflag:s18] =	ssyncset.done $0x0  }
0x26: {  	s28 =	simm.s32 $0x80;
	[sflag:s18] =	ssyncadd.s32 $0xFFFFC000  }
0x27: {  	[tilespmem:s19], [sflag:$0x2] =	stream.indirect.gather [hbm4b:s4+s16], $0x80, s28, s16, $0xb8;
	[tilespmem:$0x1E400] =	vst v63  }
0x28: {  	s29 =	simm.s32 $0x1400  }
0x29: {  	[spmem:s2] =	stream.indirect.scatter.add.f32 [tilespmem:s17], [sflag:$0x3], $0x80, s29, s16, $0xb8;
	[tilespmem:$0x1E400] =	vst v63  }
0x2a: {  	_ =	swait.ge [sflag:s14], $0x4000  }
0x2b: {  	[sflag:s14] =	ssyncset.done $0x0  }
0x2c: {  	[sflag:s14] =	ssyncadd.s32 $0xFFFFC000  }
0x2d: {  	_ =	swait.ge [sflag:s20], $0x4000  }
0x2e: {  	[sflag:s20] =	ssyncset.done $0x0  }
0x2f: {  	s30 =	simm.s32 $0x100;
	[sflag:s20] =	ssyncadd.s32 $0xFFFFC000  }
0x30: {  	[tilespmem:s17], [sflag:$0x1] =	stream.indirect.gather [hbm4b:s4+s16], $0x80, s30, s16, $0xb8;
	[tilespmem:$0x1E400] =	vst v63  }
0x31: {  	s31 =	simm.s32 $0x1480  }
0x32: {  	[spmem:s2] =	stream.indirect.scatter.add.f32 [tilespmem:s19], [sflag:$0x3], $0x80, s31, s16, $0xb8;
	[tilespmem:$0x1E400] =	vst v63  }
0x33: {  	_ =	swait.ge [sflag:s14], $0x4000  }
0x34: {  	s25 =	simm.s32 $0x400;
	[sflag:s14] =	ssyncset.done $0x0  }
.LBB2_3:
0x35: {  	p0 =	sne.s32 s25, $0x4800  }
0x36: {  	[sflag:s14] =	ssyncadd.s32 $0xFFFFC000;
	s26 =	smov.u32 s25;
	s25 =	sadd.s32 $0x400, s25  }
0x37: {  	_ = 	snop  }
0x38: {  	_ =	swait.ge [sflag:s18], $0x4000  }
0x39: {  	s26 =	sshra.s32 s26, $0x2;
	[sflag:s18] =	ssyncset.done $0x0  }
0x3a: {  	s28 =	sadd.s32 $0x80, s26;
	[sflag:s18] =	ssyncadd.s32 $0xFFFFC000  }
0x3b: {  	[tilespmem:s19], [sflag:$0x2] =	stream.indirect.gather [hbm4b:s4+s16], $0x80, s28, s16, $0xb8;
	[tilespmem:$0x1E400] =	vst v63  }
0x3c: {  	s28 =	sadd.s32 $0x1400, s26  }
0x3d: {  	[spmem:s2] =	stream.indirect.scatter.add.f32 [tilespmem:s17], [sflag:$0x3], $0x80, s28, s16, $0xb8;
	[tilespmem:$0x1E400] =	vst v63  }
0x3e: {  	_ =	swait.ge [sflag:s14], $0x4000  }
0x3f: {  	[sflag:s14] =	ssyncset.done $0x0  }
0x40: {  	[sflag:s14] =	ssyncadd.s32 $0xFFFFC000  }
0x41: {  	_ =	swait.ge [sflag:s20], $0x4000  }
0x42: {  	[sflag:s20] =	ssyncset.done $0x0  }
0x43: {  	s28 =	sadd.s32 $0x100, s26;
	[sflag:s20] =	ssyncadd.s32 $0xFFFFC000  }
0x44: {  	[tilespmem:s17], [sflag:$0x1] =	stream.indirect.gather [hbm4b:s4+s16], $0x80, s28, s16, $0xb8;
	[tilespmem:$0x1E400] =	vst v63  }
.Ltmp0:
0x45: {  	_ = 	snop;
	(pc) =	sbr.rel @p0 .LBB2_3-.Ltmp0, $4  }
0x46: {  	s26 =	sadd.s32 $0x1480, s26  }
0x47: {  	[spmem:s2] =	stream.indirect.scatter.add.f32 [tilespmem:s19], [sflag:$0x3], $0x80, s26, s16, $0xb8;
	[tilespmem:$0x1E400] =	vst v63  }
0x48: {  	_ =	swait.ge [sflag:s14], $0x4000  }
0x49: {  	[sflag:s14] =	ssyncset.done $0x0  }
0x4a: {  	[sflag:s14] =	ssyncadd.s32 $0xFFFFC000  }
0x4b: {  	_ =	swait.ge [sflag:s18], $0x4000  }
0x4c: {  	[sflag:s18] =	ssyncset.done $0x0  }
0x4d: {  	[sflag:s18] =	ssyncadd.s32 $0xFFFFC000  }
0x4e: {  	[tilespmem:s19], [sflag:$0x2] =	stream.indirect.gather [hbm4b:s4+s16], $0x80, s21, s16, $0xb8;
	[tilespmem:$0x1E400] =	vst v63  }
0x4f: {  	_ = 	snop  }
0x50: {  	[spmem:s2] =	stream.indirect.scatter.add.f32 [tilespmem:s17], [sflag:$0x3], $0x80, s22, s16, $0xb8;
	[tilespmem:$0x1E400] =	vst v63  }
0x51: {  	_ =	swait.ge [sflag:s14], $0x4000  }
0x52: {  	[sflag:s14] =	ssyncset.done $0x0  }
0x53: {  	[sflag:s14] =	ssyncadd.s32 $0xFFFFC000  }
0x54: {  	s24 =	sadd.s32 $0x1, s24;
	_ =	swait.ge [sflag:s20], $0x4000  }
0x55: {  	p0 =	sne.s32 s24, s10;
	[sflag:s20] =	ssyncset.done $0x0  }
.Ltmp1:
0x56: {  	[sflag:s20] =	ssyncadd.s32 $0xFFFFC000;
	(pc) =	sbr.rel @p0 .LBB2_2-.Ltmp1, $4  }
0x57: {  	[spmem:s2] =	stream.indirect.scatter.add.f32 [tilespmem:s19], [sflag:$0x3], $0x80, s23, s16, $0xb8;
	[tilespmem:$0x1E400] =	vst v63  }
0x58: {  	_ =	swait.ge [sflag:s14], $0x4000  }
0x59: {  	[sflag:s14] =	ssyncset.done $0x0  }
0x5a: {  	[sflag:s14] =	ssyncadd.s32 $0xFFFFC000  }
0x5b: {  	s3 =	sadd.s32 $0x1, s3  }
0x5c: {  	p0 =	sne.s32 s3, s12  }
.Ltmp2:
0x5d: {  	[bflag:$0x0] =	sbarrier.arrive $0xFFFF;
	(pc) =	sbr.rel @p0 .LBB2_1-.Ltmp2, $4  }
0x5e: {  	[hbm:s11], [sflag:s8] =	dma.local [spmem:s13], $0x2780  }
0x5f: {  	_ =	swait.ge [sflag:s14], $0x2780  }
0x60: {  	[sflag:s14] =	ssyncset.done $0x0  }
0x61: {  	[sflag:s14] =	ssyncadd.s32 $0xFFFFD880  }
0x62: {  	_ =	sfence.sel $0x180000  }
0x63: {  	[bflag:$0x0] =	sbarrier.arrive $0xFFFF  }
0x64: {  	p0 =	sne.s32 s1, $0x0;
	_ =	strace $0x90000050  }
0x65: {  	s0 =	sadd.s32 @!p0 $0x100000, s0;
	[bflag:$0x2] =	sbarrier.arrive $0xFFFF  }
0x66: {  	[sflag:s0] =	ssyncadd.tile.s32 @!p0 $0x1;
	_ =	shalt  }
.Lfunc_end2:
_tile_overlayer_lowered:
.L_overlay_start_2:
0x67: {  	(tag) =	ssettag $0x2  }
0x68: {  	s0 =	rddreg [dreg:$0x0];
	s2 =	stileid.u32  }
0x69: {  	s1 =	rddreg [dreg:$0x1];
	p0 =	sne.s32 s2, $0x0  }
0x6a: {  	s3 =	rddreg [dreg:$0x2];
	[bflag:$0x3] =	sbarrier.arrive $0xFFFF;
	s2 =	simm.s32 @!p0 $0x1C03  }
0x6b: {  	[timem:s3], [sflag:s2] =	dma.local @!p0 [hbm:s0], s1  }
0x6c: {  	s0 =	simm.s32 @!p0 $0x3  }
0x6d: {  	_ =	swait.ge @!p0 [sflag:s0], s1  }
0x6e: {  	s1 =	ssub.s32 @!p0 $0x0, s1;
	[sflag:s0] =	ssyncset.done @!p0 $0x0  }
0x6f: {  	[sflag:s0] =	ssyncadd.s32 @!p0 s1  }
0x70: {  	[bflag:$0x3] =	sbarrier.arrive $0xFFFF  }
0x71: {  	_ =	shalt  }

</sc_bundles>
